<compile_context>
chip_gen: v7x
topology: tpu7x:2x2x1
jax: 0.10.2.dev20260603
libtpu: 0.0.44.dev20260713+nightly
codegen_flags: <defaults>
</compile_context>

<pallas_src>
import functools

import jax
import jax.numpy as jnp
from jax import lax
from jax.experimental import pallas as pl
from jax.experimental.pallas import tpu as pltpu
from jax.experimental.pallas import tpu_sc as plsc

N_NODES = 10000
N_EDGES = 320000
NUM_GRAPHS = 64
EPS = 1e-5
NEG_SLOPE = 0.01

_NC = 2
_NS = 16
_NW = _NC * _NS
_RPT = 312
_LAST_RPT = N_NODES - (_NW - 1) * _RPT
_SCROWS = _NS * _RPT
_TRASH = 5008
_ACCROWS = 5016
_ECHUNK = 512
_NCHUNKS = N_EDGES // _ECHUNK
_VPC = _ECHUNK // 16
_STAGE = 1024
_FLUSH_AT = _STAGE - 16
_LCAP = 327680
_GCHUNK = 64


def _sc_mesh():
  return plsc.VectorSubcoreMesh(core_axis_name="c", subcore_axis_name="s")


@functools.lru_cache(maxsize=None)
def _make_sc_scan():

  @functools.partial(
      pl.kernel,
      mesh=_sc_mesh(),
      compiler_params=pltpu.CompilerParams(needs_layout_passes=False),
      out_type=[
          jax.ShapeDtypeStruct((_NW * _LCAP,), jnp.int32),
          jax.ShapeDtypeStruct((_NW * _LCAP,), jnp.int32),
          jax.ShapeDtypeStruct((_NW * 16,), jnp.int32),
      ],
      scratch_types=[
          pltpu.VMEM((_ECHUNK,), jnp.int32),
          pltpu.VMEM((_ECHUNK,), jnp.int32),
          pltpu.VMEM((_STAGE,), jnp.int32),
          pltpu.VMEM((_STAGE,), jnp.int32),
          pltpu.VMEM((16,), jnp.int32),
          pltpu.SMEM((2,), jnp.int32),
      ],
  )
  def scan(src_hbm, dst_hbm, lsrc_hbm, ldst_hbm, cnt_hbm,
           srcv, dstv, st_s, st_d, cntv, state):
    cid = lax.axis_index("c")
    sid = lax.axis_index("s")
    wid = cid * _NS + sid
    lo = wid * _RPT
    hi = jnp.where(wid == _NW - 1, N_NODES, lo + _RPT)
    sc_base = cid * _SCROWS
    lbase = wid * _LCAP

    zeros16 = jnp.zeros((16,), jnp.int32)
    trash16 = jnp.full((16,), _TRASH, jnp.int32)

    def fill_stage():
      def body(k, c):
        kk = pl.multiple_of(k * 16, 16)
        st_s[pl.ds(kk, 16)] = zeros16
        st_d[pl.ds(kk, 16)] = trash16
        return c
      lax.fori_loop(0, _STAGE // 16, body, 0)

    def flush():
      o = pl.multiple_of(lbase + state[1], _STAGE)
      pltpu.sync_copy(st_s, lsrc_hbm.at[pl.ds(o, _STAGE)])
      pltpu.sync_copy(st_d, ldst_hbm.at[pl.ds(o, _STAGE)])
      fill_stage()
      state[1] = state[1] + _STAGE
      state[0] = 0

    fill_stage()
    state[0] = 0
    state[1] = 0

    def chunk_body(c, carry):
      cc = pl.multiple_of(c * _ECHUNK, _ECHUNK)
      pltpu.sync_copy(src_hbm.at[pl.ds(cc, _ECHUNK)], srcv)
      pltpu.sync_copy(dst_hbm.at[pl.ds(cc, _ECHUNK)], dstv)

      def vreg_body(i, carry2):
        @pl.when(state[0] >= _FLUSH_AT)
        def _():
          flush()

        n2 = state[0]
        ii = pl.multiple_of(i * 16, 16)
        s16 = srcv[pl.ds(ii, 16)]
        d16 = dstv[pl.ds(ii, 16)]
        lo_v = jnp.full((16,), lo, jnp.int32)
        hi_v = jnp.full((16,), hi, jnp.int32)
        m = jnp.logical_and(d16 >= lo_v, d16 < hi_v)
        one = jnp.full((16,), 1, jnp.int32)
        zero16i = jnp.full((16,), 0, jnp.int32)
        mi = jnp.where(m, one, zero16i)
        cnt = jnp.sum(mi)
        pos = jnp.full((16,), n2, jnp.int32) + plsc.cumsum(mi) - one
        scb = jnp.full((16,), sc_base, jnp.int32)
        plsc.store_scatter(st_s, [pos], s16, mask=m)
        plsc.store_scatter(st_d, [pos], d16 - scb, mask=m)
        state[0] = n2 + cnt
        return carry2

      return lax.fori_loop(0, _VPC, vreg_body, carry)

    lax.fori_loop(0, _NCHUNKS, chunk_body, 0)
    flush()
    cntv[...] = jnp.full((16,), state[1] // _GCHUNK, jnp.int32)
    pltpu.sync_copy(cntv, cnt_hbm.at[pl.ds(pl.multiple_of(wid * 16, 16), 16)])

  return scan


@functools.lru_cache(maxsize=None)
def _make_sc_agg():

  @functools.partial(
      pl.kernel,
      mesh=_sc_mesh(),
      compiler_params=pltpu.CompilerParams(needs_layout_passes=False),
      out_type=jax.ShapeDtypeStruct((N_NODES, 128), jnp.float32),
      scratch_types=[
          pltpu.VMEM((_GCHUNK,), jnp.int32),
          pltpu.VMEM((_GCHUNK,), jnp.int32),
          pltpu.VMEM((16,), jnp.int32),
          pltpu.VMEM((_GCHUNK, 128), jnp.float32),
          pltpu.VMEM_SHARED((_ACCROWS, 128), jnp.float32),
          pltpu.SemaphoreType.DMA,
      ],
  )
  def agg(h_hbm, lsrc_hbm, ldst_hbm, cnt_hbm, zero_hbm, out_hbm,
          gidx, sidx, cntv, rows, acc, sem):
    cid = lax.axis_index("c")
    sid = lax.axis_index("s")
    wid = cid * _NS + sid
    lbase = wid * _LCAP
    rbase = sid * _RPT

    @pl.when(wid < _NW - 1)
    def _():
      pltpu.sync_copy(zero_hbm.at[pl.ds(0, _RPT)], acc.at[pl.ds(rbase, _RPT)])

    @pl.when(wid == _NW - 1)
    def _():
      pltpu.sync_copy(zero_hbm.at[pl.ds(0, _LAST_RPT)],
                      acc.at[pl.ds(rbase, _LAST_RPT)])

    @pl.when(sid == 0)
    def _():
      pltpu.sync_copy(zero_hbm.at[pl.ds(0, 8)], acc.at[pl.ds(_TRASH, 8)])

    plsc.subcore_barrier()

    pltpu.sync_copy(cnt_hbm.at[pl.ds(pl.multiple_of(wid * 16, 16), 16)], cntv)
    nchunks = cntv[...][0]

    def body(c, carry):
      off = pl.multiple_of(lbase + c * _GCHUNK, _GCHUNK)
      pltpu.sync_copy(lsrc_hbm.at[pl.ds(off, _GCHUNK)], gidx)
      pltpu.sync_copy(ldst_hbm.at[pl.ds(off, _GCHUNK)], sidx)
      pltpu.async_copy(h_hbm.at[gidx], rows, sem).wait()
      pltpu.sync_copy(rows, acc.at[sidx], add=True)
      return carry

    lax.fori_loop(0, nchunks, body, 0)

    plsc.subcore_barrier()

    gbase = wid * _RPT

    @pl.when(wid < _NW - 1)
    def _():
      pltpu.sync_copy(acc.at[pl.ds(rbase, _RPT)],
                      out_hbm.at[pl.ds(gbase, _RPT)])

    @pl.when(wid == _NW - 1)
    def _():
      pltpu.sync_copy(acc.at[pl.ds(rbase, _LAST_RPT)],
                      out_hbm.at[pl.ds(gbase, _LAST_RPT)])

  return agg


def _leaky(x):
  return jnp.where(x >= 0, x, NEG_SLOPE * x)


def _matmul_t(a, w):
  return lax.dot_general(a, w, (((1,), (1,)), ((), ())))


def _tc_pre_body(c_in, agg_ref, h_ref, wrel_ref, brel_ref, wroot_ref,
                 wlin_ref, blin_ref, out_ref):
  agg = agg_ref[:, :c_in]
  h = h_ref[:, :c_in]
  t = _matmul_t(agg, wrel_ref[...]) + brel_ref[...] + _matmul_t(h, wroot_ref[...])
  t = _leaky(t)
  out_ref[...] = _matmul_t(t, wlin_ref[...]) + blin_ref[...]


def _tc_pre(agg, h, lp):
  c_in = lp['W_rel'].shape[1]
  c_out = lp['W_rel'].shape[0]
  return pl.pallas_call(
      functools.partial(_tc_pre_body, c_in),
      out_shape=jax.ShapeDtypeStruct((N_NODES, c_out), jnp.float32),
      compiler_params=pltpu.CompilerParams(vmem_limit_bytes=120 * 1024 * 1024),
  )(agg, h, lp['W_rel'], lp['b_rel'].reshape(1, -1), lp['W_root'],
    lp['W_lin'], lp['b_lin'].reshape(1, -1))


def _tc_post_body(pad_out, u_ref, m_ref, v_ref, g_ref, b_ref, out_ref):
  hh = ((u_ref[...] - m_ref[...]) * lax.rsqrt(v_ref[...] + EPS)
        * g_ref[...] + b_ref[...])
  res = _leaky(hh)
  if pad_out:
    res = jnp.concatenate(
        [res, jnp.zeros((N_NODES, pad_out), jnp.float32)], axis=1)
  out_ref[...] = res


def _tc_post(u, m, v, lp):
  c_out = u.shape[1]
  out_w = max(c_out, 128)
  return pl.pallas_call(
      functools.partial(_tc_post_body, out_w - c_out),
      out_shape=jax.ShapeDtypeStruct((N_NODES, out_w), jnp.float32),
      compiler_params=pltpu.CompilerParams(vmem_limit_bytes=120 * 1024 * 1024),
  )(u, m.reshape(1, -1), v.reshape(1, -1), lp['bn_g'].reshape(1, -1),
    lp['bn_b'].reshape(1, -1))


def _tc_pool_body(h_ref, batch_ref, w_ref, b_ref, out_ref):
  h = h_ref[...]
  b = batch_ref[...]
  gids = lax.broadcasted_iota(jnp.int32, (NUM_GRAPHS, N_NODES), 0)
  oh = (gids == b).astype(jnp.float32)
  sums = jnp.dot(oh, h, precision=lax.Precision.HIGHEST)
  cnt = jnp.sum(oh, axis=1, keepdims=True)
  z = sums / jnp.maximum(cnt, 1.0)
  out_ref[...] = _matmul_t(z, w_ref[...]) + b_ref[...]


def _tc_pool(h, batch32, lin0):
  return pl.pallas_call(
      _tc_pool_body,
      out_shape=jax.ShapeDtypeStruct((NUM_GRAPHS, lin0['W'].shape[0]),
                                     jnp.float32),
      compiler_params=pltpu.CompilerParams(vmem_limit_bytes=120 * 1024 * 1024),
  )(h, batch32, lin0['W'], lin0['b'].reshape(1, -1))


def _tc_mlp_body(z_ref, m_ref, v_ref, g_ref, b_ref, w_ref, bb_ref, out_ref):
  zn = ((z_ref[...] - m_ref[...]) * lax.rsqrt(v_ref[...] + EPS)
        * g_ref[...] + b_ref[...])
  zn = jnp.maximum(zn, 0.0)
  out_ref[...] = _matmul_t(zn, w_ref[...]) + bb_ref[...]


def _tc_mlp(z, m, v, bn, lin):
  return pl.pallas_call(
      _tc_mlp_body,
      out_shape=jax.ShapeDtypeStruct((NUM_GRAPHS, lin['W'].shape[0]),
                                     jnp.float32),
  )(z, m.reshape(1, -1), v.reshape(1, -1), bn['g'].reshape(1, -1),
    bn['b'].reshape(1, -1), lin['W'], lin['b'].reshape(1, -1))


def kernel(x, edge_index, batch, params):
  src = edge_index[0].astype(jnp.int32)
  dst = edge_index[1].astype(jnp.int32)
  batch32 = batch.astype(jnp.int32).reshape(1, N_NODES)
  zero = jnp.zeros((_LAST_RPT, 128), jnp.float32)

  lsrc, ldst, cnts = _make_sc_scan()(src, dst)

  h = x
  for lp in params['layers']:
    agg = _make_sc_agg()(h, lsrc, ldst, cnts, zero)
    u = _tc_pre(agg, h, lp)
    m = jnp.mean(u, axis=0)
    v = jnp.var(u, axis=0)
    h = _tc_post(u, m, v, lp)

  mlp_lins = params['mlp_lins']
  mlp_bns = params['mlp_bns']
  z = _tc_pool(h, batch32, mlp_lins[0])
  for i in range(1, len(mlp_lins)):
    m = jnp.mean(z, axis=0)
    v = jnp.var(z, axis=0)
    z = _tc_mlp(z, m, v, mlp_bns[i - 1], mlp_lins[i])
  return z

# --- scband reference (transcript-rebuilt; emitter-appended) ---
"""Pipeline reference for scband-batch-norm-gnn-33492154974256 (READ-ONLY COPY).

The authoritative reference and input builder live on the scoring server;
editing this copy changes nothing except your own understanding.
"""

import jax, jax.numpy as jnp
import numpy as np

N_NODES = 10000
N_EDGES = 320000
D_FEAT = 128
NUM_GRAPHS = 64
HIDDEN = [64, 128, 256]
MLP_HIDDEN = 64
MLP_LAYERS = 5
OUT_CH = 10
EPS = 1e-5


def _xavier(key, shape):
    fan_in, fan_out = shape[1], shape[0]
    limit = float(np.sqrt(6.0 / (fan_in + fan_out)))
    return jax.random.uniform(key, shape, jnp.float32, -limit, limit)


def setup_inputs(seed: int = 0) -> dict:
    key = jax.random.key(seed)
    ks = jax.random.split(key, 64)
    ki = 0
    def nk():
        nonlocal ki
        k = ks[ki]; ki += 1
        return k

    x = jax.random.normal(nk(), (N_NODES, D_FEAT), jnp.float32)
    edge_index = jax.random.randint(nk(), (2, N_EDGES), 0, N_NODES, jnp.int64)
    batch = jnp.sort(jax.random.randint(nk(), (N_NODES,), 0, NUM_GRAPHS, jnp.int64))

    layers = []
    c_in = D_FEAT
    for hc in HIDDEN:
        layers.append({
            'W_rel': _xavier(nk(), (hc, c_in)),
            'b_rel': jnp.zeros((hc,), jnp.float32),
            'W_root': _xavier(nk(), (hc, c_in)),
            'W_lin': _xavier(nk(), (hc, hc)),
            'b_lin': jnp.zeros((hc,), jnp.float32),
            'bn_g': jnp.ones((hc,), jnp.float32),
            'bn_b': jnp.zeros((hc,), jnp.float32),
        })
        c_in = hc
    # MLP: 256 -> 64 -> 64 -> 64 -> 64 -> 10 (BN+ReLU after each hidden layer)
    dims = [HIDDEN[-1]] + [MLP_HIDDEN] * (MLP_LAYERS - 1) + [OUT_CH]
    mlp_lins = []
    mlp_bns = []
    for i in range(MLP_LAYERS):
        mlp_lins.append({'W': _xavier(nk(), (dims[i + 1], dims[i])), 'b': jnp.zeros((dims[i + 1],), jnp.float32)})
        if i < MLP_LAYERS - 1:
            mlp_bns.append({'g': jnp.ones((dims[i + 1],), jnp.float32), 'b': jnp.zeros((dims[i + 1],), jnp.float32)})
    params = {'layers': layers, 'mlp_lins': mlp_lins, 'mlp_bns': mlp_bns}
    return {'x': x, 'edge_index': edge_index, 'batch': batch, 'params': params}


def _graph_conv(x, edge_index, W_rel, b_rel, W_root):
    src = edge_index[0]
    dst = edge_index[1]
    msg = jnp.take(x, src, axis=0)
    agg = jax.ops.segment_sum(msg, dst, num_segments=x.shape[0])
    return agg @ W_rel.T + b_rel + x @ W_root.T


def _batch_norm(x, g, b):
    m = jnp.mean(x, axis=0)
    v = jnp.var(x, axis=0)
    return (x - m) * jax.lax.rsqrt(v + EPS) * g + b


def _forward(x, params, edge_index, batch):
    h = x
    for lp in params['layers']:
        h = _graph_conv(h, edge_index, lp['W_rel'], lp['b_rel'], lp['W_root'])
        h = jax.nn.leaky_relu(h, 0.01)
        h = h @ lp['W_lin'].T + lp['b_lin']
        h = _batch_norm(h, lp['bn_g'], lp['bn_b'])
        h = jax.nn.leaky_relu(h, 0.01)
    # global mean pool over graphs
    sums = jax.ops.segment_sum(h, batch, num_segments=NUM_GRAPHS)
    cnt = jax.ops.segment_sum(jnp.ones((h.shape[0],), jnp.float32), batch, num_segments=NUM_GRAPHS)
    pooled = sums / jnp.maximum(cnt, 1.0)[:, None]
    # dropout p=0.5 is identity in eval mode
    z = pooled
    n_lins = len(params['mlp_lins'])
    for i, lin in enumerate(params['mlp_lins']):
        z = z @ lin['W'].T + lin['b']
        if i < n_lins - 1:
            bn = params['mlp_bns'][i]
            z = _batch_norm(z, bn['g'], bn['b'])
            z = jax.nn.relu(z)
    return z


def reference(x, edge_index, batch, params):
    return _forward(x, params, edge_index, batch)

if __name__ == "__main__":
    import jax
    _d = setup_inputs()
    print(jax.jit(kernel)(*tuple(_d.values())))

</pallas_src>

<mosaic_0001>
#map = affine_map<(d0, d1) -> (0, 0)>
#map1 = affine_map<(d0, d1) -> (0)>
module attributes {stable_mosaic.version = 14 : i64} {
  func.func @agg(%arg0: i32, %arg1: i32, %arg2: memref<10000x128xf32, #tpu.memory_space<hbm>>, %arg3: memref<10485760xi32, #tpu.memory_space<hbm>>, %arg4: memref<10485760xi32, #tpu.memory_space<hbm>>, %arg5: memref<512xi32, #tpu.memory_space<hbm>>, %arg6: memref<328x128xf32, #tpu.memory_space<hbm>>, %arg7: memref<10000x128xf32, #tpu.memory_space<hbm>>, %arg8: memref<64xi32, #tpu.memory_space<vmem>>, %arg9: memref<64xi32, #tpu.memory_space<vmem>>, %arg10: memref<16xi32, #tpu.memory_space<vmem>>, %arg11: memref<64x128xf32, #tpu.memory_space<vmem>>, %arg12: memref<5016x128xf32, #tpu.memory_space<vmem_shared>>, %arg13: memref<!tpu.dma_semaphore, #tpu.memory_space<semaphore_mem>>) attributes {dimension_semantics = [#tpu.dimension_semantics<core_parallel>, #tpu.dimension_semantics<subcore_parallel>], iteration_bounds = array<i64: 2, 16>, scalar_prefetch = 0 : i64, scratch_operands = 6 : i64, tpu.core_type = #tpu.core_type<sc_vector_subcore>, window_params = [{transform_indices = #map}, {transform_indices = #map1}, {transform_indices = #map1}, {transform_indices = #map1}, {transform_indices = #map}, {transform_indices = #map}]} {
    %mul3A = arith.constant 16 : i32
    %mul3A_0 = arith.muli %arg0, %mul3A : i32
    %add3A = arith.addi %mul3A_0, %arg1 : i32
    %mul3A_1 = arith.constant 327680 : i32
    %mul3A_2 = arith.muli %add3A, %mul3A_1 : i32
    %mul3A_3 = arith.constant 312 : i32
    %mul3A_4 = arith.muli %arg1, %mul3A_3 : i32
    %lt3A = arith.constant 31 : i32
    %lt3A_5 = arith.cmpi slt, %add3A, %lt3A : i32
    %convert_element_type3A = arith.extui %lt3A_5 : i1 to i32
    %cond3A = arith.constant 0 : i32
    %cond3A_6 = arith.cmpi ne, %convert_element_type3A, %cond3A : i32
    scf.if %cond3A_6 {
      "tpu.region"() ({
        %run_scoped3A = tpu.sem_alloc : memref<!tpu.dma_semaphore, #tpu.memory_space<semaphore_mem>>
        %dma_start3A = arith.constant 0 : i32
        %dma_start3A_41 = tpu.memref_slice %arg12[%mul3A_4, %dma_start3A] : memref<5016x128xf32, #tpu.memory_space<vmem_shared>> -> memref<312x128xf32, #tpu.memory_space<vmem_shared>>
        %dma_start3A_42 = arith.constant 0 : i32
        %dma_start3A_43 = arith.constant 0 : i32
        %dma_start3A_44 = tpu.memref_slice %arg6[%dma_start3A_42, %dma_start3A_43] : memref<328x128xf32, #tpu.memory_space<hbm>> -> memref<312x128xf32, #tpu.memory_space<hbm>>
        tpu.enqueue_dma source(%dma_start3A_44 : memref<312x128xf32, #tpu.memory_space<hbm>>) target(%dma_start3A_41 : memref<312x128xf32, #tpu.memory_space<vmem_shared>>) target_semaphore(%run_scoped3A : memref<!tpu.dma_semaphore, #tpu.memory_space<semaphore_mem>>)
        %dma_wait3A = arith.constant 0 : i32
        %dma_wait3A_45 = tpu.memref_slice %arg12[%mul3A_4, %dma_wait3A] : memref<5016x128xf32, #tpu.memory_space<vmem_shared>> -> memref<312x128xf32, #tpu.memory_space<vmem_shared>>
        %dma_wait3A_46 = arith.constant 0 : i32
        %dma_wait3A_47 = arith.constant 0 : i32
        %dma_wait3A_48 = tpu.memref_slice %arg6[%dma_wait3A_46, %dma_wait3A_47] : memref<328x128xf32, #tpu.memory_space<hbm>> -> memref<312x128xf32, #tpu.memory_space<hbm>>
        tpu.wait_dma2 semaphore(%run_scoped3A : memref<!tpu.dma_semaphore, #tpu.memory_space<semaphore_mem>>) src(%dma_wait3A_48 : memref<312x128xf32, #tpu.memory_space<hbm>>) dst(%dma_wait3A_45 : memref<312x128xf32, #tpu.memory_space<vmem_shared>>)
        tpu.yield
      }) : () -> ()
    } else {
    }
    %eq3A = arith.constant 31 : i32
    %eq3A_7 = arith.cmpi eq, %add3A, %eq3A : i32
    %convert_element_type3A_8 = arith.extui %eq3A_7 : i1 to i32
    %cond3A_9 = arith.constant 0 : i32
    %cond3A_10 = arith.cmpi ne, %convert_element_type3A_8, %cond3A_9 : i32
    scf.if %cond3A_10 {
      "tpu.region"() ({
        %run_scoped3A = tpu.sem_alloc : memref<!tpu.dma_semaphore, #tpu.memory_space<semaphore_mem>>
        %dma_start3A = arith.constant 0 : i32
        %dma_start3A_41 = tpu.memref_slice %arg12[%mul3A_4, %dma_start3A] : memref<5016x128xf32, #tpu.memory_space<vmem_shared>> -> memref<328x128xf32, #tpu.memory_space<vmem_shared>>
        %dma_start3A_42 = arith.constant 0 : i32
        %dma_start3A_43 = arith.constant 0 : i32
        %dma_start3A_44 = tpu.memref_slice %arg6[%dma_start3A_42, %dma_start3A_43] : memref<328x128xf32, #tpu.memory_space<hbm>> -> memref<328x128xf32, #tpu.memory_space<hbm>>
        tpu.enqueue_dma source(%dma_start3A_44 : memref<328x128xf32, #tpu.memory_space<hbm>>) target(%dma_start3A_41 : memref<328x128xf32, #tpu.memory_space<vmem_shared>>) target_semaphore(%run_scoped3A : memref<!tpu.dma_semaphore, #tpu.memory_space<semaphore_mem>>)
        %dma_wait3A = arith.constant 0 : i32
        %dma_wait3A_45 = tpu.memref_slice %arg12[%mul3A_4, %dma_wait3A] : memref<5016x128xf32, #tpu.memory_space<vmem_shared>> -> memref<328x128xf32, #tpu.memory_space<vmem_shared>>
        %dma_wait3A_46 = arith.constant 0 : i32
        %dma_wait3A_47 = arith.constant 0 : i32
        %dma_wait3A_48 = tpu.memref_slice %arg6[%dma_wait3A_46, %dma_wait3A_47] : memref<328x128xf32, #tpu.memory_space<hbm>> -> memref<328x128xf32, #tpu.memory_space<hbm>>
        tpu.wait_dma2 semaphore(%run_scoped3A : memref<!tpu.dma_semaphore, #tpu.memory_space<semaphore_mem>>) src(%dma_wait3A_48 : memref<328x128xf32, #tpu.memory_space<hbm>>) dst(%dma_wait3A_45 : memref<328x128xf32, #tpu.memory_space<vmem_shared>>)
        tpu.yield
      }) : () -> ()
    } else {
    }
    %eq3A_11 = arith.constant 0 : i32
    %eq3A_12 = arith.cmpi eq, %arg1, %eq3A_11 : i32
    %convert_element_type3A_13 = arith.extui %eq3A_12 : i1 to i32
    %cond3A_14 = arith.constant 0 : i32
    %cond3A_15 = arith.cmpi ne, %convert_element_type3A_13, %cond3A_14 : i32
    scf.if %cond3A_15 {
      "tpu.region"() ({
        %run_scoped3A = tpu.sem_alloc : memref<!tpu.dma_semaphore, #tpu.memory_space<semaphore_mem>>
        %dma_start3A = arith.constant 5008 : i32
        %dma_start3A_41 = arith.constant 0 : i32
        %dma_start3A_42 = tpu.memref_slice %arg12[%dma_start3A, %dma_start3A_41] : memref<5016x128xf32, #tpu.memory_space<vmem_shared>> -> memref<8x128xf32, #tpu.memory_space<vmem_shared>>
        %dma_start3A_43 = arith.constant 0 : i32
        %dma_start3A_44 = arith.constant 0 : i32
        %dma_start3A_45 = tpu.memref_slice %arg6[%dma_start3A_43, %dma_start3A_44] : memref<328x128xf32, #tpu.memory_space<hbm>> -> memref<8x128xf32, #tpu.memory_space<hbm>>
        tpu.enqueue_dma source(%dma_start3A_45 : memref<8x128xf32, #tpu.memory_space<hbm>>) target(%dma_start3A_42 : memref<8x128xf32, #tpu.memory_space<vmem_shared>>) target_semaphore(%run_scoped3A : memref<!tpu.dma_semaphore, #tpu.memory_space<semaphore_mem>>)
        %dma_wait3A = arith.constant 5008 : i32
        %dma_wait3A_46 = arith.constant 0 : i32
        %dma_wait3A_47 = tpu.memref_slice %arg12[%dma_wait3A, %dma_wait3A_46] : memref<5016x128xf32, #tpu.memory_space<vmem_shared>> -> memref<8x128xf32, #tpu.memory_space<vmem_shared>>
        %dma_wait3A_48 = arith.constant 0 : i32
        %dma_wait3A_49 = arith.constant 0 : i32
        %dma_wait3A_50 = tpu.memref_slice %arg6[%dma_wait3A_48, %dma_wait3A_49] : memref<328x128xf32, #tpu.memory_space<hbm>> -> memref<8x128xf32, #tpu.memory_space<hbm>>
        tpu.wait_dma2 semaphore(%run_scoped3A : memref<!tpu.dma_semaphore, #tpu.memory_space<semaphore_mem>>) src(%dma_wait3A_50 : memref<8x128xf32, #tpu.memory_space<hbm>>) dst(%dma_wait3A_47 : memref<8x128xf32, #tpu.memory_space<vmem_shared>>)
        tpu.yield
      }) : () -> ()
    } else {
    }
    %barrier3A = arith.constant 0 : index
    tpu.barrier barrier_id(%barrier3A)
    %mul3A_16 = arith.constant 16 : i32
    %mul3A_17 = arith.muli %add3A, %mul3A_16 : i32
    %multiple_of3A = tpu.assume_multiple %mul3A_17, 16 : i32
    "tpu.region"() ({
      %run_scoped3A = tpu.sem_alloc : memref<!tpu.dma_semaphore, #tpu.memory_space<semaphore_mem>>
      %dma_start3A = tpu.memref_slice %arg5[%multiple_of3A] : memref<512xi32, #tpu.memory_space<hbm>> -> memref<16xi32, #tpu.memory_space<hbm>>
      %dma_start3A_41 = tpu.memref_slice %arg5[%multiple_of3A] : memref<512xi32, #tpu.memory_space<hbm>> -> memref<16xi32, #tpu.memory_space<hbm>>
      tpu.enqueue_dma source(%dma_start3A_41 : memref<16xi32, #tpu.memory_space<hbm>>) target(%arg10 : memref<16xi32, #tpu.memory_space<vmem>>) target_semaphore(%run_scoped3A : memref<!tpu.dma_semaphore, #tpu.memory_space<semaphore_mem>>)
      %dma_wait3A = tpu.memref_slice %arg5[%multiple_of3A] : memref<512xi32, #tpu.memory_space<hbm>> -> memref<16xi32, #tpu.memory_space<hbm>>
      %dma_wait3A_42 = tpu.memref_slice %arg5[%multiple_of3A] : memref<512xi32, #tpu.memory_space<hbm>> -> memref<16xi32, #tpu.memory_space<hbm>>
      tpu.wait_dma2 semaphore(%run_scoped3A : memref<!tpu.dma_semaphore, #tpu.memory_space<semaphore_mem>>) src(%dma_wait3A_42 : memref<16xi32, #tpu.memory_space<hbm>>) dst(%arg10 : memref<16xi32, #tpu.memory_space<vmem>>)
      tpu.yield
    }) : () -> ()
    %get3A = arith.constant 0 : index
    %get3A_18 = tpu.vector_load %arg10[%get3A] {strides = array<i32>} : memref<16xi32, #tpu.memory_space<vmem>>, vector<16xi32>,
    %slice3A = vector.extract_strided_slice %get3A_18 {offsets = [0], sizes = [1], strides = [1]} : vector<16xi32> to vector<1xi32>
    %squeeze3A = vector.extract %slice3A[0] : i32 from vector<1xi32>
    %while3A = arith.constant 0 : i32
    %while3A_19 = arith.constant 0 : i32
    %while3A_20 = arith.subi %squeeze3A, %while3A_19 : i32
    %while3A_21 = arith.addi %while3A_19, %while3A_20 : i32
    %while3A_22 = arith.constant 1 : i32
    %while3A_23 = arith.divsi %while3A_20, %while3A_22 : i32
    %while3A_24 = arith.muli %while3A_23, %while3A_22 : i32
    %while3A_25 = arith.addi %while3A_19, %while3A_24 : i32
    %while3A_26 = arith.constant 1 : i32
    scf.for %while3A_41 = %while3A_19 to %while3A_25 step %while3A_26  : i32 {
      %mul3A_42 = arith.constant 64 : i32
      %mul3A_43 = arith.muli %while3A_41, %mul3A_42 : i32
      %add3A_44 = arith.addi %mul3A_2, %mul3A_43 : i32
      %multiple_of3A_45 = tpu.assume_multiple %add3A_44, 64 : i32
      "tpu.region"() ({
        %run_scoped3A = tpu.sem_alloc : memref<!tpu.dma_semaphore, #tpu.memory_space<semaphore_mem>>
        %dma_start3A_50 = tpu.memref_slice %arg3[%multiple_of3A_45] : memref<10485760xi32, #tpu.memory_space<hbm>> -> memref<64xi32, #tpu.memory_space<hbm>>
        %dma_start3A_51 = tpu.memref_slice %arg3[%multiple_of3A_45] : memref<10485760xi32, #tpu.memory_space<hbm>> -> memref<64xi32, #tpu.memory_space<hbm>>
        tpu.enqueue_dma source(%dma_start3A_51 : memref<64xi32, #tpu.memory_space<hbm>>) target(%arg8 : memref<64xi32, #tpu.memory_space<vmem>>) target_semaphore(%run_scoped3A : memref<!tpu.dma_semaphore, #tpu.memory_space<semaphore_mem>>)
        %dma_wait3A_52 = tpu.memref_slice %arg3[%multiple_of3A_45] : memref<10485760xi32, #tpu.memory_space<hbm>> -> memref<64xi32, #tpu.memory_space<hbm>>
        %dma_wait3A_53 = tpu.memref_slice %arg3[%multiple_of3A_45] : memref<10485760xi32, #tpu.memory_space<hbm>> -> memref<64xi32, #tpu.memory_space<hbm>>
        tpu.wait_dma2 semaphore(%run_scoped3A : memref<!tpu.dma_semaphore, #tpu.memory_space<semaphore_mem>>) src(%dma_wait3A_53 : memref<64xi32, #tpu.memory_space<hbm>>) dst(%arg8 : memref<64xi32, #tpu.memory_space<vmem>>)
        tpu.yield
      }) : () -> ()
      "tpu.region"() ({
        %run_scoped3A = tpu.sem_alloc : memref<!tpu.dma_semaphore, #tpu.memory_space<semaphore_mem>>
        %dma_start3A_50 = tpu.memref_slice %arg4[%multiple_of3A_45] : memref<10485760xi32, #tpu.memory_space<hbm>> -> memref<64xi32, #tpu.memory_space<hbm>>
        %dma_start3A_51 = tpu.memref_slice %arg4[%multiple_of3A_45] : memref<10485760xi32, #tpu.memory_space<hbm>> -> memref<64xi32, #tpu.memory_space<hbm>>
        tpu.enqueue_dma source(%dma_start3A_51 : memref<64xi32, #tpu.memory_space<hbm>>) target(%arg9 : memref<64xi32, #tpu.memory_space<vmem>>) target_semaphore(%run_scoped3A : memref<!tpu.dma_semaphore, #tpu.memory_space<semaphore_mem>>)
        %dma_wait3A_52 = tpu.memref_slice %arg4[%multiple_of3A_45] : memref<10485760xi32, #tpu.memory_space<hbm>> -> memref<64xi32, #tpu.memory_space<hbm>>
        %dma_wait3A_53 = tpu.memref_slice %arg4[%multiple_of3A_45] : memref<10485760xi32, #tpu.memory_space<hbm>> -> memref<64xi32, #tpu.memory_space<hbm>>
        tpu.wait_dma2 semaphore(%run_scoped3A : memref<!tpu.dma_semaphore, #tpu.memory_space<semaphore_mem>>) src(%dma_wait3A_53 : memref<64xi32, #tpu.memory_space<hbm>>) dst(%arg9 : memref<64xi32, #tpu.memory_space<vmem>>)
        tpu.yield
      }) : () -> ()
      %dma_start3A = arith.constant 0 : i32
      %dma_start3A_46 = arith.constant 0 : i32
      %dma_start3A_47 = tpu.memref_slice %arg2[%dma_start3A, %dma_start3A_46] : memref<10000x128xf32, #tpu.memory_space<hbm>> -> memref<10000x128xf32, #tpu.memory_space<hbm>>
      tpu.enqueue_indirect_dma source(%dma_start3A_47 : memref<10000x128xf32, #tpu.memory_space<hbm>>) target(%arg11 : memref<64x128xf32, #tpu.memory_space<vmem>>) offsets(%arg8 : memref<64xi32, #tpu.memory_space<vmem>>) semaphore(%arg13 : memref<!tpu.dma_semaphore, #tpu.memory_space<semaphore_mem>>)
      %dma_wait3A = arith.constant 0 : i32
      %dma_wait3A_48 = arith.constant 0 : i32
      %dma_wait3A_49 = tpu.memref_slice %arg2[%dma_wait3A, %dma_wait3A_48] : memref<10000x128xf32, #tpu.memory_space<hbm>> -> memref<10000x128xf32, #tpu.memory_space<hbm>>
      tpu.wait_indirect_dma semaphore(%arg13 : memref<!tpu.dma_semaphore, #tpu.memory_space<semaphore_mem>>) src(%dma_wait3A_49 : memref<10000x128xf32, #tpu.memory_space<hbm>>) dst(%arg11 : memref<64x128xf32, #tpu.memory_space<vmem>>)
      "tpu.region"() ({
        %run_scoped3A = tpu.sem_alloc : memref<!tpu.dma_semaphore, #tpu.memory_space<semaphore_mem>>
        %dma_start3A_50 = arith.constant 0 : i32
        %dma_start3A_51 = arith.constant 0 : i32
        %dma_start3A_52 = tpu.memref_slice %arg12[%dma_start3A_50, %dma_start3A_51] : memref<5016x128xf32, #tpu.memory_space<vmem_shared>> -> memref<5016x128xf32, #tpu.memory_space<vmem_shared>>
        tpu.enqueue_indirect_dma source(%arg11 : memref<64x128xf32, #tpu.memory_space<vmem>>) target(%dma_start3A_52 : memref<5016x128xf32, #tpu.memory_space<vmem_shared>>) offsets(%arg9 : memref<64xi32, #tpu.memory_space<vmem>>) semaphore(%run_scoped3A : memref<!tpu.dma_semaphore, #tpu.memory_space<semaphore_mem>>) {add = true}
        %dma_wait3A_53 = arith.constant 0 : i32
        %dma_wait3A_54 = arith.constant 0 : i32
        %dma_wait3A_55 = tpu.memref_slice %arg12[%dma_wait3A_53, %dma_wait3A_54] : memref<5016x128xf32, #tpu.memory_space<vmem_shared>> -> memref<5016x128xf32, #tpu.memory_space<vmem_shared>>
        tpu.wait_indirect_dma semaphore(%run_scoped3A : memref<!tpu.dma_semaphore, #tpu.memory_space<semaphore_mem>>) src(%arg11 : memref<64x128xf32, #tpu.memory_space<vmem>>) dst(%dma_wait3A_55 : memref<5016x128xf32, #tpu.memory_space<vmem_shared>>)
        tpu.yield
      }) : () -> ()
    }
    %while3A_27 = arith.constant 1 : i32
    scf.for %while3A_41 = %while3A_25 to %while3A_21 step %while3A_27  : i32 {
      %mul3A_42 = arith.constant 64 : i32
      %mul3A_43 = arith.muli %while3A_41, %mul3A_42 : i32
      %add3A_44 = arith.addi %mul3A_2, %mul3A_43 : i32
      %multiple_of3A_45 = tpu.assume_multiple %add3A_44, 64 : i32
      "tpu.region"() ({
        %run_scoped3A = tpu.sem_alloc : memref<!tpu.dma_semaphore, #tpu.memory_space<semaphore_mem>>
        %dma_start3A_50 = tpu.memref_slice %arg3[%multiple_of3A_45] : memref<10485760xi32, #tpu.memory_space<hbm>> -> memref<64xi32, #tpu.memory_space<hbm>>
        %dma_start3A_51 = tpu.memref_slice %arg3[%multiple_of3A_45] : memref<10485760xi32, #tpu.memory_space<hbm>> -> memref<64xi32, #tpu.memory_space<hbm>>
        tpu.enqueue_dma source(%dma_start3A_51 : memref<64xi32, #tpu.memory_space<hbm>>) target(%arg8 : memref<64xi32, #tpu.memory_space<vmem>>) target_semaphore(%run_scoped3A : memref<!tpu.dma_semaphore, #tpu.memory_space<semaphore_mem>>)
        %dma_wait3A_52 = tpu.memref_slice %arg3[%multiple_of3A_45] : memref<10485760xi32, #tpu.memory_space<hbm>> -> memref<64xi32, #tpu.memory_space<hbm>>
        %dma_wait3A_53 = tpu.memref_slice %arg3[%multiple_of3A_45] : memref<10485760xi32, #tpu.memory_space<hbm>> -> memref<64xi32, #tpu.memory_space<hbm>>
        tpu.wait_dma2 semaphore(%run_scoped3A : memref<!tpu.dma_semaphore, #tpu.memory_space<semaphore_mem>>) src(%dma_wait3A_53 : memref<64xi32, #tpu.memory_space<hbm>>) dst(%arg8 : memref<64xi32, #tpu.memory_space<vmem>>)
        tpu.yield
      }) : () -> ()
      "tpu.region"() ({
        %run_scoped3A = tpu.sem_alloc : memref<!tpu.dma_semaphore, #tpu.memory_space<semaphore_mem>>
        %dma_start3A_50 = tpu.memref_slice %arg4[%multiple_of3A_45] : memref<10485760xi32, #tpu.memory_space<hbm>> -> memref<64xi32, #tpu.memory_space<hbm>>
        %dma_start3A_51 = tpu.memref_slice %arg4[%multiple_of3A_45] : memref<10485760xi32, #tpu.memory_space<hbm>> -> memref<64xi32, #tpu.memory_space<hbm>>
        tpu.enqueue_dma source(%dma_start3A_51 : memref<64xi32, #tpu.memory_space<hbm>>) target(%arg9 : memref<64xi32, #tpu.memory_space<vmem>>) target_semaphore(%run_scoped3A : memref<!tpu.dma_semaphore, #tpu.memory_space<semaphore_mem>>)
        %dma_wait3A_52 = tpu.memref_slice %arg4[%multiple_of3A_45] : memref<10485760xi32, #tpu.memory_space<hbm>> -> memref<64xi32, #tpu.memory_space<hbm>>
        %dma_wait3A_53 = tpu.memref_slice %arg4[%multiple_of3A_45] : memref<10485760xi32, #tpu.memory_space<hbm>> -> memref<64xi32, #tpu.memory_space<hbm>>
        tpu.wait_dma2 semaphore(%run_scoped3A : memref<!tpu.dma_semaphore, #tpu.memory_space<semaphore_mem>>) src(%dma_wait3A_53 : memref<64xi32, #tpu.memory_space<hbm>>) dst(%arg9 : memref<64xi32, #tpu.memory_space<vmem>>)
        tpu.yield
      }) : () -> ()
      %dma_start3A = arith.constant 0 : i32
      %dma_start3A_46 = arith.constant 0 : i32
      %dma_start3A_47 = tpu.memref_slice %arg2[%dma_start3A, %dma_start3A_46] : memref<10000x128xf32, #tpu.memory_space<hbm>> -> memref<10000x128xf32, #tpu.memory_space<hbm>>
      tpu.enqueue_indirect_dma source(%dma_start3A_47 : memref<10000x128xf32, #tpu.memory_space<hbm>>) target(%arg11 : memref<64x128xf32, #tpu.memory_space<vmem>>) offsets(%arg8 : memref<64xi32, #tpu.memory_space<vmem>>) semaphore(%arg13 : memref<!tpu.dma_semaphore, #tpu.memory_space<semaphore_mem>>)
      %dma_wait3A = arith.constant 0 : i32
      %dma_wait3A_48 = arith.constant 0 : i32
      %dma_wait3A_49 = tpu.memref_slice %arg2[%dma_wait3A, %dma_wait3A_48] : memref<10000x128xf32, #tpu.memory_space<hbm>> -> memref<10000x128xf32, #tpu.memory_space<hbm>>
      tpu.wait_indirect_dma semaphore(%arg13 : memref<!tpu.dma_semaphore, #tpu.memory_space<semaphore_mem>>) src(%dma_wait3A_49 : memref<10000x128xf32, #tpu.memory_space<hbm>>) dst(%arg11 : memref<64x128xf32, #tpu.memory_space<vmem>>)
      "tpu.region"() ({
        %run_scoped3A = tpu.sem_alloc : memref<!tpu.dma_semaphore, #tpu.memory_space<semaphore_mem>>
        %dma_start3A_50 = arith.constant 0 : i32
        %dma_start3A_51 = arith.constant 0 : i32
        %dma_start3A_52 = tpu.memref_slice %arg12[%dma_start3A_50, %dma_start3A_51] : memref<5016x128xf32, #tpu.memory_space<vmem_shared>> -> memref<5016x128xf32, #tpu.memory_space<vmem_shared>>
        tpu.enqueue_indirect_dma source(%arg11 : memref<64x128xf32, #tpu.memory_space<vmem>>) target(%dma_start3A_52 : memref<5016x128xf32, #tpu.memory_space<vmem_shared>>) offsets(%arg9 : memref<64xi32, #tpu.memory_space<vmem>>) semaphore(%run_scoped3A : memref<!tpu.dma_semaphore, #tpu.memory_space<semaphore_mem>>) {add = true}
        %dma_wait3A_53 = arith.constant 0 : i32
        %dma_wait3A_54 = arith.constant 0 : i32
        %dma_wait3A_55 = tpu.memref_slice %arg12[%dma_wait3A_53, %dma_wait3A_54] : memref<5016x128xf32, #tpu.memory_space<vmem_shared>> -> memref<5016x128xf32, #tpu.memory_space<vmem_shared>>
        tpu.wait_indirect_dma semaphore(%run_scoped3A : memref<!tpu.dma_semaphore, #tpu.memory_space<semaphore_mem>>) src(%arg11 : memref<64x128xf32, #tpu.memory_space<vmem>>) dst(%dma_wait3A_55 : memref<5016x128xf32, #tpu.memory_space<vmem_shared>>)
        tpu.yield
      }) : () -> ()
    }
    %barrier3A_28 = arith.constant 0 : index
    tpu.barrier barrier_id(%barrier3A_28)
    %mul3A_29 = arith.constant 312 : i32
    %mul3A_30 = arith.muli %add3A, %mul3A_29 : i32
    %lt3A_31 = arith.constant 31 : i32
    %lt3A_32 = arith.cmpi slt, %add3A, %lt3A_31 : i32
    %convert_element_type3A_33 = arith.extui %lt3A_32 : i1 to i32
    %cond3A_34 = arith.constant 0 : i32
    %cond3A_35 = arith.cmpi ne, %convert_element_type3A_33, %cond3A_34 : i32
    scf.if %cond3A_35 {
      "tpu.region"() ({
        %run_scoped3A = tpu.sem_alloc : memref<!tpu.dma_semaphore, #tpu.memory_space<semaphore_mem>>
        %dma_start3A = arith.constant 0 : i32
        %dma_start3A_41 = tpu.memref_slice %arg7[%mul3A_30, %dma_start3A] : memref<10000x128xf32, #tpu.memory_space<hbm>> -> memref<312x128xf32, #tpu.memory_space<hbm>>
        %dma_start3A_42 = arith.constant 0 : i32
        %dma_start3A_43 = tpu.memref_slice %arg12[%mul3A_4, %dma_start3A_42] : memref<5016x128xf32, #tpu.memory_space<vmem_shared>> -> memref<312x128xf32, #tpu.memory_space<vmem_shared>>
        tpu.enqueue_dma source(%dma_start3A_43 : memref<312x128xf32, #tpu.memory_space<vmem_shared>>) target(%dma_start3A_41 : memref<312x128xf32, #tpu.memory_space<hbm>>) target_semaphore(%run_scoped3A : memref<!tpu.dma_semaphore, #tpu.memory_space<semaphore_mem>>)
        %dma_wait3A = arith.constant 0 : i32
        %dma_wait3A_44 = tpu.memref_slice %arg7[%mul3A_30, %dma_wait3A] : memref<10000x128xf32, #tpu.memory_space<hbm>> -> memref<312x128xf32, #tpu.memory_space<hbm>>
        %dma_wait3A_45 = arith.constant 0 : i32
        %dma_wait3A_46 = tpu.memref_slice %arg12[%mul3A_4, %dma_wait3A_45] : memref<5016x128xf32, #tpu.memory_space<vmem_shared>> -> memref<312x128xf32, #tpu.memory_space<vmem_shared>>
        tpu.wait_dma2 semaphore(%run_scoped3A : memref<!tpu.dma_semaphore, #tpu.memory_space<semaphore_mem>>) src(%dma_wait3A_46 : memref<312x128xf32, #tpu.memory_space<vmem_shared>>) dst(%dma_wait3A_44 : memref<312x128xf32, #tpu.memory_space<hbm>>)
        tpu.yield
      }) : () -> ()
    } else {
    }
    %eq3A_36 = arith.constant 31 : i32
    %eq3A_37 = arith.cmpi eq, %add3A, %eq3A_36 : i32
    %convert_element_type3A_38 = arith.extui %eq3A_37 : i1 to i32
    %cond3A_39 = arith.constant 0 : i32
    %cond3A_40 = arith.cmpi ne, %convert_element_type3A_38, %cond3A_39 : i32
    scf.if %cond3A_40 {
      "tpu.region"() ({
        %run_scoped3A = tpu.sem_alloc : memref<!tpu.dma_semaphore, #tpu.memory_space<semaphore_mem>>
        %dma_start3A = arith.constant 0 : i32
        %dma_start3A_41 = tpu.memref_slice %arg7[%mul3A_30, %dma_start3A] : memref<10000x128xf32, #tpu.memory_space<hbm>> -> memref<328x128xf32, #tpu.memory_space<hbm>>
        %dma_start3A_42 = arith.constant 0 : i32
        %dma_start3A_43 = tpu.memref_slice %arg12[%mul3A_4, %dma_start3A_42] : memref<5016x128xf32, #tpu.memory_space<vmem_shared>> -> memref<328x128xf32, #tpu.memory_space<vmem_shared>>
        tpu.enqueue_dma source(%dma_start3A_43 : memref<328x128xf32, #tpu.memory_space<vmem_shared>>) target(%dma_start3A_41 : memref<328x128xf32, #tpu.memory_space<hbm>>) target_semaphore(%run_scoped3A : memref<!tpu.dma_semaphore, #tpu.memory_space<semaphore_mem>>)
        %dma_wait3A = arith.constant 0 : i32
        %dma_wait3A_44 = tpu.memref_slice %arg7[%mul3A_30, %dma_wait3A] : memref<10000x128xf32, #tpu.memory_space<hbm>> -> memref<328x128xf32, #tpu.memory_space<hbm>>
        %dma_wait3A_45 = arith.constant 0 : i32
        %dma_wait3A_46 = tpu.memref_slice %arg12[%mul3A_4, %dma_wait3A_45] : memref<5016x128xf32, #tpu.memory_space<vmem_shared>> -> memref<328x128xf32, #tpu.memory_space<vmem_shared>>
        tpu.wait_dma2 semaphore(%run_scoped3A : memref<!tpu.dma_semaphore, #tpu.memory_space<semaphore_mem>>) src(%dma_wait3A_46 : memref<328x128xf32, #tpu.memory_space<vmem_shared>>) dst(%dma_wait3A_44 : memref<328x128xf32, #tpu.memory_space<hbm>>)
        tpu.yield
      }) : () -> ()
    } else {
    }
    return
  }
}

#map = affine_map<(d0, d1) -> (0)>
module attributes {stable_mosaic.version = 14 : i64} {
  func.func @scan(%arg0: i32, %arg1: i32, %arg2: memref<320000xi32, #tpu.memory_space<hbm>>, %arg3: memref<320000xi32, #tpu.memory_space<hbm>>, %arg4: memref<10485760xi32, #tpu.memory_space<hbm>>, %arg5: memref<10485760xi32, #tpu.memory_space<hbm>>, %arg6: memref<512xi32, #tpu.memory_space<hbm>>, %arg7: memref<512xi32, #tpu.memory_space<vmem>>, %arg8: memref<512xi32, #tpu.memory_space<vmem>>, %arg9: memref<1024xi32, #tpu.memory_space<vmem>>, %arg10: memref<1024xi32, #tpu.memory_space<vmem>>, %arg11: memref<16xi32, #tpu.memory_space<vmem>>, %arg12: memref<2xi32, #tpu.memory_space<smem>>) attributes {dimension_semantics = [#tpu.dimension_semantics<core_parallel>, #tpu.dimension_semantics<subcore_parallel>], iteration_bounds = array<i64: 2, 16>, scalar_prefetch = 0 : i64, scratch_operands = 6 : i64, tpu.core_type = #tpu.core_type<sc_vector_subcore>, window_params = [{transform_indices = #map}, {transform_indices = #map}, {transform_indices = #map}, {transform_indices = #map}, {transform_indices = #map}]} {
    %mul3A = arith.constant 16 : i32
    %mul3A_0 = arith.muli %arg0, %mul3A : i32
    %add3A = arith.addi %mul3A_0, %arg1 : i32
    %mul3A_1 = arith.constant 312 : i32
    %mul3A_2 = arith.muli %add3A, %mul3A_1 : i32
    %eq3A = arith.constant 31 : i32
    %eq3A_3 = arith.cmpi eq, %add3A, %eq3A : i32
    %add3A_4 = arith.constant 312 : i32
    %add3A_5 = arith.addi %mul3A_2, %add3A_4 : i32
    %jit3A = arith.constant 10000 : i32
    %select_n3A = arith.select %eq3A_3, %jit3A, %add3A_5 : i32
    %mul3A_6 = arith.constant 4992 : i32
    %mul3A_7 = arith.muli %arg0, %mul3A_6 : i32
    %mul3A_8 = arith.constant 327680 : i32
    %mul3A_9 = arith.muli %add3A, %mul3A_8 : i32
    %broadcast_in_dim3A = arith.constant 0 : i32
    %broadcast_in_dim3A_10 = vector.broadcast %broadcast_in_dim3A : i32 to vector<16xi32>
    %broadcast_in_dim3A_11 = arith.constant 5008 : i32
    %broadcast_in_dim3A_12 = vector.broadcast %broadcast_in_dim3A_11 : i32 to vector<16xi32>
    %scan3A = arith.constant 0 : i32
    %scan3A_13 = arith.constant 0 : i32
    %scan3A_14 = arith.constant 64 : i32
    %scan3A_15 = arith.addi %scan3A_13, %scan3A_14 : i32
    %scan3A_16 = arith.constant 1 : i32
    scf.for %scan3A_79 = %scan3A_13 to %scan3A_15 step %scan3A_16  : i32 {
      %mul3A_80 = arith.constant 16 : i32
      %mul3A_81 = arith.muli %scan3A_79, %mul3A_80 : i32
      %multiple_of3A_82 = tpu.assume_multiple %mul3A_81, 16 : i32
      %swap3A_83 = arith.index_cast %multiple_of3A_82 : i32 to index
      %swap3A_84 = tpu.vector_load %arg9[%swap3A_83] {strides = array<i32>} : memref<1024xi32, #tpu.memory_space<vmem>>, vector<16xi32>,
      tpu.vector_store %arg9[%swap3A_83], %broadcast_in_dim3A_10 {strides = array<i32>} : memref<1024xi32, #tpu.memory_space<vmem>>, vector<16xi32>,
      %swap3A_85 = arith.index_cast %multiple_of3A_82 : i32 to index
      %swap3A_86 = tpu.vector_load %arg10[%swap3A_85] {strides = array<i32>} : memref<1024xi32, #tpu.memory_space<vmem>>, vector<16xi32>,
      tpu.vector_store %arg10[%swap3A_85], %broadcast_in_dim3A_12 {strides = array<i32>} : memref<1024xi32, #tpu.memory_space<vmem>>, vector<16xi32>,
    }
    %scan3A_17 = arith.constant 64 : i32
    %swap3A = arith.constant 0 : i32
    %swap3A_18 = arith.constant 0 : i32
    %swap3A_19 = arith.index_cast %swap3A_18 : i32 to index
    %swap3A_20 = memref.load %arg12[%swap3A_19] : memref<2xi32, #tpu.memory_space<smem>>
    memref.store %swap3A, %arg12[%swap3A_19] : memref<2xi32, #tpu.memory_space<smem>>
    %swap3A_21 = arith.constant 0 : i32
    %swap3A_22 = arith.constant 1 : i32
    %swap3A_23 = arith.index_cast %swap3A_22 : i32 to index
    %swap3A_24 = memref.load %arg12[%swap3A_23] : memref<2xi32, #tpu.memory_space<smem>>
    memref.store %swap3A_21, %arg12[%swap3A_23] : memref<2xi32, #tpu.memory_space<smem>>
    %scan3A_25 = arith.constant 0 : i32
    %scan3A_26 = arith.constant 0 : i32
    %scan3A_27 = arith.constant 625 : i32
    %scan3A_28 = arith.addi %scan3A_26, %scan3A_27 : i32
    %scan3A_29 = arith.constant 1 : i32
    scf.for %scan3A_79 = %scan3A_26 to %scan3A_28 step %scan3A_29  : i32 {
      %mul3A_80 = arith.constant 512 : i32
      %mul3A_81 = arith.muli %scan3A_79, %mul3A_80 : i32
      %multiple_of3A_82 = tpu.assume_multiple %mul3A_81, 512 : i32
      "tpu.region"() ({
        %run_scoped3A = tpu.sem_alloc : memref<!tpu.dma_semaphore, #tpu.memory_space<semaphore_mem>>
        %dma_start3A = tpu.memref_slice %arg2[%multiple_of3A_82] : memref<320000xi32, #tpu.memory_space<hbm>> -> memref<512xi32, #tpu.memory_space<hbm>>
        %dma_start3A_88 = tpu.memref_slice %arg2[%multiple_of3A_82] : memref<320000xi32, #tpu.memory_space<hbm>> -> memref<512xi32, #tpu.memory_space<hbm>>
        tpu.enqueue_dma source(%dma_start3A_88 : memref<512xi32, #tpu.memory_space<hbm>>) target(%arg7 : memref<512xi32, #tpu.memory_space<vmem>>) target_semaphore(%run_scoped3A : memref<!tpu.dma_semaphore, #tpu.memory_space<semaphore_mem>>)
        %dma_wait3A = tpu.memref_slice %arg2[%multiple_of3A_82] : memref<320000xi32, #tpu.memory_space<hbm>> -> memref<512xi32, #tpu.memory_space<hbm>>
        %dma_wait3A_89 = tpu.memref_slice %arg2[%multiple_of3A_82] : memref<320000xi32, #tpu.memory_space<hbm>> -> memref<512xi32, #tpu.memory_space<hbm>>
        tpu.wait_dma2 semaphore(%run_scoped3A : memref<!tpu.dma_semaphore, #tpu.memory_space<semaphore_mem>>) src(%dma_wait3A_89 : memref<512xi32, #tpu.memory_space<hbm>>) dst(%arg7 : memref<512xi32, #tpu.memory_space<vmem>>)
        tpu.yield
      }) : () -> ()
      "tpu.region"() ({
        %run_scoped3A = tpu.sem_alloc : memref<!tpu.dma_semaphore, #tpu.memory_space<semaphore_mem>>
        %dma_start3A = tpu.memref_slice %arg3[%multiple_of3A_82] : memref<320000xi32, #tpu.memory_space<hbm>> -> memref<512xi32, #tpu.memory_space<hbm>>
        %dma_start3A_88 = tpu.memref_slice %arg3[%multiple_of3A_82] : memref<320000xi32, #tpu.memory_space<hbm>> -> memref<512xi32, #tpu.memory_space<hbm>>
        tpu.enqueue_dma source(%dma_start3A_88 : memref<512xi32, #tpu.memory_space<hbm>>) target(%arg8 : memref<512xi32, #tpu.memory_space<vmem>>) target_semaphore(%run_scoped3A : memref<!tpu.dma_semaphore, #tpu.memory_space<semaphore_mem>>)
        %dma_wait3A = tpu.memref_slice %arg3[%multiple_of3A_82] : memref<320000xi32, #tpu.memory_space<hbm>> -> memref<512xi32, #tpu.memory_space<hbm>>
        %dma_wait3A_89 = tpu.memref_slice %arg3[%multiple_of3A_82] : memref<320000xi32, #tpu.memory_space<hbm>> -> memref<512xi32, #tpu.memory_space<hbm>>
        tpu.wait_dma2 semaphore(%run_scoped3A : memref<!tpu.dma_semaphore, #tpu.memory_space<semaphore_mem>>) src(%dma_wait3A_89 : memref<512xi32, #tpu.memory_space<hbm>>) dst(%arg8 : memref<512xi32, #tpu.memory_space<vmem>>)
        tpu.yield
      }) : () -> ()
      %scan3A_83 = arith.constant 0 : i32
      %scan3A_84 = arith.constant 32 : i32
      %scan3A_85 = arith.addi %scan3A_83, %scan3A_84 : i32
      %scan3A_86 = arith.constant 1 : i32
      scf.for %scan3A_88 = %scan3A_83 to %scan3A_85 step %scan3A_86  : i32 {
        %get3A_89 = arith.constant 0 : i32
        %get3A_90 = arith.index_cast %get3A_89 : i32 to index
        %get3A_91 = memref.load %arg12[%get3A_90] : memref<2xi32, #tpu.memory_space<smem>>
        %ge3A = arith.constant 1008 : i32
        %ge3A_92 = arith.cmpi sge, %get3A_91, %ge3A : i32
        %convert_element_type3A = arith.extui %ge3A_92 : i1 to i32
        %cond3A = arith.constant 0 : i32
        %cond3A_93 = arith.cmpi ne, %convert_element_type3A, %cond3A : i32
        scf.if %cond3A_93 {
          %get3A_127 = arith.constant 1 : i32
          %get3A_128 = arith.index_cast %get3A_127 : i32 to index
          %get3A_129 = memref.load %arg12[%get3A_128] : memref<2xi32, #tpu.memory_space<smem>>
          %add3A_130 = arith.addi %mul3A_9, %get3A_129 : i32
          %multiple_of3A_131 = tpu.assume_multiple %add3A_130, 1024 : i32
          "tpu.region"() ({
            %run_scoped3A = tpu.sem_alloc : memref<!tpu.dma_semaphore, #tpu.memory_space<semaphore_mem>>
            %dma_start3A = tpu.memref_slice %arg4[%multiple_of3A_131] : memref<10485760xi32, #tpu.memory_space<hbm>> -> memref<1024xi32, #tpu.memory_space<hbm>>
            %dma_start3A_150 = tpu.memref_slice %arg4[%multiple_of3A_131] : memref<10485760xi32, #tpu.memory_space<hbm>> -> memref<1024xi32, #tpu.memory_space<hbm>>
            tpu.enqueue_dma source(%arg9 : memref<1024xi32, #tpu.memory_space<vmem>>) target(%dma_start3A_150 : memref<1024xi32, #tpu.memory_space<hbm>>) target_semaphore(%run_scoped3A : memref<!tpu.dma_semaphore, #tpu.memory_space<semaphore_mem>>)
            %dma_wait3A = tpu.memref_slice %arg4[%multiple_of3A_131] : memref<10485760xi32, #tpu.memory_space<hbm>> -> memref<1024xi32, #tpu.memory_space<hbm>>
            %dma_wait3A_151 = tpu.memref_slice %arg4[%multiple_of3A_131] : memref<10485760xi32, #tpu.memory_space<hbm>> -> memref<1024xi32, #tpu.memory_space<hbm>>
            tpu.wait_dma2 semaphore(%run_scoped3A : memref<!tpu.dma_semaphore, #tpu.memory_space<semaphore_mem>>) src(%arg9 : memref<1024xi32, #tpu.memory_space<vmem>>) dst(%dma_wait3A_151 : memref<1024xi32, #tpu.memory_space<hbm>>)
            tpu.yield
          }) : () -> ()
          "tpu.region"() ({
            %run_scoped3A = tpu.sem_alloc : memref<!tpu.dma_semaphore, #tpu.memory_space<semaphore_mem>>
            %dma_start3A = tpu.memref_slice %arg5[%multiple_of3A_131] : memref<10485760xi32, #tpu.memory_space<hbm>> -> memref<1024xi32, #tpu.memory_space<hbm>>
            %dma_start3A_150 = tpu.memref_slice %arg5[%multiple_of3A_131] : memref<10485760xi32, #tpu.memory_space<hbm>> -> memref<1024xi32, #tpu.memory_space<hbm>>
            tpu.enqueue_dma source(%arg10 : memref<1024xi32, #tpu.memory_space<vmem>>) target(%dma_start3A_150 : memref<1024xi32, #tpu.memory_space<hbm>>) target_semaphore(%run_scoped3A : memref<!tpu.dma_semaphore, #tpu.memory_space<semaphore_mem>>)
            %dma_wait3A = tpu.memref_slice %arg5[%multiple_of3A_131] : memref<10485760xi32, #tpu.memory_space<hbm>> -> memref<1024xi32, #tpu.memory_space<hbm>>
            %dma_wait3A_151 = tpu.memref_slice %arg5[%multiple_of3A_131] : memref<10485760xi32, #tpu.memory_space<hbm>> -> memref<1024xi32, #tpu.memory_space<hbm>>
            tpu.wait_dma2 semaphore(%run_scoped3A : memref<!tpu.dma_semaphore, #tpu.memory_space<semaphore_mem>>) src(%arg10 : memref<1024xi32, #tpu.memory_space<vmem>>) dst(%dma_wait3A_151 : memref<1024xi32, #tpu.memory_space<hbm>>)
            tpu.yield
          }) : () -> ()
          %scan3A_132 = arith.constant 0 : i32
          %scan3A_133 = arith.constant 0 : i32
          %scan3A_134 = arith.constant 64 : i32
          %scan3A_135 = arith.addi %scan3A_133, %scan3A_134 : i32
          %scan3A_136 = arith.constant 1 : i32
          scf.for %scan3A_150 = %scan3A_133 to %scan3A_135 step %scan3A_136  : i32 {
            %mul3A_151 = arith.constant 16 : i32
            %mul3A_152 = arith.muli %scan3A_150, %mul3A_151 : i32
            %multiple_of3A_153 = tpu.assume_multiple %mul3A_152, 16 : i32
            %swap3A_154 = arith.index_cast %multiple_of3A_153 : i32 to index
            %swap3A_155 = tpu.vector_load %arg9[%swap3A_154] {strides = array<i32>} : memref<1024xi32, #tpu.memory_space<vmem>>, vector<16xi32>,
            tpu.vector_store %arg9[%swap3A_154], %broadcast_in_dim3A_10 {strides = array<i32>} : memref<1024xi32, #tpu.memory_space<vmem>>, vector<16xi32>,
            %swap3A_156 = arith.index_cast %multiple_of3A_153 : i32 to index
            %swap3A_157 = tpu.vector_load %arg10[%swap3A_156] {strides = array<i32>} : memref<1024xi32, #tpu.memory_space<vmem>>, vector<16xi32>,
            tpu.vector_store %arg10[%swap3A_156], %broadcast_in_dim3A_12 {strides = array<i32>} : memref<1024xi32, #tpu.memory_space<vmem>>, vector<16xi32>,
          }
          %scan3A_137 = arith.constant 64 : i32
          %get3A_138 = arith.constant 1 : i32
          %get3A_139 = arith.index_cast %get3A_138 : i32 to index
          %get3A_140 = memref.load %arg12[%get3A_139] : memref<2xi32, #tpu.memory_space<smem>>
          %add3A_141 = arith.constant 1024 : i32
          %add3A_142 = arith.addi %get3A_140, %add3A_141 : i32
          %swap3A_143 = arith.constant 1 : i32
          %swap3A_144 = arith.index_cast %swap3A_143 : i32 to index
          %swap3A_145 = memref.load %arg12[%swap3A_144] : memref<2xi32, #tpu.memory_space<smem>>
          memref.store %add3A_142, %arg12[%swap3A_144] : memref<2xi32, #tpu.memory_space<smem>>
          %swap3A_146 = arith.constant 0 : i32
          %swap3A_147 = arith.constant 0 : i32
          %swap3A_148 = arith.index_cast %swap3A_147 : i32 to index
          %swap3A_149 = memref.load %arg12[%swap3A_148] : memref<2xi32, #tpu.memory_space<smem>>
          memref.store %swap3A_146, %arg12[%swap3A_148] : memref<2xi32, #tpu.memory_space<smem>>
        } else {
        }
        %get3A_94 = arith.constant 0 : i32
        %get3A_95 = arith.index_cast %get3A_94 : i32 to index
        %get3A_96 = memref.load %arg12[%get3A_95] : memref<2xi32, #tpu.memory_space<smem>>
        %mul3A_97 = arith.constant 16 : i32
        %mul3A_98 = arith.muli %scan3A_88, %mul3A_97 : i32
        %multiple_of3A_99 = tpu.assume_multiple %mul3A_98, 16 : i32
        %get3A_100 = arith.index_cast %multiple_of3A_99 : i32 to index
        %get3A_101 = tpu.vector_load %arg7[%get3A_100] {strides = array<i32>} : memref<512xi32, #tpu.memory_space<vmem>>, vector<16xi32>,
        %get3A_102 = arith.index_cast %multiple_of3A_99 : i32 to index
        %get3A_103 = tpu.vector_load %arg8[%get3A_102] {strides = array<i32>} : memref<512xi32, #tpu.memory_space<vmem>>, vector<16xi32>,
        %broadcast_in_dim3A_104 = vector.broadcast %mul3A_2 : i32 to vector<16xi32>
        %broadcast_in_dim3A_105 = vector.broadcast %select_n3A : i32 to vector<16xi32>
        %ge3A_106 = arith.cmpi sge, %get3A_103, %broadcast_in_dim3A_104 : vector<16xi32>
        %lt3A = arith.cmpi slt, %get3A_103, %broadcast_in_dim3A_105 : vector<16xi32>
        %and3A_107 = arith.andi %ge3A_106, %lt3A : vector<16xi1>
        %broadcast_in_dim3A_108 = arith.constant 1 : i32
        %broadcast_in_dim3A_109 = vector.broadcast %broadcast_in_dim3A_108 : i32 to vector<16xi32>
        %broadcast_in_dim3A_110 = arith.constant 0 : i32
        %broadcast_in_dim3A_111 = vector.broadcast %broadcast_in_dim3A_110 : i32 to vector<16xi32>
        %select_n3A_112 = arith.select %and3A_107, %broadcast_in_dim3A_109, %broadcast_in_dim3A_111 : vector<16xi1>, vector<16xi32>
        %reduce_sum3A = arith.constant true
        %reduce_sum3A_113 = vector.broadcast %reduce_sum3A : i1 to vector<16xi1>
        %reduce_sum3A_114 = tpu.scan <sum>, %select_n3A_112 masked %reduce_sum3A_113 : vector<16xi32>, vector<16xi1> -> vector<16xi32>
        %reduce_sum3A_115 = vector.extract %reduce_sum3A_114[15] : i32 from vector<16xi32>
        %broadcast_in_dim3A_116 = vector.broadcast %get3A_96 : i32 to vector<16xi32>
        %broadcast_in_dim3A_117 = arith.constant true
        %broadcast_in_dim3A_118 = vector.broadcast %broadcast_in_dim3A_117 : i1 to vector<16xi1>
        %masked_cumsum3A = tpu.scan <sum>, %select_n3A_112 masked %broadcast_in_dim3A_118 : vector<16xi32>, vector<16xi1> -> vector<16xi32>
        %add3A_119 = arith.addi %broadcast_in_dim3A_116, %masked_cumsum3A : vector<16xi32>
        %sub3A_120 = arith.subi %add3A_119, %broadcast_in_dim3A_109 : vector<16xi32>
        %broadcast_in_dim3A_121 = vector.broadcast %mul3A_7 : i32 to vector<16xi32>
        tpu.vector_store_idx %arg9[%sub3A_120], %get3A_101 masked %and3A_107 : memref<1024xi32, #tpu.memory_space<vmem>>[vector<16xi32>], vector<16xi32>, vector<16xi1>
        %sub3A_122 = arith.subi %get3A_103, %broadcast_in_dim3A_121 : vector<16xi32>
        tpu.vector_store_idx %arg10[%sub3A_120], %sub3A_122 masked %and3A_107 : memref<1024xi32, #tpu.memory_space<vmem>>[vector<16xi32>], vector<16xi32>, vector<16xi1>
        %add3A_123 = arith.addi %get3A_96, %reduce_sum3A_115 : i32
        %swap3A_124 = arith.constant 0 : i32
        %swap3A_125 = arith.index_cast %swap3A_124 : i32 to index
        %swap3A_126 = memref.load %arg12[%swap3A_125] : memref<2xi32, #tpu.memory_space<smem>>
        memref.store %add3A_123, %arg12[%swap3A_125] : memref<2xi32, #tpu.memory_space<smem>>
      }
      %scan3A_87 = arith.constant 32 : i32
    }
    %scan3A_30 = arith.constant 625 : i32
    %get3A = arith.constant 1 : i32
    %get3A_31 = arith.index_cast %get3A : i32 to index
    %get3A_32 = memref.load %arg12[%get3A_31] : memref<2xi32, #tpu.memory_space<smem>>
    %add3A_33 = arith.addi %mul3A_9, %get3A_32 : i32
    %multiple_of3A = tpu.assume_multiple %add3A_33, 1024 : i32
    "tpu.region"() ({
      %run_scoped3A = tpu.sem_alloc : memref<!tpu.dma_semaphore, #tpu.memory_space<semaphore_mem>>
      %dma_start3A = tpu.memref_slice %arg4[%multiple_of3A] : memref<10485760xi32, #tpu.memory_space<hbm>> -> memref<1024xi32, #tpu.memory_space<hbm>>
      %dma_start3A_79 = tpu.memref_slice %arg4[%multiple_of3A] : memref<10485760xi32, #tpu.memory_space<hbm>> -> memref<1024xi32, #tpu.memory_space<hbm>>
      tpu.enqueue_dma source(%arg9 : memref<1024xi32, #tpu.memory_space<vmem>>) target(%dma_start3A_79 : memref<1024xi32, #tpu.memory_space<hbm>>) target_semaphore(%run_scoped3A : memref<!tpu.dma_semaphore, #tpu.memory_space<semaphore_mem>>)
      %dma_wait3A = tpu.memref_slice %arg4[%multiple_of3A] : memref<10485760xi32, #tpu.memory_space<hbm>> -> memref<1024xi32, #tpu.memory_space<hbm>>
      %dma_wait3A_80 = tpu.memref_slice %arg4[%multiple_of3A] : memref<10485760xi32, #tpu.memory_space<hbm>> -> memref<1024xi32, #tpu.memory_space<hbm>>
      tpu.wait_dma2 semaphore(%run_scoped3A : memref<!tpu.dma_semaphore, #tpu.memory_space<semaphore_mem>>) src(%arg9 : memref<1024xi32, #tpu.memory_space<vmem>>) dst(%dma_wait3A_80 : memref<1024xi32, #tpu.memory_space<hbm>>)
      tpu.yield
    }) : () -> ()
    "tpu.region"() ({
      %run_scoped3A = tpu.sem_alloc : memref<!tpu.dma_semaphore, #tpu.memory_space<semaphore_mem>>
      %dma_start3A = tpu.memref_slice %arg5[%multiple_of3A] : memref<10485760xi32, #tpu.memory_space<hbm>> -> memref<1024xi32, #tpu.memory_space<hbm>>
      %dma_start3A_79 = tpu.memref_slice %arg5[%multiple_of3A] : memref<10485760xi32, #tpu.memory_space<hbm>> -> memref<1024xi32, #tpu.memory_space<hbm>>
      tpu.enqueue_dma source(%arg10 : memref<1024xi32, #tpu.memory_space<vmem>>) target(%dma_start3A_79 : memref<1024xi32, #tpu.memory_space<hbm>>) target_semaphore(%run_scoped3A : memref<!tpu.dma_semaphore, #tpu.memory_space<semaphore_mem>>)
      %dma_wait3A = tpu.memref_slice %arg5[%multiple_of3A] : memref<10485760xi32, #tpu.memory_space<hbm>> -> memref<1024xi32, #tpu.memory_space<hbm>>
      %dma_wait3A_80 = tpu.memref_slice %arg5[%multiple_of3A] : memref<10485760xi32, #tpu.memory_space<hbm>> -> memref<1024xi32, #tpu.memory_space<hbm>>
      tpu.wait_dma2 semaphore(%run_scoped3A : memref<!tpu.dma_semaphore, #tpu.memory_space<semaphore_mem>>) src(%arg10 : memref<1024xi32, #tpu.memory_space<vmem>>) dst(%dma_wait3A_80 : memref<1024xi32, #tpu.memory_space<hbm>>)
      tpu.yield
    }) : () -> ()
    %scan3A_34 = arith.constant 0 : i32
    %scan3A_35 = arith.constant 0 : i32
    %scan3A_36 = arith.constant 64 : i32
    %scan3A_37 = arith.addi %scan3A_35, %scan3A_36 : i32
    %scan3A_38 = arith.constant 1 : i32
    scf.for %scan3A_79 = %scan3A_35 to %scan3A_37 step %scan3A_38  : i32 {
      %mul3A_80 = arith.constant 16 : i32
      %mul3A_81 = arith.muli %scan3A_79, %mul3A_80 : i32
      %multiple_of3A_82 = tpu.assume_multiple %mul3A_81, 16 : i32
      %swap3A_83 = arith.index_cast %multiple_of3A_82 : i32 to index
      %swap3A_84 = tpu.vector_load %arg9[%swap3A_83] {strides = array<i32>} : memref<1024xi32, #tpu.memory_space<vmem>>, vector<16xi32>,
      tpu.vector_store %arg9[%swap3A_83], %broadcast_in_dim3A_10 {strides = array<i32>} : memref<1024xi32, #tpu.memory_space<vmem>>, vector<16xi32>,
      %swap3A_85 = arith.index_cast %multiple_of3A_82 : i32 to index
      %swap3A_86 = tpu.vector_load %arg10[%swap3A_85] {strides = array<i32>} : memref<1024xi32, #tpu.memory_space<vmem>>, vector<16xi32>,
      tpu.vector_store %arg10[%swap3A_85], %broadcast_in_dim3A_12 {strides = array<i32>} : memref<1024xi32, #tpu.memory_space<vmem>>, vector<16xi32>,
    }
    %scan3A_39 = arith.constant 64 : i32
    %get3A_40 = arith.constant 1 : i32
    %get3A_41 = arith.index_cast %get3A_40 : i32 to index
    %get3A_42 = memref.load %arg12[%get3A_41] : memref<2xi32, #tpu.memory_space<smem>>
    %add3A_43 = arith.constant 1024 : i32
    %add3A_44 = arith.addi %get3A_42, %add3A_43 : i32
    %swap3A_45 = arith.constant 1 : i32
    %swap3A_46 = arith.index_cast %swap3A_45 : i32 to index
    %swap3A_47 = memref.load %arg12[%swap3A_46] : memref<2xi32, #tpu.memory_space<smem>>
    memref.store %add3A_44, %arg12[%swap3A_46] : memref<2xi32, #tpu.memory_space<smem>>
    %swap3A_48 = arith.constant 0 : i32
    %swap3A_49 = arith.constant 0 : i32
    %swap3A_50 = arith.index_cast %swap3A_49 : i32 to index
    %swap3A_51 = memref.load %arg12[%swap3A_50] : memref<2xi32, #tpu.memory_space<smem>>
    memref.store %swap3A_48, %arg12[%swap3A_50] : memref<2xi32, #tpu.memory_space<smem>>
    %get3A_52 = arith.constant 1 : i32
    %get3A_53 = arith.index_cast %get3A_52 : i32 to index
    %get3A_54 = memref.load %arg12[%get3A_53] : memref<2xi32, #tpu.memory_space<smem>>
    %jit3A_55 = arith.constant 64 : i32
    %div3A = arith.divsi %get3A_54, %jit3A_55 : i32
    %sign3A = arith.constant 0 : i32
    %sign3A_56 = arith.cmpi sgt, %get3A_54, %sign3A : i32
    %sign3A_57 = arith.extui %sign3A_56 : i1 to i32
    %sign3A_58 = arith.constant 0 : i32
    %sign3A_59 = arith.cmpi slt, %get3A_54, %sign3A_58 : i32
    %sign3A_60 = arith.extui %sign3A_59 : i1 to i32
    %sign3A_61 = arith.subi %sign3A_57, %sign3A_60 : i32
    %sign3A_62 = arith.constant 0 : i32
    %sign3A_63 = arith.cmpi sgt, %jit3A_55, %sign3A_62 : i32
    %sign3A_64 = arith.extui %sign3A_63 : i1 to i32
    %sign3A_65 = arith.constant 0 : i32
    %sign3A_66 = arith.cmpi slt, %jit3A_55, %sign3A_65 : i32
    %sign3A_67 = arith.extui %sign3A_66 : i1 to i32
    %sign3A_68 = arith.subi %sign3A_64, %sign3A_67 : i32
    %ne3A = arith.cmpi ne, %sign3A_61, %sign3A_68 : i32
    %rem3A = arith.remsi %get3A_54, %jit3A_55 : i32
    %ne3A_69 = arith.constant 0 : i32
    %ne3A_70 = arith.cmpi ne, %rem3A, %ne3A_69 : i32
    %and3A = arith.andi %ne3A, %ne3A_70 : i1
    %sub3A = arith.constant 1 : i32
    %sub3A_71 = arith.subi %div3A, %sub3A : i32
    %select_n3A_72 = arith.select %and3A, %sub3A_71, %div3A : i32
    %broadcast_in_dim3A_73 = vector.broadcast %select_n3A_72 : i32 to vector<16xi32>
    %swap3A_74 = arith.constant 0 : index
    %swap3A_75 = tpu.vector_load %arg11[%swap3A_74] {strides = array<i32>} : memref<16xi32, #tpu.memory_space<vmem>>, vector<16xi32>,
    tpu.vector_store %arg11[%swap3A_74], %broadcast_in_dim3A_73 {strides = array<i32>} : memref<16xi32, #tpu.memory_space<vmem>>, vector<16xi32>,
    %mul3A_76 = arith.constant 16 : i32
    %mul3A_77 = arith.muli %add3A, %mul3A_76 : i32
    %multiple_of3A_78 = tpu.assume_multiple %mul3A_77, 16 : i32
    "tpu.region"() ({
      %run_scoped3A = tpu.sem_alloc : memref<!tpu.dma_semaphore, #tpu.memory_space<semaphore_mem>>
      %dma_start3A = tpu.memref_slice %arg6[%multiple_of3A_78] : memref<512xi32, #tpu.memory_space<hbm>> -> memref<16xi32, #tpu.memory_space<hbm>>
      %dma_start3A_79 = tpu.memref_slice %arg6[%multiple_of3A_78] : memref<512xi32, #tpu.memory_space<hbm>> -> memref<16xi32, #tpu.memory_space<hbm>>
      tpu.enqueue_dma source(%arg11 : memref<16xi32, #tpu.memory_space<vmem>>) target(%dma_start3A_79 : memref<16xi32, #tpu.memory_space<hbm>>) target_semaphore(%run_scoped3A : memref<!tpu.dma_semaphore, #tpu.memory_space<semaphore_mem>>)
      %dma_wait3A = tpu.memref_slice %arg6[%multiple_of3A_78] : memref<512xi32, #tpu.memory_space<hbm>> -> memref<16xi32, #tpu.memory_space<hbm>>
      %dma_wait3A_80 = tpu.memref_slice %arg6[%multiple_of3A_78] : memref<512xi32, #tpu.memory_space<hbm>> -> memref<16xi32, #tpu.memory_space<hbm>>
      tpu.wait_dma2 semaphore(%run_scoped3A : memref<!tpu.dma_semaphore, #tpu.memory_space<semaphore_mem>>) src(%arg11 : memref<16xi32, #tpu.memory_space<vmem>>) dst(%dma_wait3A_80 : memref<16xi32, #tpu.memory_space<hbm>>)
      tpu.yield
    }) : () -> ()
    return
  }
}

#map = affine_map<(d0, d1) -> (0, 0)>
#map1 = affine_map<(d0, d1) -> (0)>
module attributes {stable_mosaic.version = 14 : i64} {
  func.func @agg(%arg0: i32, %arg1: i32, %arg2: memref<10000x128xf32, #tpu.memory_space<hbm>>, %arg3: memref<10485760xi32, #tpu.memory_space<hbm>>, %arg4: memref<10485760xi32, #tpu.memory_space<hbm>>, %arg5: memref<512xi32, #tpu.memory_space<hbm>>, %arg6: memref<328x128xf32, #tpu.memory_space<hbm>>, %arg7: memref<10000x128xf32, #tpu.memory_space<hbm>>, %arg8: memref<64xi32, #tpu.memory_space<vmem>>, %arg9: memref<64xi32, #tpu.memory_space<vmem>>, %arg10: memref<16xi32, #tpu.memory_space<vmem>>, %arg11: memref<64x128xf32, #tpu.memory_space<vmem>>, %arg12: memref<5016x128xf32, #tpu.memory_space<vmem_shared>>, %arg13: memref<!tpu.dma_semaphore, #tpu.memory_space<semaphore_mem>>) attributes {dimension_semantics = [#tpu.dimension_semantics<core_parallel>, #tpu.dimension_semantics<subcore_parallel>], iteration_bounds = array<i64: 2, 16>, scalar_prefetch = 0 : i64, scratch_operands = 6 : i64, tpu.core_type = #tpu.core_type<sc_vector_subcore>, window_params = [{transform_indices = #map}, {transform_indices = #map1}, {transform_indices = #map1}, {transform_indices = #map1}, {transform_indices = #map}, {transform_indices = #map}]} {
    %mul3A = arith.constant 16 : i32
    %mul3A_0 = arith.muli %arg0, %mul3A : i32
    %add3A = arith.addi %mul3A_0, %arg1 : i32
    %mul3A_1 = arith.constant 327680 : i32
    %mul3A_2 = arith.muli %add3A, %mul3A_1 : i32
    %mul3A_3 = arith.constant 312 : i32
    %mul3A_4 = arith.muli %arg1, %mul3A_3 : i32
    %lt3A = arith.constant 31 : i32
    %lt3A_5 = arith.cmpi slt, %add3A, %lt3A : i32
    %convert_element_type3A = arith.extui %lt3A_5 : i1 to i32
    %cond3A = arith.constant 0 : i32
    %cond3A_6 = arith.cmpi ne, %convert_element_type3A, %cond3A : i32
    scf.if %cond3A_6 {
      "tpu.region"() ({
        %run_scoped3A = tpu.sem_alloc : memref<!tpu.dma_semaphore, #tpu.memory_space<semaphore_mem>>
        %dma_start3A = arith.constant 0 : i32
        %dma_start3A_41 = tpu.memref_slice %arg12[%mul3A_4, %dma_start3A] : memref<5016x128xf32, #tpu.memory_space<vmem_shared>> -> memref<312x128xf32, #tpu.memory_space<vmem_shared>>
        %dma_start3A_42 = arith.constant 0 : i32
        %dma_start3A_43 = arith.constant 0 : i32
        %dma_start3A_44 = tpu.memref_slice %arg6[%dma_start3A_42, %dma_start3A_43] : memref<328x128xf32, #tpu.memory_space<hbm>> -> memref<312x128xf32, #tpu.memory_space<hbm>>
        tpu.enqueue_dma source(%dma_start3A_44 : memref<312x128xf32, #tpu.memory_space<hbm>>) target(%dma_start3A_41 : memref<312x128xf32, #tpu.memory_space<vmem_shared>>) target_semaphore(%run_scoped3A : memref<!tpu.dma_semaphore, #tpu.memory_space<semaphore_mem>>)
        %dma_wait3A = arith.constant 0 : i32
        %dma_wait3A_45 = tpu.memref_slice %arg12[%mul3A_4, %dma_wait3A] : memref<5016x128xf32, #tpu.memory_space<vmem_shared>> -> memref<312x128xf32, #tpu.memory_space<vmem_shared>>
        %dma_wait3A_46 = arith.constant 0 : i32
        %dma_wait3A_47 = arith.constant 0 : i32
        %dma_wait3A_48 = tpu.memref_slice %arg6[%dma_wait3A_46, %dma_wait3A_47] : memref<328x128xf32, #tpu.memory_space<hbm>> -> memref<312x128xf32, #tpu.memory_space<hbm>>
        tpu.wait_dma2 semaphore(%run_scoped3A : memref<!tpu.dma_semaphore, #tpu.memory_space<semaphore_mem>>) src(%dma_wait3A_48 : memref<312x128xf32, #tpu.memory_space<hbm>>) dst(%dma_wait3A_45 : memref<312x128xf32, #tpu.memory_space<vmem_shared>>)
        tpu.yield
      }) : () -> ()
    } else {
    }
    %eq3A = arith.constant 31 : i32
    %eq3A_7 = arith.cmpi eq, %add3A, %eq3A : i32
    %convert_element_type3A_8 = arith.extui %eq3A_7 : i1 to i32
    %cond3A_9 = arith.constant 0 : i32
    %cond3A_10 = arith.cmpi ne, %convert_element_type3A_8, %cond3A_9 : i32
    scf.if %cond3A_10 {
      "tpu.region"() ({
        %run_scoped3A = tpu.sem_alloc : memref<!tpu.dma_semaphore, #tpu.memory_space<semaphore_mem>>
        %dma_start3A = arith.constant 0 : i32
        %dma_start3A_41 = tpu.memref_slice %arg12[%mul3A_4, %dma_start3A] : memref<5016x128xf32, #tpu.memory_space<vmem_shared>> -> memref<328x128xf32, #tpu.memory_space<vmem_shared>>
        %dma_start3A_42 = arith.constant 0 : i32
        %dma_start3A_43 = arith.constant 0 : i32
        %dma_start3A_44 = tpu.memref_slice %arg6[%dma_start3A_42, %dma_start3A_43] : memref<328x128xf32, #tpu.memory_space<hbm>> -> memref<328x128xf32, #tpu.memory_space<hbm>>
        tpu.enqueue_dma source(%dma_start3A_44 : memref<328x128xf32, #tpu.memory_space<hbm>>) target(%dma_start3A_41 : memref<328x128xf32, #tpu.memory_space<vmem_shared>>) target_semaphore(%run_scoped3A : memref<!tpu.dma_semaphore, #tpu.memory_space<semaphore_mem>>)
        %dma_wait3A = arith.constant 0 : i32
        %dma_wait3A_45 = tpu.memref_slice %arg12[%mul3A_4, %dma_wait3A] : memref<5016x128xf32, #tpu.memory_space<vmem_shared>> -> memref<328x128xf32, #tpu.memory_space<vmem_shared>>
        %dma_wait3A_46 = arith.constant 0 : i32
        %dma_wait3A_47 = arith.constant 0 : i32
        %dma_wait3A_48 = tpu.memref_slice %arg6[%dma_wait3A_46, %dma_wait3A_47] : memref<328x128xf32, #tpu.memory_space<hbm>> -> memref<328x128xf32, #tpu.memory_space<hbm>>
        tpu.wait_dma2 semaphore(%run_scoped3A : memref<!tpu.dma_semaphore, #tpu.memory_space<semaphore_mem>>) src(%dma_wait3A_48 : memref<328x128xf32, #tpu.memory_space<hbm>>) dst(%dma_wait3A_45 : memref<328x128xf32, #tpu.memory_space<vmem_shared>>)
        tpu.yield
      }) : () -> ()
    } else {
    }
    %eq3A_11 = arith.constant 0 : i32
    %eq3A_12 = arith.cmpi eq, %arg1, %eq3A_11 : i32
    %convert_element_type3A_13 = arith.extui %eq3A_12 : i1 to i32
    %cond3A_14 = arith.constant 0 : i32
    %cond3A_15 = arith.cmpi ne, %convert_element_type3A_13, %cond3A_14 : i32
    scf.if %cond3A_15 {
      "tpu.region"() ({
        %run_scoped3A = tpu.sem_alloc : memref<!tpu.dma_semaphore, #tpu.memory_space<semaphore_mem>>
        %dma_start3A = arith.constant 5008 : i32
        %dma_start3A_41 = arith.constant 0 : i32
        %dma_start3A_42 = tpu.memref_slice %arg12[%dma_start3A, %dma_start3A_41] : memref<5016x128xf32, #tpu.memory_space<vmem_shared>> -> memref<8x128xf32, #tpu.memory_space<vmem_shared>>
        %dma_start3A_43 = arith.constant 0 : i32
        %dma_start3A_44 = arith.constant 0 : i32
        %dma_start3A_45 = tpu.memref_slice %arg6[%dma_start3A_43, %dma_start3A_44] : memref<328x128xf32, #tpu.memory_space<hbm>> -> memref<8x128xf32, #tpu.memory_space<hbm>>
        tpu.enqueue_dma source(%dma_start3A_45 : memref<8x128xf32, #tpu.memory_space<hbm>>) target(%dma_start3A_42 : memref<8x128xf32, #tpu.memory_space<vmem_shared>>) target_semaphore(%run_scoped3A : memref<!tpu.dma_semaphore, #tpu.memory_space<semaphore_mem>>)
        %dma_wait3A = arith.constant 5008 : i32
        %dma_wait3A_46 = arith.constant 0 : i32
        %dma_wait3A_47 = tpu.memref_slice %arg12[%dma_wait3A, %dma_wait3A_46] : memref<5016x128xf32, #tpu.memory_space<vmem_shared>> -> memref<8x128xf32, #tpu.memory_space<vmem_shared>>
        %dma_wait3A_48 = arith.constant 0 : i32
        %dma_wait3A_49 = arith.constant 0 : i32
        %dma_wait3A_50 = tpu.memref_slice %arg6[%dma_wait3A_48, %dma_wait3A_49] : memref<328x128xf32, #tpu.memory_space<hbm>> -> memref<8x128xf32, #tpu.memory_space<hbm>>
        tpu.wait_dma2 semaphore(%run_scoped3A : memref<!tpu.dma_semaphore, #tpu.memory_space<semaphore_mem>>) src(%dma_wait3A_50 : memref<8x128xf32, #tpu.memory_space<hbm>>) dst(%dma_wait3A_47 : memref<8x128xf32, #tpu.memory_space<vmem_shared>>)
        tpu.yield
      }) : () -> ()
    } else {
    }
    %barrier3A = arith.constant 0 : index
    tpu.barrier barrier_id(%barrier3A)
    %mul3A_16 = arith.constant 16 : i32
    %mul3A_17 = arith.muli %add3A, %mul3A_16 : i32
    %multiple_of3A = tpu.assume_multiple %mul3A_17, 16 : i32
    "tpu.region"() ({
      %run_scoped3A = tpu.sem_alloc : memref<!tpu.dma_semaphore, #tpu.memory_space<semaphore_mem>>
      %dma_start3A = tpu.memref_slice %arg5[%multiple_of3A] : memref<512xi32, #tpu.memory_space<hbm>> -> memref<16xi32, #tpu.memory_space<hbm>>
      %dma_start3A_41 = tpu.memref_slice %arg5[%multiple_of3A] : memref<512xi32, #tpu.memory_space<hbm>> -> memref<16xi32, #tpu.memory_space<hbm>>
      tpu.enqueue_dma source(%dma_start3A_41 : memref<16xi32, #tpu.memory_space<hbm>>) target(%arg10 : memref<16xi32, #tpu.memory_space<vmem>>) target_semaphore(%run_scoped3A : memref<!tpu.dma_semaphore, #tpu.memory_space<semaphore_mem>>)
      %dma_wait3A = tpu.memref_slice %arg5[%multiple_of3A] : memref<512xi32, #tpu.memory_space<hbm>> -> memref<16xi32, #tpu.memory_space<hbm>>
      %dma_wait3A_42 = tpu.memref_slice %arg5[%multiple_of3A] : memref<512xi32, #tpu.memory_space<hbm>> -> memref<16xi32, #tpu.memory_space<hbm>>
      tpu.wait_dma2 semaphore(%run_scoped3A : memref<!tpu.dma_semaphore, #tpu.memory_space<semaphore_mem>>) src(%dma_wait3A_42 : memref<16xi32, #tpu.memory_space<hbm>>) dst(%arg10 : memref<16xi32, #tpu.memory_space<vmem>>)
      tpu.yield
    }) : () -> ()
    %get3A = arith.constant 0 : index
    %get3A_18 = tpu.vector_load %arg10[%get3A] {strides = array<i32>} : memref<16xi32, #tpu.memory_space<vmem>>, vector<16xi32>,
    %slice3A = vector.extract_strided_slice %get3A_18 {offsets = [0], sizes = [1], strides = [1]} : vector<16xi32> to vector<1xi32>
    %squeeze3A = vector.extract %slice3A[0] : i32 from vector<1xi32>
    %while3A = arith.constant 0 : i32
    %while3A_19 = arith.constant 0 : i32
    %while3A_20 = arith.subi %squeeze3A, %while3A_19 : i32
    %while3A_21 = arith.addi %while3A_19, %while3A_20 : i32
    %while3A_22 = arith.constant 1 : i32
    %while3A_23 = arith.divsi %while3A_20, %while3A_22 : i32
    %while3A_24 = arith.muli %while3A_23, %while3A_22 : i32
    %while3A_25 = arith.addi %while3A_19, %while3A_24 : i32
    %while3A_26 = arith.constant 1 : i32
    scf.for %while3A_41 = %while3A_19 to %while3A_25 step %while3A_26  : i32 {
      %mul3A_42 = arith.constant 64 : i32
      %mul3A_43 = arith.muli %while3A_41, %mul3A_42 : i32
      %add3A_44 = arith.addi %mul3A_2, %mul3A_43 : i32
      %multiple_of3A_45 = tpu.assume_multiple %add3A_44, 64 : i32
      "tpu.region"() ({
        %run_scoped3A = tpu.sem_alloc : memref<!tpu.dma_semaphore, #tpu.memory_space<semaphore_mem>>
        %dma_start3A_50 = tpu.memref_slice %arg3[%multiple_of3A_45] : memref<10485760xi32, #tpu.memory_space<hbm>> -> memref<64xi32, #tpu.memory_space<hbm>>
        %dma_start3A_51 = tpu.memref_slice %arg3[%multiple_of3A_45] : memref<10485760xi32, #tpu.memory_space<hbm>> -> memref<64xi32, #tpu.memory_space<hbm>>
        tpu.enqueue_dma source(%dma_start3A_51 : memref<64xi32, #tpu.memory_space<hbm>>) target(%arg8 : memref<64xi32, #tpu.memory_space<vmem>>) target_semaphore(%run_scoped3A : memref<!tpu.dma_semaphore, #tpu.memory_space<semaphore_mem>>)
        %dma_wait3A_52 = tpu.memref_slice %arg3[%multiple_of3A_45] : memref<10485760xi32, #tpu.memory_space<hbm>> -> memref<64xi32, #tpu.memory_space<hbm>>
        %dma_wait3A_53 = tpu.memref_slice %arg3[%multiple_of3A_45] : memref<10485760xi32, #tpu.memory_space<hbm>> -> memref<64xi32, #tpu.memory_space<hbm>>
        tpu.wait_dma2 semaphore(%run_scoped3A : memref<!tpu.dma_semaphore, #tpu.memory_space<semaphore_mem>>) src(%dma_wait3A_53 : memref<64xi32, #tpu.memory_space<hbm>>) dst(%arg8 : memref<64xi32, #tpu.memory_space<vmem>>)
        tpu.yield
      }) : () -> ()
      "tpu.region"() ({
        %run_scoped3A = tpu.sem_alloc : memref<!tpu.dma_semaphore, #tpu.memory_space<semaphore_mem>>
        %dma_start3A_50 = tpu.memref_slice %arg4[%multiple_of3A_45] : memref<10485760xi32, #tpu.memory_space<hbm>> -> memref<64xi32, #tpu.memory_space<hbm>>
        %dma_start3A_51 = tpu.memref_slice %arg4[%multiple_of3A_45] : memref<10485760xi32, #tpu.memory_space<hbm>> -> memref<64xi32, #tpu.memory_space<hbm>>
        tpu.enqueue_dma source(%dma_start3A_51 : memref<64xi32, #tpu.memory_space<hbm>>) target(%arg9 : memref<64xi32, #tpu.memory_space<vmem>>) target_semaphore(%run_scoped3A : memref<!tpu.dma_semaphore, #tpu.memory_space<semaphore_mem>>)
        %dma_wait3A_52 = tpu.memref_slice %arg4[%multiple_of3A_45] : memref<10485760xi32, #tpu.memory_space<hbm>> -> memref<64xi32, #tpu.memory_space<hbm>>
        %dma_wait3A_53 = tpu.memref_slice %arg4[%multiple_of3A_45] : memref<10485760xi32, #tpu.memory_space<hbm>> -> memref<64xi32, #tpu.memory_space<hbm>>
        tpu.wait_dma2 semaphore(%run_scoped3A : memref<!tpu.dma_semaphore, #tpu.memory_space<semaphore_mem>>) src(%dma_wait3A_53 : memref<64xi32, #tpu.memory_space<hbm>>) dst(%arg9 : memref<64xi32, #tpu.memory_space<vmem>>)
        tpu.yield
      }) : () -> ()
      %dma_start3A = arith.constant 0 : i32
      %dma_start3A_46 = arith.constant 0 : i32
      %dma_start3A_47 = tpu.memref_slice %arg2[%dma_start3A, %dma_start3A_46] : memref<10000x128xf32, #tpu.memory_space<hbm>> -> memref<10000x128xf32, #tpu.memory_space<hbm>>
      tpu.enqueue_indirect_dma source(%dma_start3A_47 : memref<10000x128xf32, #tpu.memory_space<hbm>>) target(%arg11 : memref<64x128xf32, #tpu.memory_space<vmem>>) offsets(%arg8 : memref<64xi32, #tpu.memory_space<vmem>>) semaphore(%arg13 : memref<!tpu.dma_semaphore, #tpu.memory_space<semaphore_mem>>)
      %dma_wait3A = arith.constant 0 : i32
      %dma_wait3A_48 = arith.constant 0 : i32
      %dma_wait3A_49 = tpu.memref_slice %arg2[%dma_wait3A, %dma_wait3A_48] : memref<10000x128xf32, #tpu.memory_space<hbm>> -> memref<10000x128xf32, #tpu.memory_space<hbm>>
      tpu.wait_indirect_dma semaphore(%arg13 : memref<!tpu.dma_semaphore, #tpu.memory_space<semaphore_mem>>) src(%dma_wait3A_49 : memref<10000x128xf32, #tpu.memory_space<hbm>>) dst(%arg11 : memref<64x128xf32, #tpu.memory_space<vmem>>)
      "tpu.region"() ({
        %run_scoped3A = tpu.sem_alloc : memref<!tpu.dma_semaphore, #tpu.memory_space<semaphore_mem>>
        %dma_start3A_50 = arith.constant 0 : i32
        %dma_start3A_51 = arith.constant 0 : i32
        %dma_start3A_52 = tpu.memref_slice %arg12[%dma_start3A_50, %dma_start3A_51] : memref<5016x128xf32, #tpu.memory_space<vmem_shared>> -> memref<5016x128xf32, #tpu.memory_space<vmem_shared>>
        tpu.enqueue_indirect_dma source(%arg11 : memref<64x128xf32, #tpu.memory_space<vmem>>) target(%dma_start3A_52 : memref<5016x128xf32, #tpu.memory_space<vmem_shared>>) offsets(%arg9 : memref<64xi32, #tpu.memory_space<vmem>>) semaphore(%run_scoped3A : memref<!tpu.dma_semaphore, #tpu.memory_space<semaphore_mem>>) {add = true}
        %dma_wait3A_53 = arith.constant 0 : i32
        %dma_wait3A_54 = arith.constant 0 : i32
        %dma_wait3A_55 = tpu.memref_slice %arg12[%dma_wait3A_53, %dma_wait3A_54] : memref<5016x128xf32, #tpu.memory_space<vmem_shared>> -> memref<5016x128xf32, #tpu.memory_space<vmem_shared>>
        tpu.wait_indirect_dma semaphore(%run_scoped3A : memref<!tpu.dma_semaphore, #tpu.memory_space<semaphore_mem>>) src(%arg11 : memref<64x128xf32, #tpu.memory_space<vmem>>) dst(%dma_wait3A_55 : memref<5016x128xf32, #tpu.memory_space<vmem_shared>>)
        tpu.yield
      }) : () -> ()
    }
    %while3A_27 = arith.constant 1 : i32
    scf.for %while3A_41 = %while3A_25 to %while3A_21 step %while3A_27  : i32 {
      %mul3A_42 = arith.constant 64 : i32
      %mul3A_43 = arith.muli %while3A_41, %mul3A_42 : i32
      %add3A_44 = arith.addi %mul3A_2, %mul3A_43 : i32
      %multiple_of3A_45 = tpu.assume_multiple %add3A_44, 64 : i32
      "tpu.region"() ({
        %run_scoped3A = tpu.sem_alloc : memref<!tpu.dma_semaphore, #tpu.memory_space<semaphore_mem>>
        %dma_start3A_50 = tpu.memref_slice %arg3[%multiple_of3A_45] : memref<10485760xi32, #tpu.memory_space<hbm>> -> memref<64xi32, #tpu.memory_space<hbm>>
        %dma_start3A_51 = tpu.memref_slice %arg3[%multiple_of3A_45] : memref<10485760xi32, #tpu.memory_space<hbm>> -> memref<64xi32, #tpu.memory_space<hbm>>
        tpu.enqueue_dma source(%dma_start3A_51 : memref<64xi32, #tpu.memory_space<hbm>>) target(%arg8 : memref<64xi32, #tpu.memory_space<vmem>>) target_semaphore(%run_scoped3A : memref<!tpu.dma_semaphore, #tpu.memory_space<semaphore_mem>>)
        %dma_wait3A_52 = tpu.memref_slice %arg3[%multiple_of3A_45] : memref<10485760xi32, #tpu.memory_space<hbm>> -> memref<64xi32, #tpu.memory_space<hbm>>
        %dma_wait3A_53 = tpu.memref_slice %arg3[%multiple_of3A_45] : memref<10485760xi32, #tpu.memory_space<hbm>> -> memref<64xi32, #tpu.memory_space<hbm>>
        tpu.wait_dma2 semaphore(%run_scoped3A : memref<!tpu.dma_semaphore, #tpu.memory_space<semaphore_mem>>) src(%dma_wait3A_53 : memref<64xi32, #tpu.memory_space<hbm>>) dst(%arg8 : memref<64xi32, #tpu.memory_space<vmem>>)
        tpu.yield
      }) : () -> ()
      "tpu.region"() ({
        %run_scoped3A = tpu.sem_alloc : memref<!tpu.dma_semaphore, #tpu.memory_space<semaphore_mem>>
        %dma_start3A_50 = tpu.memref_slice %arg4[%multiple_of3A_45] : memref<10485760xi32, #tpu.memory_space<hbm>> -> memref<64xi32, #tpu.memory_space<hbm>>
        %dma_start3A_51 = tpu.memref_slice %arg4[%multiple_of3A_45] : memref<10485760xi32, #tpu.memory_space<hbm>> -> memref<64xi32, #tpu.memory_space<hbm>>
        tpu.enqueue_dma source(%dma_start3A_51 : memref<64xi32, #tpu.memory_space<hbm>>) target(%arg9 : memref<64xi32, #tpu.memory_space<vmem>>) target_semaphore(%run_scoped3A : memref<!tpu.dma_semaphore, #tpu.memory_space<semaphore_mem>>)
        %dma_wait3A_52 = tpu.memref_slice %arg4[%multiple_of3A_45] : memref<10485760xi32, #tpu.memory_space<hbm>> -> memref<64xi32, #tpu.memory_space<hbm>>
        %dma_wait3A_53 = tpu.memref_slice %arg4[%multiple_of3A_45] : memref<10485760xi32, #tpu.memory_space<hbm>> -> memref<64xi32, #tpu.memory_space<hbm>>
        tpu.wait_dma2 semaphore(%run_scoped3A : memref<!tpu.dma_semaphore, #tpu.memory_space<semaphore_mem>>) src(%dma_wait3A_53 : memref<64xi32, #tpu.memory_space<hbm>>) dst(%arg9 : memref<64xi32, #tpu.memory_space<vmem>>)
        tpu.yield
      }) : () -> ()
      %dma_start3A = arith.constant 0 : i32
      %dma_start3A_46 = arith.constant 0 : i32
      %dma_start3A_47 = tpu.memref_slice %arg2[%dma_start3A, %dma_start3A_46] : memref<10000x128xf32, #tpu.memory_space<hbm>> -> memref<10000x128xf32, #tpu.memory_space<hbm>>
      tpu.enqueue_indirect_dma source(%dma_start3A_47 : memref<10000x128xf32, #tpu.memory_space<hbm>>) target(%arg11 : memref<64x128xf32, #tpu.memory_space<vmem>>) offsets(%arg8 : memref<64xi32, #tpu.memory_space<vmem>>) semaphore(%arg13 : memref<!tpu.dma_semaphore, #tpu.memory_space<semaphore_mem>>)
      %dma_wait3A = arith.constant 0 : i32
      %dma_wait3A_48 = arith.constant 0 : i32
      %dma_wait3A_49 = tpu.memref_slice %arg2[%dma_wait3A, %dma_wait3A_48] : memref<10000x128xf32, #tpu.memory_space<hbm>> -> memref<10000x128xf32, #tpu.memory_space<hbm>>
      tpu.wait_indirect_dma semaphore(%arg13 : memref<!tpu.dma_semaphore, #tpu.memory_space<semaphore_mem>>) src(%dma_wait3A_49 : memref<10000x128xf32, #tpu.memory_space<hbm>>) dst(%arg11 : memref<64x128xf32, #tpu.memory_space<vmem>>)
      "tpu.region"() ({
        %run_scoped3A = tpu.sem_alloc : memref<!tpu.dma_semaphore, #tpu.memory_space<semaphore_mem>>
        %dma_start3A_50 = arith.constant 0 : i32
        %dma_start3A_51 = arith.constant 0 : i32
        %dma_start3A_52 = tpu.memref_slice %arg12[%dma_start3A_50, %dma_start3A_51] : memref<5016x128xf32, #tpu.memory_space<vmem_shared>> -> memref<5016x128xf32, #tpu.memory_space<vmem_shared>>
        tpu.enqueue_indirect_dma source(%arg11 : memref<64x128xf32, #tpu.memory_space<vmem>>) target(%dma_start3A_52 : memref<5016x128xf32, #tpu.memory_space<vmem_shared>>) offsets(%arg9 : memref<64xi32, #tpu.memory_space<vmem>>) semaphore(%run_scoped3A : memref<!tpu.dma_semaphore, #tpu.memory_space<semaphore_mem>>) {add = true}
        %dma_wait3A_53 = arith.constant 0 : i32
        %dma_wait3A_54 = arith.constant 0 : i32
        %dma_wait3A_55 = tpu.memref_slice %arg12[%dma_wait3A_53, %dma_wait3A_54] : memref<5016x128xf32, #tpu.memory_space<vmem_shared>> -> memref<5016x128xf32, #tpu.memory_space<vmem_shared>>
        tpu.wait_indirect_dma semaphore(%run_scoped3A : memref<!tpu.dma_semaphore, #tpu.memory_space<semaphore_mem>>) src(%arg11 : memref<64x128xf32, #tpu.memory_space<vmem>>) dst(%dma_wait3A_55 : memref<5016x128xf32, #tpu.memory_space<vmem_shared>>)
        tpu.yield
      }) : () -> ()
    }
    %barrier3A_28 = arith.constant 0 : index
    tpu.barrier barrier_id(%barrier3A_28)
    %mul3A_29 = arith.constant 312 : i32
    %mul3A_30 = arith.muli %add3A, %mul3A_29 : i32
    %lt3A_31 = arith.constant 31 : i32
    %lt3A_32 = arith.cmpi slt, %add3A, %lt3A_31 : i32
    %convert_element_type3A_33 = arith.extui %lt3A_32 : i1 to i32
    %cond3A_34 = arith.constant 0 : i32
    %cond3A_35 = arith.cmpi ne, %convert_element_type3A_33, %cond3A_34 : i32
    scf.if %cond3A_35 {
      "tpu.region"() ({
        %run_scoped3A = tpu.sem_alloc : memref<!tpu.dma_semaphore, #tpu.memory_space<semaphore_mem>>
        %dma_start3A = arith.constant 0 : i32
        %dma_start3A_41 = tpu.memref_slice %arg7[%mul3A_30, %dma_start3A] : memref<10000x128xf32, #tpu.memory_space<hbm>> -> memref<312x128xf32, #tpu.memory_space<hbm>>
        %dma_start3A_42 = arith.constant 0 : i32
        %dma_start3A_43 = tpu.memref_slice %arg12[%mul3A_4, %dma_start3A_42] : memref<5016x128xf32, #tpu.memory_space<vmem_shared>> -> memref<312x128xf32, #tpu.memory_space<vmem_shared>>
        tpu.enqueue_dma source(%dma_start3A_43 : memref<312x128xf32, #tpu.memory_space<vmem_shared>>) target(%dma_start3A_41 : memref<312x128xf32, #tpu.memory_space<hbm>>) target_semaphore(%run_scoped3A : memref<!tpu.dma_semaphore, #tpu.memory_space<semaphore_mem>>)
        %dma_wait3A = arith.constant 0 : i32
        %dma_wait3A_44 = tpu.memref_slice %arg7[%mul3A_30, %dma_wait3A] : memref<10000x128xf32, #tpu.memory_space<hbm>> -> memref<312x128xf32, #tpu.memory_space<hbm>>
        %dma_wait3A_45 = arith.constant 0 : i32
        %dma_wait3A_46 = tpu.memref_slice %arg12[%mul3A_4, %dma_wait3A_45] : memref<5016x128xf32, #tpu.memory_space<vmem_shared>> -> memref<312x128xf32, #tpu.memory_space<vmem_shared>>
        tpu.wait_dma2 semaphore(%run_scoped3A : memref<!tpu.dma_semaphore, #tpu.memory_space<semaphore_mem>>) src(%dma_wait3A_46 : memref<312x128xf32, #tpu.memory_space<vmem_shared>>) dst(%dma_wait3A_44 : memref<312x128xf32, #tpu.memory_space<hbm>>)
        tpu.yield
      }) : () -> ()
    } else {
    }
    %eq3A_36 = arith.constant 31 : i32
    %eq3A_37 = arith.cmpi eq, %add3A, %eq3A_36 : i32
    %convert_element_type3A_38 = arith.extui %eq3A_37 : i1 to i32
    %cond3A_39 = arith.constant 0 : i32
    %cond3A_40 = arith.cmpi ne, %convert_element_type3A_38, %cond3A_39 : i32
    scf.if %cond3A_40 {
      "tpu.region"() ({
        %run_scoped3A = tpu.sem_alloc : memref<!tpu.dma_semaphore, #tpu.memory_space<semaphore_mem>>
        %dma_start3A = arith.constant 0 : i32
        %dma_start3A_41 = tpu.memref_slice %arg7[%mul3A_30, %dma_start3A] : memref<10000x128xf32, #tpu.memory_space<hbm>> -> memref<328x128xf32, #tpu.memory_space<hbm>>
        %dma_start3A_42 = arith.constant 0 : i32
        %dma_start3A_43 = tpu.memref_slice %arg12[%mul3A_4, %dma_start3A_42] : memref<5016x128xf32, #tpu.memory_space<vmem_shared>> -> memref<328x128xf32, #tpu.memory_space<vmem_shared>>
        tpu.enqueue_dma source(%dma_start3A_43 : memref<328x128xf32, #tpu.memory_space<vmem_shared>>) target(%dma_start3A_41 : memref<328x128xf32, #tpu.memory_space<hbm>>) target_semaphore(%run_scoped3A : memref<!tpu.dma_semaphore, #tpu.memory_space<semaphore_mem>>)
        %dma_wait3A = arith.constant 0 : i32
        %dma_wait3A_44 = tpu.memref_slice %arg7[%mul3A_30, %dma_wait3A] : memref<10000x128xf32, #tpu.memory_space<hbm>> -> memref<328x128xf32, #tpu.memory_space<hbm>>
        %dma_wait3A_45 = arith.constant 0 : i32
        %dma_wait3A_46 = tpu.memref_slice %arg12[%mul3A_4, %dma_wait3A_45] : memref<5016x128xf32, #tpu.memory_space<vmem_shared>> -> memref<328x128xf32, #tpu.memory_space<vmem_shared>>
        tpu.wait_dma2 semaphore(%run_scoped3A : memref<!tpu.dma_semaphore, #tpu.memory_space<semaphore_mem>>) src(%dma_wait3A_46 : memref<328x128xf32, #tpu.memory_space<vmem_shared>>) dst(%dma_wait3A_44 : memref<328x128xf32, #tpu.memory_space<hbm>>)
        tpu.yield
      }) : () -> ()
    } else {
    }
    return
  }
}

#map = affine_map<(d0, d1) -> (0, 0)>
#map1 = affine_map<(d0, d1) -> (0)>
module attributes {stable_mosaic.version = 14 : i64} {
  func.func @agg(%arg0: i32, %arg1: i32, %arg2: memref<10000x128xf32, #tpu.memory_space<hbm>>, %arg3: memref<10485760xi32, #tpu.memory_space<hbm>>, %arg4: memref<10485760xi32, #tpu.memory_space<hbm>>, %arg5: memref<512xi32, #tpu.memory_space<hbm>>, %arg6: memref<328x128xf32, #tpu.memory_space<hbm>>, %arg7: memref<10000x128xf32, #tpu.memory_space<hbm>>, %arg8: memref<64xi32, #tpu.memory_space<vmem>>, %arg9: memref<64xi32, #tpu.memory_space<vmem>>, %arg10: memref<16xi32, #tpu.memory_space<vmem>>, %arg11: memref<64x128xf32, #tpu.memory_space<vmem>>, %arg12: memref<5016x128xf32, #tpu.memory_space<vmem_shared>>, %arg13: memref<!tpu.dma_semaphore, #tpu.memory_space<semaphore_mem>>) attributes {dimension_semantics = [#tpu.dimension_semantics<core_parallel>, #tpu.dimension_semantics<subcore_parallel>], iteration_bounds = array<i64: 2, 16>, scalar_prefetch = 0 : i64, scratch_operands = 6 : i64, tpu.core_type = #tpu.core_type<sc_vector_subcore>, window_params = [{transform_indices = #map}, {transform_indices = #map1}, {transform_indices = #map1}, {transform_indices = #map1}, {transform_indices = #map}, {transform_indices = #map}]} {
    %mul3A = arith.constant 16 : i32
    %mul3A_0 = arith.muli %arg0, %mul3A : i32
    %add3A = arith.addi %mul3A_0, %arg1 : i32
    %mul3A_1 = arith.constant 327680 : i32
    %mul3A_2 = arith.muli %add3A, %mul3A_1 : i32
    %mul3A_3 = arith.constant 312 : i32
    %mul3A_4 = arith.muli %arg1, %mul3A_3 : i32
    %lt3A = arith.constant 31 : i32
    %lt3A_5 = arith.cmpi slt, %add3A, %lt3A : i32
    %convert_element_type3A = arith.extui %lt3A_5 : i1 to i32
    %cond3A = arith.constant 0 : i32
    %cond3A_6 = arith.cmpi ne, %convert_element_type3A, %cond3A : i32
    scf.if %cond3A_6 {
      "tpu.region"() ({
        %run_scoped3A = tpu.sem_alloc : memref<!tpu.dma_semaphore, #tpu.memory_space<semaphore_mem>>
        %dma_start3A = arith.constant 0 : i32
        %dma_start3A_41 = tpu.memref_slice %arg12[%mul3A_4, %dma_start3A] : memref<5016x128xf32, #tpu.memory_space<vmem_shared>> -> memref<312x128xf32, #tpu.memory_space<vmem_shared>>
        %dma_start3A_42 = arith.constant 0 : i32
        %dma_start3A_43 = arith.constant 0 : i32
        %dma_start3A_44 = tpu.memref_slice %arg6[%dma_start3A_42, %dma_start3A_43] : memref<328x128xf32, #tpu.memory_space<hbm>> -> memref<312x128xf32, #tpu.memory_space<hbm>>
        tpu.enqueue_dma source(%dma_start3A_44 : memref<312x128xf32, #tpu.memory_space<hbm>>) target(%dma_start3A_41 : memref<312x128xf32, #tpu.memory_space<vmem_shared>>) target_semaphore(%run_scoped3A : memref<!tpu.dma_semaphore, #tpu.memory_space<semaphore_mem>>)
        %dma_wait3A = arith.constant 0 : i32
        %dma_wait3A_45 = tpu.memref_slice %arg12[%mul3A_4, %dma_wait3A] : memref<5016x128xf32, #tpu.memory_space<vmem_shared>> -> memref<312x128xf32, #tpu.memory_space<vmem_shared>>
        %dma_wait3A_46 = arith.constant 0 : i32
        %dma_wait3A_47 = arith.constant 0 : i32
        %dma_wait3A_48 = tpu.memref_slice %arg6[%dma_wait3A_46, %dma_wait3A_47] : memref<328x128xf32, #tpu.memory_space<hbm>> -> memref<312x128xf32, #tpu.memory_space<hbm>>
        tpu.wait_dma2 semaphore(%run_scoped3A : memref<!tpu.dma_semaphore, #tpu.memory_space<semaphore_mem>>) src(%dma_wait3A_48 : memref<312x128xf32, #tpu.memory_space<hbm>>) dst(%dma_wait3A_45 : memref<312x128xf32, #tpu.memory_space<vmem_shared>>)
        tpu.yield
      }) : () -> ()
    } else {
    }
    %eq3A = arith.constant 31 : i32
    %eq3A_7 = arith.cmpi eq, %add3A, %eq3A : i32
    %convert_element_type3A_8 = arith.extui %eq3A_7 : i1 to i32
    %cond3A_9 = arith.constant 0 : i32
    %cond3A_10 = arith.cmpi ne, %convert_element_type3A_8, %cond3A_9 : i32
    scf.if %cond3A_10 {
      "tpu.region"() ({
        %run_scoped3A = tpu.sem_alloc : memref<!tpu.dma_semaphore, #tpu.memory_space<semaphore_mem>>
        %dma_start3A = arith.constant 0 : i32
        %dma_start3A_41 = tpu.memref_slice %arg12[%mul3A_4, %dma_start3A] : memref<5016x128xf32, #tpu.memory_space<vmem_shared>> -> memref<328x128xf32, #tpu.memory_space<vmem_shared>>
        %dma_start3A_42 = arith.constant 0 : i32
        %dma_start3A_43 = arith.constant 0 : i32
        %dma_start3A_44 = tpu.memref_slice %arg6[%dma_start3A_42, %dma_start3A_43] : memref<328x128xf32, #tpu.memory_space<hbm>> -> memref<328x128xf32, #tpu.memory_space<hbm>>
        tpu.enqueue_dma source(%dma_start3A_44 : memref<328x128xf32, #tpu.memory_space<hbm>>) target(%dma_start3A_41 : memref<328x128xf32, #tpu.memory_space<vmem_shared>>) target_semaphore(%run_scoped3A : memref<!tpu.dma_semaphore, #tpu.memory_space<semaphore_mem>>)
        %dma_wait3A = arith.constant 0 : i32
        %dma_wait3A_45 = tpu.memref_slice %arg12[%mul3A_4, %dma_wait3A] : memref<5016x128xf32, #tpu.memory_space<vmem_shared>> -> memref<328x128xf32, #tpu.memory_space<vmem_shared>>
        %dma_wait3A_46 = arith.constant 0 : i32
        %dma_wait3A_47 = arith.constant 0 : i32
        %dma_wait3A_48 = tpu.memref_slice %arg6[%dma_wait3A_46, %dma_wait3A_47] : memref<328x128xf32, #tpu.memory_space<hbm>> -> memref<328x128xf32, #tpu.memory_space<hbm>>
        tpu.wait_dma2 semaphore(%run_scoped3A : memref<!tpu.dma_semaphore, #tpu.memory_space<semaphore_mem>>) src(%dma_wait3A_48 : memref<328x128xf32, #tpu.memory_space<hbm>>) dst(%dma_wait3A_45 : memref<328x128xf32, #tpu.memory_space<vmem_shared>>)
        tpu.yield
      }) : () -> ()
    } else {
    }
    %eq3A_11 = arith.constant 0 : i32
    %eq3A_12 = arith.cmpi eq, %arg1, %eq3A_11 : i32
    %convert_element_type3A_13 = arith.extui %eq3A_12 : i1 to i32
    %cond3A_14 = arith.constant 0 : i32
    %cond3A_15 = arith.cmpi ne, %convert_element_type3A_13, %cond3A_14 : i32
    scf.if %cond3A_15 {
      "tpu.region"() ({
        %run_scoped3A = tpu.sem_alloc : memref<!tpu.dma_semaphore, #tpu.memory_space<semaphore_mem>>
        %dma_start3A = arith.constant 5008 : i32
        %dma_start3A_41 = arith.constant 0 : i32
        %dma_start3A_42 = tpu.memref_slice %arg12[%dma_start3A, %dma_start3A_41] : memref<5016x128xf32, #tpu.memory_space<vmem_shared>> -> memref<8x128xf32, #tpu.memory_space<vmem_shared>>
        %dma_start3A_43 = arith.constant 0 : i32
        %dma_start3A_44 = arith.constant 0 : i32
        %dma_start3A_45 = tpu.memref_slice %arg6[%dma_start3A_43, %dma_start3A_44] : memref<328x128xf32, #tpu.memory_space<hbm>> -> memref<8x128xf32, #tpu.memory_space<hbm>>
        tpu.enqueue_dma source(%dma_start3A_45 : memref<8x128xf32, #tpu.memory_space<hbm>>) target(%dma_start3A_42 : memref<8x128xf32, #tpu.memory_space<vmem_shared>>) target_semaphore(%run_scoped3A : memref<!tpu.dma_semaphore, #tpu.memory_space<semaphore_mem>>)
        %dma_wait3A = arith.constant 5008 : i32
        %dma_wait3A_46 = arith.constant 0 : i32
        %dma_wait3A_47 = tpu.memref_slice %arg12[%dma_wait3A, %dma_wait3A_46] : memref<5016x128xf32, #tpu.memory_space<vmem_shared>> -> memref<8x128xf32, #tpu.memory_space<vmem_shared>>
        %dma_wait3A_48 = arith.constant 0 : i32
        %dma_wait3A_49 = arith.constant 0 : i32
        %dma_wait3A_50 = tpu.memref_slice %arg6[%dma_wait3A_48, %dma_wait3A_49] : memref<328x128xf32, #tpu.memory_space<hbm>> -> memref<8x128xf32, #tpu.memory_space<hbm>>
        tpu.wait_dma2 semaphore(%run_scoped3A : memref<!tpu.dma_semaphore, #tpu.memory_space<semaphore_mem>>) src(%dma_wait3A_50 : memref<8x128xf32, #tpu.memory_space<hbm>>) dst(%dma_wait3A_47 : memref<8x128xf32, #tpu.memory_space<vmem_shared>>)
        tpu.yield
      }) : () -> ()
    } else {
    }
    %barrier3A = arith.constant 0 : index
    tpu.barrier barrier_id(%barrier3A)
    %mul3A_16 = arith.constant 16 : i32
    %mul3A_17 = arith.muli %add3A, %mul3A_16 : i32
    %multiple_of3A = tpu.assume_multiple %mul3A_17, 16 : i32
    "tpu.region"() ({
      %run_scoped3A = tpu.sem_alloc : memref<!tpu.dma_semaphore, #tpu.memory_space<semaphore_mem>>
      %dma_start3A = tpu.memref_slice %arg5[%multiple_of3A] : memref<512xi32, #tpu.memory_space<hbm>> -> memref<16xi32, #tpu.memory_space<hbm>>
      %dma_start3A_41 = tpu.memref_slice %arg5[%multiple_of3A] : memref<512xi32, #tpu.memory_space<hbm>> -> memref<16xi32, #tpu.memory_space<hbm>>
      tpu.enqueue_dma source(%dma_start3A_41 : memref<16xi32, #tpu.memory_space<hbm>>) target(%arg10 : memref<16xi32, #tpu.memory_space<vmem>>) target_semaphore(%run_scoped3A : memref<!tpu.dma_semaphore, #tpu.memory_space<semaphore_mem>>)
      %dma_wait3A = tpu.memref_slice %arg5[%multiple_of3A] : memref<512xi32, #tpu.memory_space<hbm>> -> memref<16xi32, #tpu.memory_space<hbm>>
      %dma_wait3A_42 = tpu.memref_slice %arg5[%multiple_of3A] : memref<512xi32, #tpu.memory_space<hbm>> -> memref<16xi32, #tpu.memory_space<hbm>>
      tpu.wait_dma2 semaphore(%run_scoped3A : memref<!tpu.dma_semaphore, #tpu.memory_space<semaphore_mem>>) src(%dma_wait3A_42 : memref<16xi32, #tpu.memory_space<hbm>>) dst(%arg10 : memref<16xi32, #tpu.memory_space<vmem>>)
      tpu.yield
    }) : () -> ()
    %get3A = arith.constant 0 : index
    %get3A_18 = tpu.vector_load %arg10[%get3A] {strides = array<i32>} : memref<16xi32, #tpu.memory_space<vmem>>, vector<16xi32>,
    %slice3A = vector.extract_strided_slice %get3A_18 {offsets = [0], sizes = [1], strides = [1]} : vector<16xi32> to vector<1xi32>
    %squeeze3A = vector.extract %slice3A[0] : i32 from vector<1xi32>
    %while3A = arith.constant 0 : i32
    %while3A_19 = arith.constant 0 : i32
    %while3A_20 = arith.subi %squeeze3A, %while3A_19 : i32
    %while3A_21 = arith.addi %while3A_19, %while3A_20 : i32
    %while3A_22 = arith.constant 1 : i32
    %while3A_23 = arith.divsi %while3A_20, %while3A_22 : i32
    %while3A_24 = arith.muli %while3A_23, %while3A_22 : i32
    %while3A_25 = arith.addi %while3A_19, %while3A_24 : i32
    %while3A_26 = arith.constant 1 : i32
    scf.for %while3A_41 = %while3A_19 to %while3A_25 step %while3A_26  : i32 {
      %mul3A_42 = arith.constant 64 : i32
      %mul3A_43 = arith.muli %while3A_41, %mul3A_42 : i32
      %add3A_44 = arith.addi %mul3A_2, %mul3A_43 : i32
      %multiple_of3A_45 = tpu.assume_multiple %add3A_44, 64 : i32
      "tpu.region"() ({
        %run_scoped3A = tpu.sem_alloc : memref<!tpu.dma_semaphore, #tpu.memory_space<semaphore_mem>>
        %dma_start3A_50 = tpu.memref_slice %arg3[%multiple_of3A_45] : memref<10485760xi32, #tpu.memory_space<hbm>> -> memref<64xi32, #tpu.memory_space<hbm>>
        %dma_start3A_51 = tpu.memref_slice %arg3[%multiple_of3A_45] : memref<10485760xi32, #tpu.memory_space<hbm>> -> memref<64xi32, #tpu.memory_space<hbm>>
        tpu.enqueue_dma source(%dma_start3A_51 : memref<64xi32, #tpu.memory_space<hbm>>) target(%arg8 : memref<64xi32, #tpu.memory_space<vmem>>) target_semaphore(%run_scoped3A : memref<!tpu.dma_semaphore, #tpu.memory_space<semaphore_mem>>)
        %dma_wait3A_52 = tpu.memref_slice %arg3[%multiple_of3A_45] : memref<10485760xi32, #tpu.memory_space<hbm>> -> memref<64xi32, #tpu.memory_space<hbm>>
        %dma_wait3A_53 = tpu.memref_slice %arg3[%multiple_of3A_45] : memref<10485760xi32, #tpu.memory_space<hbm>> -> memref<64xi32, #tpu.memory_space<hbm>>
        tpu.wait_dma2 semaphore(%run_scoped3A : memref<!tpu.dma_semaphore, #tpu.memory_space<semaphore_mem>>) src(%dma_wait3A_53 : memref<64xi32, #tpu.memory_space<hbm>>) dst(%arg8 : memref<64xi32, #tpu.memory_space<vmem>>)
        tpu.yield
      }) : () -> ()
      "tpu.region"() ({
        %run_scoped3A = tpu.sem_alloc : memref<!tpu.dma_semaphore, #tpu.memory_space<semaphore_mem>>
        %dma_start3A_50 = tpu.memref_slice %arg4[%multiple_of3A_45] : memref<10485760xi32, #tpu.memory_space<hbm>> -> memref<64xi32, #tpu.memory_space<hbm>>
        %dma_start3A_51 = tpu.memref_slice %arg4[%multiple_of3A_45] : memref<10485760xi32, #tpu.memory_space<hbm>> -> memref<64xi32, #tpu.memory_space<hbm>>
        tpu.enqueue_dma source(%dma_start3A_51 : memref<64xi32, #tpu.memory_space<hbm>>) target(%arg9 : memref<64xi32, #tpu.memory_space<vmem>>) target_semaphore(%run_scoped3A : memref<!tpu.dma_semaphore, #tpu.memory_space<semaphore_mem>>)
        %dma_wait3A_52 = tpu.memref_slice %arg4[%multiple_of3A_45] : memref<10485760xi32, #tpu.memory_space<hbm>> -> memref<64xi32, #tpu.memory_space<hbm>>
        %dma_wait3A_53 = tpu.memref_slice %arg4[%multiple_of3A_45] : memref<10485760xi32, #tpu.memory_space<hbm>> -> memref<64xi32, #tpu.memory_space<hbm>>
        tpu.wait_dma2 semaphore(%run_scoped3A : memref<!tpu.dma_semaphore, #tpu.memory_space<semaphore_mem>>) src(%dma_wait3A_53 : memref<64xi32, #tpu.memory_space<hbm>>) dst(%arg9 : memref<64xi32, #tpu.memory_space<vmem>>)
        tpu.yield
      }) : () -> ()
      %dma_start3A = arith.constant 0 : i32
      %dma_start3A_46 = arith.constant 0 : i32
      %dma_start3A_47 = tpu.memref_slice %arg2[%dma_start3A, %dma_start3A_46] : memref<10000x128xf32, #tpu.memory_space<hbm>> -> memref<10000x128xf32, #tpu.memory_space<hbm>>
      tpu.enqueue_indirect_dma source(%dma_start3A_47 : memref<10000x128xf32, #tpu.memory_space<hbm>>) target(%arg11 : memref<64x128xf32, #tpu.memory_space<vmem>>) offsets(%arg8 : memref<64xi32, #tpu.memory_space<vmem>>) semaphore(%arg13 : memref<!tpu.dma_semaphore, #tpu.memory_space<semaphore_mem>>)
      %dma_wait3A = arith.constant 0 : i32
      %dma_wait3A_48 = arith.constant 0 : i32
      %dma_wait3A_49 = tpu.memref_slice %arg2[%dma_wait3A, %dma_wait3A_48] : memref<10000x128xf32, #tpu.memory_space<hbm>> -> memref<10000x128xf32, #tpu.memory_space<hbm>>
      tpu.wait_indirect_dma semaphore(%arg13 : memref<!tpu.dma_semaphore, #tpu.memory_space<semaphore_mem>>) src(%dma_wait3A_49 : memref<10000x128xf32, #tpu.memory_space<hbm>>) dst(%arg11 : memref<64x128xf32, #tpu.memory_space<vmem>>)
      "tpu.region"() ({
        %run_scoped3A = tpu.sem_alloc : memref<!tpu.dma_semaphore, #tpu.memory_space<semaphore_mem>>
        %dma_start3A_50 = arith.constant 0 : i32
        %dma_start3A_51 = arith.constant 0 : i32
        %dma_start3A_52 = tpu.memref_slice %arg12[%dma_start3A_50, %dma_start3A_51] : memref<5016x128xf32, #tpu.memory_space<vmem_shared>> -> memref<5016x128xf32, #tpu.memory_space<vmem_shared>>
        tpu.enqueue_indirect_dma source(%arg11 : memref<64x128xf32, #tpu.memory_space<vmem>>) target(%dma_start3A_52 : memref<5016x128xf32, #tpu.memory_space<vmem_shared>>) offsets(%arg9 : memref<64xi32, #tpu.memory_space<vmem>>) semaphore(%run_scoped3A : memref<!tpu.dma_semaphore, #tpu.memory_space<semaphore_mem>>) {add = true}
        %dma_wait3A_53 = arith.constant 0 : i32
        %dma_wait3A_54 = arith.constant 0 : i32
        %dma_wait3A_55 = tpu.memref_slice %arg12[%dma_wait3A_53, %dma_wait3A_54] : memref<5016x128xf32, #tpu.memory_space<vmem_shared>> -> memref<5016x128xf32, #tpu.memory_space<vmem_shared>>
        tpu.wait_indirect_dma semaphore(%run_scoped3A : memref<!tpu.dma_semaphore, #tpu.memory_space<semaphore_mem>>) src(%arg11 : memref<64x128xf32, #tpu.memory_space<vmem>>) dst(%dma_wait3A_55 : memref<5016x128xf32, #tpu.memory_space<vmem_shared>>)
        tpu.yield
      }) : () -> ()
    }
    %while3A_27 = arith.constant 1 : i32
    scf.for %while3A_41 = %while3A_25 to %while3A_21 step %while3A_27  : i32 {
      %mul3A_42 = arith.constant 64 : i32
      %mul3A_43 = arith.muli %while3A_41, %mul3A_42 : i32
      %add3A_44 = arith.addi %mul3A_2, %mul3A_43 : i32
      %multiple_of3A_45 = tpu.assume_multiple %add3A_44, 64 : i32
      "tpu.region"() ({
        %run_scoped3A = tpu.sem_alloc : memref<!tpu.dma_semaphore, #tpu.memory_space<semaphore_mem>>
        %dma_start3A_50 = tpu.memref_slice %arg3[%multiple_of3A_45] : memref<10485760xi32, #tpu.memory_space<hbm>> -> memref<64xi32, #tpu.memory_space<hbm>>
        %dma_start3A_51 = tpu.memref_slice %arg3[%multiple_of3A_45] : memref<10485760xi32, #tpu.memory_space<hbm>> -> memref<64xi32, #tpu.memory_space<hbm>>
        tpu.enqueue_dma source(%dma_start3A_51 : memref<64xi32, #tpu.memory_space<hbm>>) target(%arg8 : memref<64xi32, #tpu.memory_space<vmem>>) target_semaphore(%run_scoped3A : memref<!tpu.dma_semaphore, #tpu.memory_space<semaphore_mem>>)
        %dma_wait3A_52 = tpu.memref_slice %arg3[%multiple_of3A_45] : memref<10485760xi32, #tpu.memory_space<hbm>> -> memref<64xi32, #tpu.memory_space<hbm>>
        %dma_wait3A_53 = tpu.memref_slice %arg3[%multiple_of3A_45] : memref<10485760xi32, #tpu.memory_space<hbm>> -> memref<64xi32, #tpu.memory_space<hbm>>
        tpu.wait_dma2 semaphore(%run_scoped3A : memref<!tpu.dma_semaphore, #tpu.memory_space<semaphore_mem>>) src(%dma_wait3A_53 : memref<64xi32, #tpu.memory_space<hbm>>) dst(%arg8 : memref<64xi32, #tpu.memory_space<vmem>>)
        tpu.yield
      }) : () -> ()
      "tpu.region"() ({
        %run_scoped3A = tpu.sem_alloc : memref<!tpu.dma_semaphore, #tpu.memory_space<semaphore_mem>>
        %dma_start3A_50 = tpu.memref_slice %arg4[%multiple_of3A_45] : memref<10485760xi32, #tpu.memory_space<hbm>> -> memref<64xi32, #tpu.memory_space<hbm>>
        %dma_start3A_51 = tpu.memref_slice %arg4[%multiple_of3A_45] : memref<10485760xi32, #tpu.memory_space<hbm>> -> memref<64xi32, #tpu.memory_space<hbm>>
        tpu.enqueue_dma source(%dma_start3A_51 : memref<64xi32, #tpu.memory_space<hbm>>) target(%arg9 : memref<64xi32, #tpu.memory_space<vmem>>) target_semaphore(%run_scoped3A : memref<!tpu.dma_semaphore, #tpu.memory_space<semaphore_mem>>)
        %dma_wait3A_52 = tpu.memref_slice %arg4[%multiple_of3A_45] : memref<10485760xi32, #tpu.memory_space<hbm>> -> memref<64xi32, #tpu.memory_space<hbm>>
        %dma_wait3A_53 = tpu.memref_slice %arg4[%multiple_of3A_45] : memref<10485760xi32, #tpu.memory_space<hbm>> -> memref<64xi32, #tpu.memory_space<hbm>>
        tpu.wait_dma2 semaphore(%run_scoped3A : memref<!tpu.dma_semaphore, #tpu.memory_space<semaphore_mem>>) src(%dma_wait3A_53 : memref<64xi32, #tpu.memory_space<hbm>>) dst(%arg9 : memref<64xi32, #tpu.memory_space<vmem>>)
        tpu.yield
      }) : () -> ()
      %dma_start3A = arith.constant 0 : i32
      %dma_start3A_46 = arith.constant 0 : i32
      %dma_start3A_47 = tpu.memref_slice %arg2[%dma_start3A, %dma_start3A_46] : memref<10000x128xf32, #tpu.memory_space<hbm>> -> memref<10000x128xf32, #tpu.memory_space<hbm>>
      tpu.enqueue_indirect_dma source(%dma_start3A_47 : memref<10000x128xf32, #tpu.memory_space<hbm>>) target(%arg11 : memref<64x128xf32, #tpu.memory_space<vmem>>) offsets(%arg8 : memref<64xi32, #tpu.memory_space<vmem>>) semaphore(%arg13 : memref<!tpu.dma_semaphore, #tpu.memory_space<semaphore_mem>>)
      %dma_wait3A = arith.constant 0 : i32
      %dma_wait3A_48 = arith.constant 0 : i32
      %dma_wait3A_49 = tpu.memref_slice %arg2[%dma_wait3A, %dma_wait3A_48] : memref<10000x128xf32, #tpu.memory_space<hbm>> -> memref<10000x128xf32, #tpu.memory_space<hbm>>
      tpu.wait_indirect_dma semaphore(%arg13 : memref<!tpu.dma_semaphore, #tpu.memory_space<semaphore_mem>>) src(%dma_wait3A_49 : memref<10000x128xf32, #tpu.memory_space<hbm>>) dst(%arg11 : memref<64x128xf32, #tpu.memory_space<vmem>>)
      "tpu.region"() ({
        %run_scoped3A = tpu.sem_alloc : memref<!tpu.dma_semaphore, #tpu.memory_space<semaphore_mem>>
        %dma_start3A_50 = arith.constant 0 : i32
        %dma_start3A_51 = arith.constant 0 : i32
        %dma_start3A_52 = tpu.memref_slice %arg12[%dma_start3A_50, %dma_start3A_51] : memref<5016x128xf32, #tpu.memory_space<vmem_shared>> -> memref<5016x128xf32, #tpu.memory_space<vmem_shared>>
        tpu.enqueue_indirect_dma source(%arg11 : memref<64x128xf32, #tpu.memory_space<vmem>>) target(%dma_start3A_52 : memref<5016x128xf32, #tpu.memory_space<vmem_shared>>) offsets(%arg9 : memref<64xi32, #tpu.memory_space<vmem>>) semaphore(%run_scoped3A : memref<!tpu.dma_semaphore, #tpu.memory_space<semaphore_mem>>) {add = true}
        %dma_wait3A_53 = arith.constant 0 : i32
        %dma_wait3A_54 = arith.constant 0 : i32
        %dma_wait3A_55 = tpu.memref_slice %arg12[%dma_wait3A_53, %dma_wait3A_54] : memref<5016x128xf32, #tpu.memory_space<vmem_shared>> -> memref<5016x128xf32, #tpu.memory_space<vmem_shared>>
        tpu.wait_indirect_dma semaphore(%run_scoped3A : memref<!tpu.dma_semaphore, #tpu.memory_space<semaphore_mem>>) src(%arg11 : memref<64x128xf32, #tpu.memory_space<vmem>>) dst(%dma_wait3A_55 : memref<5016x128xf32, #tpu.memory_space<vmem_shared>>)
        tpu.yield
      }) : () -> ()
    }
    %barrier3A_28 = arith.constant 0 : index
    tpu.barrier barrier_id(%barrier3A_28)
    %mul3A_29 = arith.constant 312 : i32
    %mul3A_30 = arith.muli %add3A, %mul3A_29 : i32
    %lt3A_31 = arith.constant 31 : i32
    %lt3A_32 = arith.cmpi slt, %add3A, %lt3A_31 : i32
    %convert_element_type3A_33 = arith.extui %lt3A_32 : i1 to i32
    %cond3A_34 = arith.constant 0 : i32
    %cond3A_35 = arith.cmpi ne, %convert_element_type3A_33, %cond3A_34 : i32
    scf.if %cond3A_35 {
      "tpu.region"() ({
        %run_scoped3A = tpu.sem_alloc : memref<!tpu.dma_semaphore, #tpu.memory_space<semaphore_mem>>
        %dma_start3A = arith.constant 0 : i32
        %dma_start3A_41 = tpu.memref_slice %arg7[%mul3A_30, %dma_start3A] : memref<10000x128xf32, #tpu.memory_space<hbm>> -> memref<312x128xf32, #tpu.memory_space<hbm>>
        %dma_start3A_42 = arith.constant 0 : i32
        %dma_start3A_43 = tpu.memref_slice %arg12[%mul3A_4, %dma_start3A_42] : memref<5016x128xf32, #tpu.memory_space<vmem_shared>> -> memref<312x128xf32, #tpu.memory_space<vmem_shared>>
        tpu.enqueue_dma source(%dma_start3A_43 : memref<312x128xf32, #tpu.memory_space<vmem_shared>>) target(%dma_start3A_41 : memref<312x128xf32, #tpu.memory_space<hbm>>) target_semaphore(%run_scoped3A : memref<!tpu.dma_semaphore, #tpu.memory_space<semaphore_mem>>)
        %dma_wait3A = arith.constant 0 : i32
        %dma_wait3A_44 = tpu.memref_slice %arg7[%mul3A_30, %dma_wait3A] : memref<10000x128xf32, #tpu.memory_space<hbm>> -> memref<312x128xf32, #tpu.memory_space<hbm>>
        %dma_wait3A_45 = arith.constant 0 : i32
        %dma_wait3A_46 = tpu.memref_slice %arg12[%mul3A_4, %dma_wait3A_45] : memref<5016x128xf32, #tpu.memory_space<vmem_shared>> -> memref<312x128xf32, #tpu.memory_space<vmem_shared>>
        tpu.wait_dma2 semaphore(%run_scoped3A : memref<!tpu.dma_semaphore, #tpu.memory_space<semaphore_mem>>) src(%dma_wait3A_46 : memref<312x128xf32, #tpu.memory_space<vmem_shared>>) dst(%dma_wait3A_44 : memref<312x128xf32, #tpu.memory_space<hbm>>)
        tpu.yield
      }) : () -> ()
    } else {
    }
    %eq3A_36 = arith.constant 31 : i32
    %eq3A_37 = arith.cmpi eq, %add3A, %eq3A_36 : i32
    %convert_element_type3A_38 = arith.extui %eq3A_37 : i1 to i32
    %cond3A_39 = arith.constant 0 : i32
    %cond3A_40 = arith.cmpi ne, %convert_element_type3A_38, %cond3A_39 : i32
    scf.if %cond3A_40 {
      "tpu.region"() ({
        %run_scoped3A = tpu.sem_alloc : memref<!tpu.dma_semaphore, #tpu.memory_space<semaphore_mem>>
        %dma_start3A = arith.constant 0 : i32
        %dma_start3A_41 = tpu.memref_slice %arg7[%mul3A_30, %dma_start3A] : memref<10000x128xf32, #tpu.memory_space<hbm>> -> memref<328x128xf32, #tpu.memory_space<hbm>>
        %dma_start3A_42 = arith.constant 0 : i32
        %dma_start3A_43 = tpu.memref_slice %arg12[%mul3A_4, %dma_start3A_42] : memref<5016x128xf32, #tpu.memory_space<vmem_shared>> -> memref<328x128xf32, #tpu.memory_space<vmem_shared>>
        tpu.enqueue_dma source(%dma_start3A_43 : memref<328x128xf32, #tpu.memory_space<vmem_shared>>) target(%dma_start3A_41 : memref<328x128xf32, #tpu.memory_space<hbm>>) target_semaphore(%run_scoped3A : memref<!tpu.dma_semaphore, #tpu.memory_space<semaphore_mem>>)
        %dma_wait3A = arith.constant 0 : i32
        %dma_wait3A_44 = tpu.memref_slice %arg7[%mul3A_30, %dma_wait3A] : memref<10000x128xf32, #tpu.memory_space<hbm>> -> memref<328x128xf32, #tpu.memory_space<hbm>>
        %dma_wait3A_45 = arith.constant 0 : i32
        %dma_wait3A_46 = tpu.memref_slice %arg12[%mul3A_4, %dma_wait3A_45] : memref<5016x128xf32, #tpu.memory_space<vmem_shared>> -> memref<328x128xf32, #tpu.memory_space<vmem_shared>>
        tpu.wait_dma2 semaphore(%run_scoped3A : memref<!tpu.dma_semaphore, #tpu.memory_space<semaphore_mem>>) src(%dma_wait3A_46 : memref<328x128xf32, #tpu.memory_space<vmem_shared>>) dst(%dma_wait3A_44 : memref<328x128xf32, #tpu.memory_space<hbm>>)
        tpu.yield
      }) : () -> ()
    } else {
    }
    return
  }
}

module attributes {stable_mosaic.version = 14 : i64} {
  func.func @_tc_pre_body(%arg0: memref<10000x128xf32, #tpu.memory_space<vmem>>, %arg1: memref<10000x128xf32, #tpu.memory_space<vmem>>, %arg2: memref<64x128xf32, #tpu.memory_space<vmem>>, %arg3: memref<1x64xf32, #tpu.memory_space<vmem>>, %arg4: memref<64x128xf32, #tpu.memory_space<vmem>>, %arg5: memref<64x64xf32, #tpu.memory_space<vmem>>, %arg6: memref<1x64xf32, #tpu.memory_space<vmem>>, %arg7: memref<10000x64xf32, #tpu.memory_space<vmem>>) attributes {dimension_semantics = [], scalar_prefetch = 0 : i64, scratch_operands = 0 : i64, tpu.core_type = #tpu.core_type<tc>} {
    %get3A = arith.constant 0 : index
    %get3A_0 = arith.constant 0 : index
    %get3A_1 = vector.load %arg0[%get3A, %get3A_0] : memref<10000x128xf32, #tpu.memory_space<vmem>>, vector<10000x128xf32>
    %get3A_2 = arith.constant 0 : index
    %get3A_3 = arith.constant 0 : index
    %get3A_4 = vector.load %arg1[%get3A_2, %get3A_3] : memref<10000x128xf32, #tpu.memory_space<vmem>>, vector<10000x128xf32>
    %get3A_5 = arith.constant 0 : index
    %get3A_6 = arith.constant 0 : index
    %get3A_7 = vector.load %arg2[%get3A_5, %get3A_6] : memref<64x128xf32, #tpu.memory_space<vmem>>, vector<64x128xf32>
    %dot_general3A = arith.constant dense<0.000000e+00> : vector<10000x64xf32>
    %dot_general3A_8 = tpu.matmul %get3A_1, %get3A_7, %dot_general3A {dimension_numbers = #tpu.dot_dimension_numbers<[1], [1], [0], [0], [0, 0, 1, 0], [], []>, transpose_lhs_hint = false} : vector<10000x128xf32>, vector<64x128xf32>, vector<10000x64xf32> -> vector<10000x64xf32>
    %get3A_9 = arith.constant 0 : index
    %get3A_10 = arith.constant 0 : index
    %get3A_11 = vector.load %arg3[%get3A_9, %get3A_10] : memref<1x64xf32, #tpu.memory_space<vmem>>, vector<1x64xf32>
    %add3A = vector.broadcast %get3A_11 : vector<1x64xf32> to vector<10000x64xf32>
    %add3A_12 = arith.addf %dot_general3A_8, %add3A : vector<10000x64xf32>
    %get3A_13 = arith.constant 0 : index
    %get3A_14 = arith.constant 0 : index
    %get3A_15 = vector.load %arg4[%get3A_13, %get3A_14] : memref<64x128xf32, #tpu.memory_space<vmem>>, vector<64x128xf32>
    %dot_general3A_16 = arith.constant dense<0.000000e+00> : vector<10000x64xf32>
    %dot_general3A_17 = tpu.matmul %get3A_4, %get3A_15, %dot_general3A_16 {dimension_numbers = #tpu.dot_dimension_numbers<[1], [1], [0], [0], [0, 0, 1, 0], [], []>, transpose_lhs_hint = false} : vector<10000x128xf32>, vector<64x128xf32>, vector<10000x64xf32> -> vector<10000x64xf32>
    %add3A_18 = arith.addf %add3A_12, %dot_general3A_17 : vector<10000x64xf32>
    %ge3A = arith.constant 0.000000e+00 : f32
    %ge3A_19 = vector.broadcast %ge3A : f32 to vector<10000x64xf32>
    %ge3A_20 = arith.cmpf oge, %add3A_18, %ge3A_19 : vector<10000x64xf32>
    %mul3A = arith.constant 0.00999999977 : f32
    %mul3A_21 = vector.broadcast %mul3A : f32 to vector<10000x64xf32>
    %mul3A_22 = arith.mulf %mul3A_21, %add3A_18 : vector<10000x64xf32>
    %select_n3A = arith.select %ge3A_20, %add3A_18, %mul3A_22 : vector<10000x64xi1>, vector<10000x64xf32>
    %get3A_23 = arith.constant 0 : index
    %get3A_24 = arith.constant 0 : index
    %get3A_25 = vector.load %arg5[%get3A_23, %get3A_24] : memref<64x64xf32, #tpu.memory_space<vmem>>, vector<64x64xf32>
    %dot_general3A_26 = arith.constant dense<0.000000e+00> : vector<10000x64xf32>
    %dot_general3A_27 = tpu.matmul %select_n3A, %get3A_25, %dot_general3A_26 {dimension_numbers = #tpu.dot_dimension_numbers<[1], [1], [0], [0], [0, 0, 1, 0], [], []>, transpose_lhs_hint = false} : vector<10000x64xf32>, vector<64x64xf32>, vector<10000x64xf32> -> vector<10000x64xf32>
    %get3A_28 = arith.constant 0 : index
    %get3A_29 = arith.constant 0 : index
    %get3A_30 = vector.load %arg6[%get3A_28, %get3A_29] : memref<1x64xf32, #tpu.memory_space<vmem>>, vector<1x64xf32>
    %add3A_31 = vector.broadcast %get3A_30 : vector<1x64xf32> to vector<10000x64xf32>
    %add3A_32 = arith.addf %dot_general3A_27, %add3A_31 : vector<10000x64xf32>
    %swap3A = arith.constant 0 : index
    %swap3A_33 = arith.constant 0 : index
    %swap3A_34 = vector.load %arg7[%swap3A, %swap3A_33] : memref<10000x64xf32, #tpu.memory_space<vmem>>, vector<10000x64xf32>
    tpu.vector_store %arg7[%swap3A, %swap3A_33], %add3A_32 {strides = array<i32>} : memref<10000x64xf32, #tpu.memory_space<vmem>>, vector<10000x64xf32>,
    return
  }
}

module attributes {stable_mosaic.version = 14 : i64} {
  func.func @_tc_post_body(%arg0: memref<10000x64xf32, #tpu.memory_space<vmem>>, %arg1: memref<1x64xf32, #tpu.memory_space<vmem>>, %arg2: memref<1x64xf32, #tpu.memory_space<vmem>>, %arg3: memref<1x64xf32, #tpu.memory_space<vmem>>, %arg4: memref<1x64xf32, #tpu.memory_space<vmem>>, %arg5: memref<10000x128xf32, #tpu.memory_space<vmem>>) attributes {dimension_semantics = [], scalar_prefetch = 0 : i64, scratch_operands = 0 : i64, tpu.core_type = #tpu.core_type<tc>} {
    %get3A = arith.constant 0 : index
    %get3A_0 = arith.constant 0 : index
    %get3A_1 = vector.load %arg0[%get3A, %get3A_0] : memref<10000x64xf32, #tpu.memory_space<vmem>>, vector<10000x64xf32>
    %get3A_2 = arith.constant 0 : index
    %get3A_3 = arith.constant 0 : index
    %get3A_4 = vector.load %arg1[%get3A_2, %get3A_3] : memref<1x64xf32, #tpu.memory_space<vmem>>, vector<1x64xf32>
    %sub3A = vector.broadcast %get3A_4 : vector<1x64xf32> to vector<10000x64xf32>
    %sub3A_5 = arith.subf %get3A_1, %sub3A : vector<10000x64xf32>
    %get3A_6 = arith.constant 0 : index
    %get3A_7 = arith.constant 0 : index
    %get3A_8 = vector.load %arg2[%get3A_6, %get3A_7] : memref<1x64xf32, #tpu.memory_space<vmem>>, vector<1x64xf32>
    %add3A = arith.constant 9.99999974E-6 : f32
    %add3A_9 = vector.broadcast %add3A : f32 to vector<1x64xf32>
    %add3A_10 = arith.addf %get3A_8, %add3A_9 : vector<1x64xf32>
    %rsqrt3A = math.rsqrt %add3A_10 : vector<1x64xf32>
    %mul3A = vector.broadcast %rsqrt3A : vector<1x64xf32> to vector<10000x64xf32>
    %mul3A_11 = arith.mulf %sub3A_5, %mul3A : vector<10000x64xf32>
    %get3A_12 = arith.constant 0 : index
    %get3A_13 = arith.constant 0 : index
    %get3A_14 = vector.load %arg3[%get3A_12, %get3A_13] : memref<1x64xf32, #tpu.memory_space<vmem>>, vector<1x64xf32>
    %mul3A_15 = vector.broadcast %get3A_14 : vector<1x64xf32> to vector<10000x64xf32>
    %mul3A_16 = arith.mulf %mul3A_11, %mul3A_15 : vector<10000x64xf32>
    %get3A_17 = arith.constant 0 : index
    %get3A_18 = arith.constant 0 : index
    %get3A_19 = vector.load %arg4[%get3A_17, %get3A_18] : memref<1x64xf32, #tpu.memory_space<vmem>>, vector<1x64xf32>
    %add3A_20 = vector.broadcast %get3A_19 : vector<1x64xf32> to vector<10000x64xf32>
    %add3A_21 = arith.addf %mul3A_16, %add3A_20 : vector<10000x64xf32>
    %ge3A = arith.constant 0.000000e+00 : f32
    %ge3A_22 = vector.broadcast %ge3A : f32 to vector<10000x64xf32>
    %ge3A_23 = arith.cmpf oge, %add3A_21, %ge3A_22 : vector<10000x64xf32>
    %mul3A_24 = arith.constant 0.00999999977 : f32
    %mul3A_25 = vector.broadcast %mul3A_24 : f32 to vector<10000x64xf32>
    %mul3A_26 = arith.mulf %mul3A_25, %add3A_21 : vector<10000x64xf32>
    %select_n3A = arith.select %ge3A_23, %add3A_21, %mul3A_26 : vector<10000x64xi1>, vector<10000x64xf32>
    %broadcast_in_dim3A = arith.constant 0.000000e+00 : f32
    %broadcast_in_dim3A_27 = vector.broadcast %broadcast_in_dim3A : f32 to vector<10000x64xf32>
    %concatenate3A = tpu.concatenate %select_n3A, %broadcast_in_dim3A_27 in 1 : vector<10000x64xf32>, vector<10000x64xf32> -> vector<10000x128xf32>
    %swap3A = arith.constant 0 : index
    %swap3A_28 = arith.constant 0 : index
    %swap3A_29 = vector.load %arg5[%swap3A, %swap3A_28] : memref<10000x128xf32, #tpu.memory_space<vmem>>, vector<10000x128xf32>
    tpu.vector_store %arg5[%swap3A, %swap3A_28], %concatenate3A {strides = array<i32>} : memref<10000x128xf32, #tpu.memory_space<vmem>>, vector<10000x128xf32>,
    return
  }
}

module attributes {stable_mosaic.version = 14 : i64} {
  func.func @_tc_pre_body(%arg0: memref<10000x128xf32, #tpu.memory_space<vmem>>, %arg1: memref<10000x128xf32, #tpu.memory_space<vmem>>, %arg2: memref<128x64xf32, #tpu.memory_space<vmem>>, %arg3: memref<1x128xf32, #tpu.memory_space<vmem>>, %arg4: memref<128x64xf32, #tpu.memory_space<vmem>>, %arg5: memref<128x128xf32, #tpu.memory_space<vmem>>, %arg6: memref<1x128xf32, #tpu.memory_space<vmem>>, %arg7: memref<10000x128xf32, #tpu.memory_space<vmem>>) attributes {dimension_semantics = [], scalar_prefetch = 0 : i64, scratch_operands = 0 : i64, tpu.core_type = #tpu.core_type<tc>} {
    %get3A = arith.constant 0 : index
    %get3A_0 = arith.constant 0 : index
    %get3A_1 = vector.load %arg0[%get3A, %get3A_0] : memref<10000x128xf32, #tpu.memory_space<vmem>>, vector<10000x64xf32>
    %get3A_2 = arith.constant 0 : index
    %get3A_3 = arith.constant 0 : index
    %get3A_4 = vector.load %arg1[%get3A_2, %get3A_3] : memref<10000x128xf32, #tpu.memory_space<vmem>>, vector<10000x64xf32>
    %get3A_5 = arith.constant 0 : index
    %get3A_6 = arith.constant 0 : index
    %get3A_7 = vector.load %arg2[%get3A_5, %get3A_6] : memref<128x64xf32, #tpu.memory_space<vmem>>, vector<128x64xf32>
    %dot_general3A = arith.constant dense<0.000000e+00> : vector<10000x128xf32>
    %dot_general3A_8 = tpu.matmul %get3A_1, %get3A_7, %dot_general3A {dimension_numbers = #tpu.dot_dimension_numbers<[1], [1], [0], [0], [0, 0, 1, 0], [], []>, transpose_lhs_hint = false} : vector<10000x64xf32>, vector<128x64xf32>, vector<10000x128xf32> -> vector<10000x128xf32>
    %get3A_9 = arith.constant 0 : index
    %get3A_10 = arith.constant 0 : index
    %get3A_11 = vector.load %arg3[%get3A_9, %get3A_10] : memref<1x128xf32, #tpu.memory_space<vmem>>, vector<1x128xf32>
    %add3A = vector.broadcast %get3A_11 : vector<1x128xf32> to vector<10000x128xf32>
    %add3A_12 = arith.addf %dot_general3A_8, %add3A : vector<10000x128xf32>
    %get3A_13 = arith.constant 0 : index
    %get3A_14 = arith.constant 0 : index
    %get3A_15 = vector.load %arg4[%get3A_13, %get3A_14] : memref<128x64xf32, #tpu.memory_space<vmem>>, vector<128x64xf32>
    %dot_general3A_16 = arith.constant dense<0.000000e+00> : vector<10000x128xf32>
    %dot_general3A_17 = tpu.matmul %get3A_4, %get3A_15, %dot_general3A_16 {dimension_numbers = #tpu.dot_dimension_numbers<[1], [1], [0], [0], [0, 0, 1, 0], [], []>, transpose_lhs_hint = false} : vector<10000x64xf32>, vector<128x64xf32>, vector<10000x128xf32> -> vector<10000x128xf32>
    %add3A_18 = arith.addf %add3A_12, %dot_general3A_17 : vector<10000x128xf32>
    %ge3A = arith.constant 0.000000e+00 : f32
    %ge3A_19 = vector.broadcast %ge3A : f32 to vector<10000x128xf32>
    %ge3A_20 = arith.cmpf oge, %add3A_18, %ge3A_19 : vector<10000x128xf32>
    %mul3A = arith.constant 0.00999999977 : f32
    %mul3A_21 = vector.broadcast %mul3A : f32 to vector<10000x128xf32>
    %mul3A_22 = arith.mulf %mul3A_21, %add3A_18 : vector<10000x128xf32>
    %select_n3A = arith.select %ge3A_20, %add3A_18, %mul3A_22 : vector<10000x128xi1>, vector<10000x128xf32>
    %get3A_23 = arith.constant 0 : index
    %get3A_24 = arith.constant 0 : index
    %get3A_25 = vector.load %arg5[%get3A_23, %get3A_24] : memref<128x128xf32, #tpu.memory_space<vmem>>, vector<128x128xf32>
    %dot_general3A_26 = arith.constant dense<0.000000e+00> : vector<10000x128xf32>
    %dot_general3A_27 = tpu.matmul %select_n3A, %get3A_25, %dot_general3A_26 {dimension_numbers = #tpu.dot_dimension_numbers<[1], [1], [0], [0], [0, 0, 1, 0], [], []>, transpose_lhs_hint = false} : vector<10000x128xf32>, vector<128x128xf32>, vector<10000x128xf32> -> vector<10000x128xf32>
    %get3A_28 = arith.constant 0 : index
    %get3A_29 = arith.constant 0 : index
    %get3A_30 = vector.load %arg6[%get3A_28, %get3A_29] : memref<1x128xf32, #tpu.memory_space<vmem>>, vector<1x128xf32>
    %add3A_31 = vector.broadcast %get3A_30 : vector<1x128xf32> to vector<10000x128xf32>
    %add3A_32 = arith.addf %dot_general3A_27, %add3A_31 : vector<10000x128xf32>
    %swap3A = arith.constant 0 : index
    %swap3A_33 = arith.constant 0 : index
    %swap3A_34 = vector.load %arg7[%swap3A, %swap3A_33] : memref<10000x128xf32, #tpu.memory_space<vmem>>, vector<10000x128xf32>
    tpu.vector_store %arg7[%swap3A, %swap3A_33], %add3A_32 {strides = array<i32>} : memref<10000x128xf32, #tpu.memory_space<vmem>>, vector<10000x128xf32>,
    return
  }
}

module attributes {stable_mosaic.version = 14 : i64} {
  func.func @_tc_post_body(%arg0: memref<10000x128xf32, #tpu.memory_space<vmem>>, %arg1: memref<1x128xf32, #tpu.memory_space<vmem>>, %arg2: memref<1x128xf32, #tpu.memory_space<vmem>>, %arg3: memref<1x128xf32, #tpu.memory_space<vmem>>, %arg4: memref<1x128xf32, #tpu.memory_space<vmem>>, %arg5: memref<10000x128xf32, #tpu.memory_space<vmem>>) attributes {dimension_semantics = [], scalar_prefetch = 0 : i64, scratch_operands = 0 : i64, tpu.core_type = #tpu.core_type<tc>} {
    %get3A = arith.constant 0 : index
    %get3A_0 = arith.constant 0 : index
    %get3A_1 = vector.load %arg0[%get3A, %get3A_0] : memref<10000x128xf32, #tpu.memory_space<vmem>>, vector<10000x128xf32>
    %get3A_2 = arith.constant 0 : index
    %get3A_3 = arith.constant 0 : index
    %get3A_4 = vector.load %arg1[%get3A_2, %get3A_3] : memref<1x128xf32, #tpu.memory_space<vmem>>, vector<1x128xf32>
    %sub3A = vector.broadcast %get3A_4 : vector<1x128xf32> to vector<10000x128xf32>
    %sub3A_5 = arith.subf %get3A_1, %sub3A : vector<10000x128xf32>
    %get3A_6 = arith.constant 0 : index
    %get3A_7 = arith.constant 0 : index
    %get3A_8 = vector.load %arg2[%get3A_6, %get3A_7] : memref<1x128xf32, #tpu.memory_space<vmem>>, vector<1x128xf32>
    %add3A = arith.constant 9.99999974E-6 : f32
    %add3A_9 = vector.broadcast %add3A : f32 to vector<1x128xf32>
    %add3A_10 = arith.addf %get3A_8, %add3A_9 : vector<1x128xf32>
    %rsqrt3A = math.rsqrt %add3A_10 : vector<1x128xf32>
    %mul3A = vector.broadcast %rsqrt3A : vector<1x128xf32> to vector<10000x128xf32>
    %mul3A_11 = arith.mulf %sub3A_5, %mul3A : vector<10000x128xf32>
    %get3A_12 = arith.constant 0 : index
    %get3A_13 = arith.constant 0 : index
    %get3A_14 = vector.load %arg3[%get3A_12, %get3A_13] : memref<1x128xf32, #tpu.memory_space<vmem>>, vector<1x128xf32>
    %mul3A_15 = vector.broadcast %get3A_14 : vector<1x128xf32> to vector<10000x128xf32>
    %mul3A_16 = arith.mulf %mul3A_11, %mul3A_15 : vector<10000x128xf32>
    %get3A_17 = arith.constant 0 : index
    %get3A_18 = arith.constant 0 : index
    %get3A_19 = vector.load %arg4[%get3A_17, %get3A_18] : memref<1x128xf32, #tpu.memory_space<vmem>>, vector<1x128xf32>
    %add3A_20 = vector.broadcast %get3A_19 : vector<1x128xf32> to vector<10000x128xf32>
    %add3A_21 = arith.addf %mul3A_16, %add3A_20 : vector<10000x128xf32>
    %ge3A = arith.constant 0.000000e+00 : f32
    %ge3A_22 = vector.broadcast %ge3A : f32 to vector<10000x128xf32>
    %ge3A_23 = arith.cmpf oge, %add3A_21, %ge3A_22 : vector<10000x128xf32>
    %mul3A_24 = arith.constant 0.00999999977 : f32
    %mul3A_25 = vector.broadcast %mul3A_24 : f32 to vector<10000x128xf32>
    %mul3A_26 = arith.mulf %mul3A_25, %add3A_21 : vector<10000x128xf32>
    %select_n3A = arith.select %ge3A_23, %add3A_21, %mul3A_26 : vector<10000x128xi1>, vector<10000x128xf32>
    %swap3A = arith.constant 0 : index
    %swap3A_27 = arith.constant 0 : index
    %swap3A_28 = vector.load %arg5[%swap3A, %swap3A_27] : memref<10000x128xf32, #tpu.memory_space<vmem>>, vector<10000x128xf32>
    tpu.vector_store %arg5[%swap3A, %swap3A_27], %select_n3A {strides = array<i32>} : memref<10000x128xf32, #tpu.memory_space<vmem>>, vector<10000x128xf32>,
    return
  }
}

module attributes {stable_mosaic.version = 14 : i64} {
  func.func @_tc_pre_body(%arg0: memref<10000x128xf32, #tpu.memory_space<vmem>>, %arg1: memref<10000x128xf32, #tpu.memory_space<vmem>>, %arg2: memref<256x128xf32, #tpu.memory_space<vmem>>, %arg3: memref<1x256xf32, #tpu.memory_space<vmem>>, %arg4: memref<256x128xf32, #tpu.memory_space<vmem>>, %arg5: memref<256x256xf32, #tpu.memory_space<vmem>>, %arg6: memref<1x256xf32, #tpu.memory_space<vmem>>, %arg7: memref<10000x256xf32, #tpu.memory_space<vmem>>) attributes {dimension_semantics = [], scalar_prefetch = 0 : i64, scratch_operands = 0 : i64, tpu.core_type = #tpu.core_type<tc>} {
    %get3A = arith.constant 0 : index
    %get3A_0 = arith.constant 0 : index
    %get3A_1 = vector.load %arg0[%get3A, %get3A_0] : memref<10000x128xf32, #tpu.memory_space<vmem>>, vector<10000x128xf32>
    %get3A_2 = arith.constant 0 : index
    %get3A_3 = arith.constant 0 : index
    %get3A_4 = vector.load %arg1[%get3A_2, %get3A_3] : memref<10000x128xf32, #tpu.memory_space<vmem>>, vector<10000x128xf32>
    %get3A_5 = arith.constant 0 : index
    %get3A_6 = arith.constant 0 : index
    %get3A_7 = vector.load %arg2[%get3A_5, %get3A_6] : memref<256x128xf32, #tpu.memory_space<vmem>>, vector<256x128xf32>
    %dot_general3A = arith.constant dense<0.000000e+00> : vector<10000x256xf32>
    %dot_general3A_8 = tpu.matmul %get3A_1, %get3A_7, %dot_general3A {dimension_numbers = #tpu.dot_dimension_numbers<[1], [1], [0], [0], [0, 0, 1, 0], [], []>, transpose_lhs_hint = false} : vector<10000x128xf32>, vector<256x128xf32>, vector<10000x256xf32> -> vector<10000x256xf32>
    %get3A_9 = arith.constant 0 : index
    %get3A_10 = arith.constant 0 : index
    %get3A_11 = vector.load %arg3[%get3A_9, %get3A_10] : memref<1x256xf32, #tpu.memory_space<vmem>>, vector<1x256xf32>
    %add3A = vector.broadcast %get3A_11 : vector<1x256xf32> to vector<10000x256xf32>
    %add3A_12 = arith.addf %dot_general3A_8, %add3A : vector<10000x256xf32>
    %get3A_13 = arith.constant 0 : index
    %get3A_14 = arith.constant 0 : index
    %get3A_15 = vector.load %arg4[%get3A_13, %get3A_14] : memref<256x128xf32, #tpu.memory_space<vmem>>, vector<256x128xf32>
    %dot_general3A_16 = arith.constant dense<0.000000e+00> : vector<10000x256xf32>
    %dot_general3A_17 = tpu.matmul %get3A_4, %get3A_15, %dot_general3A_16 {dimension_numbers = #tpu.dot_dimension_numbers<[1], [1], [0], [0], [0, 0, 1, 0], [], []>, transpose_lhs_hint = false} : vector<10000x128xf32>, vector<256x128xf32>, vector<10000x256xf32> -> vector<10000x256xf32>
    %add3A_18 = arith.addf %add3A_12, %dot_general3A_17 : vector<10000x256xf32>
    %ge3A = arith.constant 0.000000e+00 : f32
    %ge3A_19 = vector.broadcast %ge3A : f32 to vector<10000x256xf32>
    %ge3A_20 = arith.cmpf oge, %add3A_18, %ge3A_19 : vector<10000x256xf32>
    %mul3A = arith.constant 0.00999999977 : f32
    %mul3A_21 = vector.broadcast %mul3A : f32 to vector<10000x256xf32>
    %mul3A_22 = arith.mulf %mul3A_21, %add3A_18 : vector<10000x256xf32>
    %select_n3A = arith.select %ge3A_20, %add3A_18, %mul3A_22 : vector<10000x256xi1>, vector<10000x256xf32>
    %get3A_23 = arith.constant 0 : index
    %get3A_24 = arith.constant 0 : index
    %get3A_25 = vector.load %arg5[%get3A_23, %get3A_24] : memref<256x256xf32, #tpu.memory_space<vmem>>, vector<256x256xf32>
    %dot_general3A_26 = arith.constant dense<0.000000e+00> : vector<10000x256xf32>
    %dot_general3A_27 = tpu.matmul %select_n3A, %get3A_25, %dot_general3A_26 {dimension_numbers = #tpu.dot_dimension_numbers<[1], [1], [0], [0], [0, 0, 1, 0], [], []>, transpose_lhs_hint = false} : vector<10000x256xf32>, vector<256x256xf32>, vector<10000x256xf32> -> vector<10000x256xf32>
    %get3A_28 = arith.constant 0 : index
    %get3A_29 = arith.constant 0 : index
    %get3A_30 = vector.load %arg6[%get3A_28, %get3A_29] : memref<1x256xf32, #tpu.memory_space<vmem>>, vector<1x256xf32>
    %add3A_31 = vector.broadcast %get3A_30 : vector<1x256xf32> to vector<10000x256xf32>
    %add3A_32 = arith.addf %dot_general3A_27, %add3A_31 : vector<10000x256xf32>
    %swap3A = arith.constant 0 : index
    %swap3A_33 = arith.constant 0 : index
    %swap3A_34 = vector.load %arg7[%swap3A, %swap3A_33] : memref<10000x256xf32, #tpu.memory_space<vmem>>, vector<10000x256xf32>
    tpu.vector_store %arg7[%swap3A, %swap3A_33], %add3A_32 {strides = array<i32>} : memref<10000x256xf32, #tpu.memory_space<vmem>>, vector<10000x256xf32>,
    return
  }
}

module attributes {stable_mosaic.version = 14 : i64} {
  func.func @_tc_post_body(%arg0: memref<10000x256xf32, #tpu.memory_space<vmem>>, %arg1: memref<1x256xf32, #tpu.memory_space<vmem>>, %arg2: memref<1x256xf32, #tpu.memory_space<vmem>>, %arg3: memref<1x256xf32, #tpu.memory_space<vmem>>, %arg4: memref<1x256xf32, #tpu.memory_space<vmem>>, %arg5: memref<10000x256xf32, #tpu.memory_space<vmem>>) attributes {dimension_semantics = [], scalar_prefetch = 0 : i64, scratch_operands = 0 : i64, tpu.core_type = #tpu.core_type<tc>} {
    %get3A = arith.constant 0 : index
    %get3A_0 = arith.constant 0 : index
    %get3A_1 = vector.load %arg0[%get3A, %get3A_0] : memref<10000x256xf32, #tpu.memory_space<vmem>>, vector<10000x256xf32>
    %get3A_2 = arith.constant 0 : index
    %get3A_3 = arith.constant 0 : index
    %get3A_4 = vector.load %arg1[%get3A_2, %get3A_3] : memref<1x256xf32, #tpu.memory_space<vmem>>, vector<1x256xf32>
    %sub3A = vector.broadcast %get3A_4 : vector<1x256xf32> to vector<10000x256xf32>
    %sub3A_5 = arith.subf %get3A_1, %sub3A : vector<10000x256xf32>
    %get3A_6 = arith.constant 0 : index
    %get3A_7 = arith.constant 0 : index
    %get3A_8 = vector.load %arg2[%get3A_6, %get3A_7] : memref<1x256xf32, #tpu.memory_space<vmem>>, vector<1x256xf32>
    %add3A = arith.constant 9.99999974E-6 : f32
    %add3A_9 = vector.broadcast %add3A : f32 to vector<1x256xf32>
    %add3A_10 = arith.addf %get3A_8, %add3A_9 : vector<1x256xf32>
    %rsqrt3A = math.rsqrt %add3A_10 : vector<1x256xf32>
    %mul3A = vector.broadcast %rsqrt3A : vector<1x256xf32> to vector<10000x256xf32>
    %mul3A_11 = arith.mulf %sub3A_5, %mul3A : vector<10000x256xf32>
    %get3A_12 = arith.constant 0 : index
    %get3A_13 = arith.constant 0 : index
    %get3A_14 = vector.load %arg3[%get3A_12, %get3A_13] : memref<1x256xf32, #tpu.memory_space<vmem>>, vector<1x256xf32>
    %mul3A_15 = vector.broadcast %get3A_14 : vector<1x256xf32> to vector<10000x256xf32>
    %mul3A_16 = arith.mulf %mul3A_11, %mul3A_15 : vector<10000x256xf32>
    %get3A_17 = arith.constant 0 : index
    %get3A_18 = arith.constant 0 : index
    %get3A_19 = vector.load %arg4[%get3A_17, %get3A_18] : memref<1x256xf32, #tpu.memory_space<vmem>>, vector<1x256xf32>
    %add3A_20 = vector.broadcast %get3A_19 : vector<1x256xf32> to vector<10000x256xf32>
    %add3A_21 = arith.addf %mul3A_16, %add3A_20 : vector<10000x256xf32>
    %ge3A = arith.constant 0.000000e+00 : f32
    %ge3A_22 = vector.broadcast %ge3A : f32 to vector<10000x256xf32>
    %ge3A_23 = arith.cmpf oge, %add3A_21, %ge3A_22 : vector<10000x256xf32>
    %mul3A_24 = arith.constant 0.00999999977 : f32
    %mul3A_25 = vector.broadcast %mul3A_24 : f32 to vector<10000x256xf32>
    %mul3A_26 = arith.mulf %mul3A_25, %add3A_21 : vector<10000x256xf32>
    %select_n3A = arith.select %ge3A_23, %add3A_21, %mul3A_26 : vector<10000x256xi1>, vector<10000x256xf32>
    %swap3A = arith.constant 0 : index
    %swap3A_27 = arith.constant 0 : index
    %swap3A_28 = vector.load %arg5[%swap3A, %swap3A_27] : memref<10000x256xf32, #tpu.memory_space<vmem>>, vector<10000x256xf32>
    tpu.vector_store %arg5[%swap3A, %swap3A_27], %select_n3A {strides = array<i32>} : memref<10000x256xf32, #tpu.memory_space<vmem>>, vector<10000x256xf32>,
    return
  }
}

module attributes {stable_mosaic.version = 14 : i64} {
  func.func @_tc_pool_body(%arg0: memref<10000x256xf32, #tpu.memory_space<vmem>>, %arg1: memref<1x10000xi32, #tpu.memory_space<vmem>>, %arg2: memref<64x256xf32, #tpu.memory_space<vmem>>, %arg3: memref<1x64xf32, #tpu.memory_space<vmem>>, %arg4: memref<64x64xf32, #tpu.memory_space<vmem>>) attributes {dimension_semantics = [], scalar_prefetch = 0 : i64, scratch_operands = 0 : i64, tpu.core_type = #tpu.core_type<tc>} {
    %get3A = arith.constant 0 : index
    %get3A_0 = arith.constant 0 : index
    %get3A_1 = vector.load %arg0[%get3A, %get3A_0] : memref<10000x256xf32, #tpu.memory_space<vmem>>, vector<10000x256xf32>
    %get3A_2 = arith.constant 0 : index
    %get3A_3 = arith.constant 0 : index
    %get3A_4 = vector.load %arg1[%get3A_2, %get3A_3] : memref<1x10000xi32, #tpu.memory_space<vmem>>, vector<1x10000xi32>
    %iota3A = tpu.iota {dimensions = array<i32: 0>} : vector<64x10000xi32>
    %eq3A = vector.broadcast %get3A_4 : vector<1x10000xi32> to vector<64x10000xi32>
    %eq3A_5 = arith.cmpi eq, %iota3A, %eq3A : vector<64x10000xi32>
    %convert_element_type3A = arith.extui %eq3A_5 : vector<64x10000xi1> to vector<64x10000xi32>
    %convert_element_type3A_6 = arith.sitofp %convert_element_type3A : vector<64x10000xi32> to vector<64x10000xf32>
    %dot_general3A = arith.constant dense<0.000000e+00> : vector<64x256xf32>
    %dot_general3A_7 = tpu.matmul %convert_element_type3A_6, %get3A_1, %dot_general3A {dimension_numbers = #tpu.dot_dimension_numbers<[1], [0], [0], [1], [0, 0, 1, 1], [], []>, precision = #tpu.contract_precision<fp32>, transpose_lhs_hint = false} : vector<64x10000xf32>, vector<10000x256xf32>, vector<64x256xf32> -> vector<64x256xf32>
    %reduce_sum3A = arith.constant dense<0.000000e+00> : vector<64xf32>
    %reduce_sum3A_8 = vector.multi_reduction <add>, %convert_element_type3A_6, %reduce_sum3A [1] : vector<64x10000xf32> to vector<64xf32>
    %broadcast_in_dim3A = vector.shape_cast %reduce_sum3A_8 : vector<64xf32> to vector<64x1xf32>
    %max3A = arith.constant 1.000000e+00 : f32
    %max3A_9 = vector.broadcast %max3A : f32 to vector<64x1xf32>
    %max3A_10 = arith.maximumf %broadcast_in_dim3A, %max3A_9 : vector<64x1xf32>
    %div3A = vector.broadcast %max3A_10 : vector<64x1xf32> to vector<64x256xf32>
    %div3A_11 = arith.divf %dot_general3A_7, %div3A : vector<64x256xf32>
    %get3A_12 = arith.constant 0 : index
    %get3A_13 = arith.constant 0 : index
    %get3A_14 = vector.load %arg2[%get3A_12, %get3A_13] : memref<64x256xf32, #tpu.memory_space<vmem>>, vector<64x256xf32>
    %dot_general3A_15 = arith.constant dense<0.000000e+00> : vector<64x64xf32>
    %dot_general3A_16 = tpu.matmul %div3A_11, %get3A_14, %dot_general3A_15 {dimension_numbers = #tpu.dot_dimension_numbers<[1], [1], [0], [0], [0, 0, 1, 0], [], []>, transpose_lhs_hint = false} : vector<64x256xf32>, vector<64x256xf32>, vector<64x64xf32> -> vector<64x64xf32>
    %get3A_17 = arith.constant 0 : index
    %get3A_18 = arith.constant 0 : index
    %get3A_19 = vector.load %arg3[%get3A_17, %get3A_18] : memref<1x64xf32, #tpu.memory_space<vmem>>, vector<1x64xf32>
    %add3A = vector.broadcast %get3A_19 : vector<1x64xf32> to vector<64x64xf32>
    %add3A_20 = arith.addf %dot_general3A_16, %add3A : vector<64x64xf32>
    %swap3A = arith.constant 0 : index
    %swap3A_21 = arith.constant 0 : index
    %swap3A_22 = vector.load %arg4[%swap3A, %swap3A_21] : memref<64x64xf32, #tpu.memory_space<vmem>>, vector<64x64xf32>
    tpu.vector_store %arg4[%swap3A, %swap3A_21], %add3A_20 {strides = array<i32>} : memref<64x64xf32, #tpu.memory_space<vmem>>, vector<64x64xf32>,
    return
  }
}

module attributes {stable_mosaic.version = 14 : i64} {
  func.func @_tc_mlp_body(%arg0: memref<64x64xf32, #tpu.memory_space<vmem>>, %arg1: memref<1x64xf32, #tpu.memory_space<vmem>>, %arg2: memref<1x64xf32, #tpu.memory_space<vmem>>, %arg3: memref<1x64xf32, #tpu.memory_space<vmem>>, %arg4: memref<1x64xf32, #tpu.memory_space<vmem>>, %arg5: memref<64x64xf32, #tpu.memory_space<vmem>>, %arg6: memref<1x64xf32, #tpu.memory_space<vmem>>, %arg7: memref<64x64xf32, #tpu.memory_space<vmem>>) attributes {dimension_semantics = [], scalar_prefetch = 0 : i64, scratch_operands = 0 : i64, tpu.core_type = #tpu.core_type<tc>} {
    %get3A = arith.constant 0 : index
    %get3A_0 = arith.constant 0 : index
    %get3A_1 = vector.load %arg0[%get3A, %get3A_0] : memref<64x64xf32, #tpu.memory_space<vmem>>, vector<64x64xf32>
    %get3A_2 = arith.constant 0 : index
    %get3A_3 = arith.constant 0 : index
    %get3A_4 = vector.load %arg1[%get3A_2, %get3A_3] : memref<1x64xf32, #tpu.memory_space<vmem>>, vector<1x64xf32>
    %sub3A = vector.broadcast %get3A_4 : vector<1x64xf32> to vector<64x64xf32>
    %sub3A_5 = arith.subf %get3A_1, %sub3A : vector<64x64xf32>
    %get3A_6 = arith.constant 0 : index
    %get3A_7 = arith.constant 0 : index
    %get3A_8 = vector.load %arg2[%get3A_6, %get3A_7] : memref<1x64xf32, #tpu.memory_space<vmem>>, vector<1x64xf32>
    %add3A = arith.constant 9.99999974E-6 : f32
    %add3A_9 = vector.broadcast %add3A : f32 to vector<1x64xf32>
    %add3A_10 = arith.addf %get3A_8, %add3A_9 : vector<1x64xf32>
    %rsqrt3A = math.rsqrt %add3A_10 : vector<1x64xf32>
    %mul3A = vector.broadcast %rsqrt3A : vector<1x64xf32> to vector<64x64xf32>
    %mul3A_11 = arith.mulf %sub3A_5, %mul3A : vector<64x64xf32>
    %get3A_12 = arith.constant 0 : index
    %get3A_13 = arith.constant 0 : index
    %get3A_14 = vector.load %arg3[%get3A_12, %get3A_13] : memref<1x64xf32, #tpu.memory_space<vmem>>, vector<1x64xf32>
    %mul3A_15 = vector.broadcast %get3A_14 : vector<1x64xf32> to vector<64x64xf32>
    %mul3A_16 = arith.mulf %mul3A_11, %mul3A_15 : vector<64x64xf32>
    %get3A_17 = arith.constant 0 : index
    %get3A_18 = arith.constant 0 : index
    %get3A_19 = vector.load %arg4[%get3A_17, %get3A_18] : memref<1x64xf32, #tpu.memory_space<vmem>>, vector<1x64xf32>
    %add3A_20 = vector.broadcast %get3A_19 : vector<1x64xf32> to vector<64x64xf32>
    %add3A_21 = arith.addf %mul3A_16, %add3A_20 : vector<64x64xf32>
    %max3A = arith.constant 0.000000e+00 : f32
    %max3A_22 = vector.broadcast %max3A : f32 to vector<64x64xf32>
    %max3A_23 = arith.maximumf %add3A_21, %max3A_22 : vector<64x64xf32>
    %get3A_24 = arith.constant 0 : index
    %get3A_25 = arith.constant 0 : index
    %get3A_26 = vector.load %arg5[%get3A_24, %get3A_25] : memref<64x64xf32, #tpu.memory_space<vmem>>, vector<64x64xf32>
    %dot_general3A = arith.constant dense<0.000000e+00> : vector<64x64xf32>
    %dot_general3A_27 = tpu.matmul %max3A_23, %get3A_26, %dot_general3A {dimension_numbers = #tpu.dot_dimension_numbers<[1], [1], [0], [0], [0, 0, 1, 0], [], []>, transpose_lhs_hint = false} : vector<64x64xf32>, vector<64x64xf32>, vector<64x64xf32> -> vector<64x64xf32>
    %get3A_28 = arith.constant 0 : index
    %get3A_29 = arith.constant 0 : index
    %get3A_30 = vector.load %arg6[%get3A_28, %get3A_29] : memref<1x64xf32, #tpu.memory_space<vmem>>, vector<1x64xf32>
    %add3A_31 = vector.broadcast %get3A_30 : vector<1x64xf32> to vector<64x64xf32>
    %add3A_32 = arith.addf %dot_general3A_27, %add3A_31 : vector<64x64xf32>
    %swap3A = arith.constant 0 : index
    %swap3A_33 = arith.constant 0 : index
    %swap3A_34 = vector.load %arg7[%swap3A, %swap3A_33] : memref<64x64xf32, #tpu.memory_space<vmem>>, vector<64x64xf32>
    tpu.vector_store %arg7[%swap3A, %swap3A_33], %add3A_32 {strides = array<i32>} : memref<64x64xf32, #tpu.memory_space<vmem>>, vector<64x64xf32>,
    return
  }
}

module attributes {stable_mosaic.version = 14 : i64} {
  func.func @_tc_mlp_body(%arg0: memref<64x64xf32, #tpu.memory_space<vmem>>, %arg1: memref<1x64xf32, #tpu.memory_space<vmem>>, %arg2: memref<1x64xf32, #tpu.memory_space<vmem>>, %arg3: memref<1x64xf32, #tpu.memory_space<vmem>>, %arg4: memref<1x64xf32, #tpu.memory_space<vmem>>, %arg5: memref<10x64xf32, #tpu.memory_space<vmem>>, %arg6: memref<1x10xf32, #tpu.memory_space<vmem>>, %arg7: memref<64x10xf32, #tpu.memory_space<vmem>>) attributes {dimension_semantics = [], scalar_prefetch = 0 : i64, scratch_operands = 0 : i64, tpu.core_type = #tpu.core_type<tc>} {
    %get3A = arith.constant 0 : index
    %get3A_0 = arith.constant 0 : index
    %get3A_1 = vector.load %arg0[%get3A, %get3A_0] : memref<64x64xf32, #tpu.memory_space<vmem>>, vector<64x64xf32>
    %get3A_2 = arith.constant 0 : index
    %get3A_3 = arith.constant 0 : index
    %get3A_4 = vector.load %arg1[%get3A_2, %get3A_3] : memref<1x64xf32, #tpu.memory_space<vmem>>, vector<1x64xf32>
    %sub3A = vector.broadcast %get3A_4 : vector<1x64xf32> to vector<64x64xf32>
    %sub3A_5 = arith.subf %get3A_1, %sub3A : vector<64x64xf32>
    %get3A_6 = arith.constant 0 : index
    %get3A_7 = arith.constant 0 : index
    %get3A_8 = vector.load %arg2[%get3A_6, %get3A_7] : memref<1x64xf32, #tpu.memory_space<vmem>>, vector<1x64xf32>
    %add3A = arith.constant 9.99999974E-6 : f32
    %add3A_9 = vector.broadcast %add3A : f32 to vector<1x64xf32>
    %add3A_10 = arith.addf %get3A_8, %add3A_9 : vector<1x64xf32>
    %rsqrt3A = math.rsqrt %add3A_10 : vector<1x64xf32>
    %mul3A = vector.broadcast %rsqrt3A : vector<1x64xf32> to vector<64x64xf32>
    %mul3A_11 = arith.mulf %sub3A_5, %mul3A : vector<64x64xf32>
    %get3A_12 = arith.constant 0 : index
    %get3A_13 = arith.constant 0 : index
    %get3A_14 = vector.load %arg3[%get3A_12, %get3A_13] : memref<1x64xf32, #tpu.memory_space<vmem>>, vector<1x64xf32>
    %mul3A_15 = vector.broadcast %get3A_14 : vector<1x64xf32> to vector<64x64xf32>
    %mul3A_16 = arith.mulf %mul3A_11, %mul3A_15 : vector<64x64xf32>
    %get3A_17 = arith.constant 0 : index
    %get3A_18 = arith.constant 0 : index
    %get3A_19 = vector.load %arg4[%get3A_17, %get3A_18] : memref<1x64xf32, #tpu.memory_space<vmem>>, vector<1x64xf32>
    %add3A_20 = vector.broadcast %get3A_19 : vector<1x64xf32> to vector<64x64xf32>
    %add3A_21 = arith.addf %mul3A_16, %add3A_20 : vector<64x64xf32>
    %max3A = arith.constant 0.000000e+00 : f32
    %max3A_22 = vector.broadcast %max3A : f32 to vector<64x64xf32>
    %max3A_23 = arith.maximumf %add3A_21, %max3A_22 : vector<64x64xf32>
    %get3A_24 = arith.constant 0 : index
    %get3A_25 = arith.constant 0 : index
    %get3A_26 = vector.load %arg5[%get3A_24, %get3A_25] : memref<10x64xf32, #tpu.memory_space<vmem>>, vector<10x64xf32>
    %dot_general3A = arith.constant dense<0.000000e+00> : vector<64x10xf32>
    %dot_general3A_27 = tpu.matmul %max3A_23, %get3A_26, %dot_general3A {dimension_numbers = #tpu.dot_dimension_numbers<[1], [1], [0], [0], [0, 0, 1, 0], [], []>, transpose_lhs_hint = false} : vector<64x64xf32>, vector<10x64xf32>, vector<64x10xf32> -> vector<64x10xf32>
    %get3A_28 = arith.constant 0 : index
    %get3A_29 = arith.constant 0 : index
    %get3A_30 = vector.load %arg6[%get3A_28, %get3A_29] : memref<1x10xf32, #tpu.memory_space<vmem>>, vector<1x10xf32>
    %add3A_31 = vector.broadcast %get3A_30 : vector<1x10xf32> to vector<64x10xf32>
    %add3A_32 = arith.addf %dot_general3A_27, %add3A_31 : vector<64x10xf32>
    %swap3A = arith.constant 0 : index
    %swap3A_33 = arith.constant 0 : index
    %swap3A_34 = vector.load %arg7[%swap3A, %swap3A_33] : memref<64x10xf32, #tpu.memory_space<vmem>>, vector<64x10xf32>
    tpu.vector_store %arg7[%swap3A, %swap3A_33], %add3A_32 {strides = array<i32>} : memref<64x10xf32, #tpu.memory_space<vmem>>, vector<64x10xf32>,
    return
  }
}

</mosaic_0001>

<sc_bundles>
// kernel: kernel.17.cloned.1.call-start
scs
__scs_entry_jumppad:
0x0: {  	(pc) =	sbr.rel $0x88, $3  }
0x1: {  	(tag) =	ssettag $0x0;
	lr =	simm.s32 $0x1  }
0x2: {  	[smem:$0x3F77] =	sst lr;
	_ =	strace $0xD0000000  }
0x3: {  	_ = 	snop  }
0x4: {  	_ = 	snop  }
0x5: {  	_ = 	snop  }
0x6: {  	_ = 	snop  }
0x7: {  	_ = 	snop  }
__scs_overlays_trampoline_lowered:
0x8: {  	[smem:$0x3F86] =	sst s0  }
0x9: {  	[smem:$0x3F87] =	sst s1  }
0xa: {  	[smem:$0x3F88] =	sst s2  }
0xb: {  	[smem:$0x3F89] =	sst s3  }
0xc: {  	[smem:$0x3F8A] =	sst s4  }
0xd: {  	[smem:$0x3F8B] =	sst s5  }
0xe: {  	[smem:$0x3F8C] =	sst s6  }
0xf: {  	[smem:$0x3F8D] =	sst s7  }
0x10: {  	[smem:$0x3F8E] =	sst s8  }
0x11: {  	[smem:$0x3F8F] =	sst s9;
	s0 =	simm.s32 @!p0 $0x0  }
0x12: {  	s1 =	sld [smem:$0x3F75];
	s0 =	simm.s32 @p0 $0x1  }
0x13: {  	[smem:$0x3F90] =	sst s0;
	s0 =	simm.s32 @!p1 $0x0  }
0x14: {  	s2 =	sld [smem:$0x3F74];
	s0 =	simm.s32 @p1 $0x1  }
0x15: {  	[smem:$0x3F91] =	sst s0;
	s0 =	simm.s32 @!p2 $0x0  }
0x16: {  	s3 =	sld [smem:$0x3FDB];
	s0 =	simm.s32 @p2 $0x1  }
0x17: {  	s4 =	simm.s32 $0x1BF5;
	[smem:$0x3F93] =	sst s0  }
0x18: {  	s0 =	sld [smem:$0x3F76];
	_ =	swait.ge [sflag:s4], $0x0  }
0x19: {  	s7 =	sld [smem:$0x3F77]  }
0x1a: {  	s8 =	sadd.s32 $0xFFFFE003, lr  }
0x1b: {  	s9 =	sadd.s32 $0xFFFFFEF7, lr;
	s5 =	simm.s32 $0xFFFFFFFF;
	p2 =	slt.u32 s8, $0xFFFFF086  }
0x1c: {  	p1 =	slt.u32 s9, $0xF7A;
	s5 =	simm.s32 @!p2 $0x0  }
0x1d: {  	s5 =	simm.s32 @p1 $0x1;
	p0 =	seq.s32 s7, s2  }
0x1e: {  	s7 =	smul.u32 @!p0 $0xF7A, s2;
	p2 =	seq.s32 @!p0 s5, $0x0  }
0x1f: {  	s9 =	smul.u32 $0xF7A, s1;
	s8 =	simm.s32 @!p0 $0x1BF5;
	p2 =	por !p2, p0  }
0x20: {  	[sflag:s8] =	ssyncset.s32 @!p0 $0xFFFFF086;
	s6 =	sadd.s32 @!p0 s3, s7;
	s7 =	simm.s32 @!p0 $0x108  }
0x21: {  	s3 =	sadd.s32 s3, s9;
	s6 =	sadd.s32 @!p0 $0x88, s6;
	s7 =	simm.s32 @p2 $0x1082  }
0x22: {  	[simem:s7], [sflag:s8] =	dma.local @!p0 [hbm:s6], $0xF7A  }
0x23: {  	s9 =	sor.u32 $0xD0000000, s2;
	s6 =	simm.s32 $0x108;
	_ =	swait.ge @!p0 [sflag:s8], $0x0  }
0x24: {  	s3 =	sadd.s32 $0x88, s3;
	s6 =	simm.s32 @!p1 $0x1082;
	[sflag:s4] =	ssyncset.s32 $0xFFFFF086  }
0x25: {  	[simem:s6], [sflag:s4] =	dma.local [hbm:s3], $0xF7A  }
0x26: {  	[smem:$0x3F77] =	sst s1;
	(tag) =	ssettag s2;
	_ =	strace s9  }
0x27: {  	s1 =	sld [smem:$0x3F87]  }
0x28: {  	s2 =	sld [smem:$0x3F88]  }
0x29: {  	s4 =	sld [smem:$0x3F8A]  }
0x2a: {  	p0 =	seq.s32 s5, $0x0;
	s5 =	sld [smem:$0x3F8B]  }
0x2b: {  	s6 =	sld [smem:$0x3F8C]  }
0x2c: {  	s7 =	sld [smem:$0x3F8D]  }
0x2d: {  	s3 =	simm.s32 $0x108;
	s8 =	sld [smem:$0x3F8E]  }
0x2e: {  	s3 =	simm.s32 @!p0 $0x1082;
	s9 =	sld [smem:$0x3F8F]  }
0x2f: {  	lr =	sadd.s32 s0, s3;
	s0 =	sld [smem:$0x3F86]  }
0x30: {  	s3 =	sld [smem:$0x3F89]  }
0x31: {  	[smem:$0x3F92] =	sst s10  }
0x32: {  	s10 =	sld [smem:$0x3F90];
	_ =	sdelay $0x3  }
0x33: {  	p0 =	seq.s32 s10, $0x1;
	s10 =	sld [smem:$0x3F92];
	_ =	sdelay $0x3  }
0x34: {  	[smem:$0x3F92] =	sst s10  }
0x35: {  	s10 =	sld [smem:$0x3F91];
	_ =	sdelay $0x3  }
0x36: {  	p1 =	seq.s32 s10, $0x1;
	s10 =	sld [smem:$0x3F92];
	_ =	sdelay $0x3  }
0x37: {  	[smem:$0x3F92] =	sst s10  }
0x38: {  	s10 =	sld [smem:$0x3F93]  }
0x39: {  	_ = 	snop;
	(pc) =	sbr.ind lr, $3  }
0x3a: {  	_ = 	snop  }
0x3b: {  	_ = 	snop  }
0x3c: {  	p2 =	seq.s32 s10, $0x1;
	s10 =	sld [smem:$0x3F92]  }
0x3d: {  	_ =	shalt  }
0x3e: {  	_ =	shalt  }
0x3f: {  	_ =	shalt  }
0x40: {  	_ =	shalt  }
0x41: {  	_ =	shalt  }
0x42: {  	_ =	shalt  }
0x43: {  	_ =	shalt  }
0x44: {  	_ =	shalt  }
0x45: {  	_ =	shalt  }
0x46: {  	_ =	shalt  }
0x47: {  	_ =	shalt  }
0x48: {  	_ =	shalt  }
0x49: {  	_ =	shalt  }
0x4a: {  	_ =	shalt  }
0x4b: {  	_ =	shalt  }
0x4c: {  	_ =	shalt  }
0x4d: {  	_ =	shalt  }
0x4e: {  	_ =	shalt  }
0x4f: {  	_ =	shalt  }
0x50: {  	_ =	shalt  }
0x51: {  	_ =	shalt  }
0x52: {  	_ =	shalt  }
0x53: {  	_ =	shalt  }
0x54: {  	_ =	shalt  }
0x55: {  	_ =	shalt  }
0x56: {  	_ =	shalt  }
0x57: {  	_ =	shalt  }
0x58: {  	_ =	shalt  }
0x59: {  	_ =	shalt  }
0x5a: {  	_ =	shalt  }
0x5b: {  	_ =	shalt  }
0x5c: {  	_ =	shalt  }
0x5d: {  	_ =	shalt  }
0x5e: {  	_ =	shalt  }
0x5f: {  	_ =	shalt  }
0x60: {  	_ =	shalt  }
0x61: {  	_ =	shalt  }
0x62: {  	_ =	shalt  }
0x63: {  	_ =	shalt  }
0x64: {  	_ =	shalt  }
0x65: {  	_ =	shalt  }
0x66: {  	_ =	shalt  }
0x67: {  	_ =	shalt  }
0x68: {  	_ =	shalt  }
0x69: {  	_ =	shalt  }
0x6a: {  	_ =	shalt  }
0x6b: {  	_ =	shalt  }
0x6c: {  	_ =	shalt  }
0x6d: {  	_ =	shalt  }
0x6e: {  	_ =	shalt  }
0x6f: {  	_ =	shalt  }
0x70: {  	_ =	shalt  }
0x71: {  	_ =	shalt  }
0x72: {  	_ =	shalt  }
0x73: {  	_ =	shalt  }
0x74: {  	_ =	shalt  }
0x75: {  	_ =	shalt  }
0x76: {  	_ =	shalt  }
0x77: {  	_ =	shalt  }
0x78: {  	_ =	shalt  }
0x79: {  	_ =	shalt  }
0x7a: {  	_ =	shalt  }
0x7b: {  	_ =	shalt  }
0x7c: {  	_ =	shalt  }
0x7d: {  	_ =	shalt  }
0x7e: {  	_ =	shalt  }
0x7f: {  	_ =	shalt  }
0x80: {  	_ =	shalt  }
0x81: {  	_ =	shalt  }
0x82: {  	_ =	shalt  }
0x83: {  	_ =	shalt  }
0x84: {  	_ =	shalt  }
0x85: {  	_ =	shalt  }
0x86: {  	_ =	shalt  }
0x87: {  	_ =	shalt  }
.Lfunc_end0:
.L_simem_size_0:
called_computation_lowered:
.L_overlay_start_0:
0x88: {  	s2 =	sld [smem:$0x3FD9]  }
0x89: {  	s3 =	sld [smem:$0x3FFE];
	_ =	sdelay $0x1  }
0x8a: {  	s1 =	srdreg.scid  }
0x8b: {  	s0 =	sand.u32 $0x1, s1  }
0x8c: {  	s17 =	sshll.u32 s0, $0xA;
	s2 =	sadd.s32 s3, s2  }
0x8d: {  	s2 =	sadd.s32 s2, s17  }
0x8e: {  	[smem:$0x3F9E] =	sst s2  }
0x8f: {  	_ = 	snop  }
0x90: {  	s2 =	sld [smem:$0x3FD0];
	(tm) =	ssettm $0x1  }
0x91: {  	s18 =	sld [smem:$0x3FFB];
	_ =	sdelay $0x3  }
0x92: {  	_ =	strace s18  }
0x93: {  	s3 =	sld [smem:$0x3FFC];
	_ =	sdelay $0x3  }
0x94: {  	_ =	strace s3  }
0x95: {  	s3 =	sld [smem:$0x3FFD];
	_ =	sdelay $0x3  }
0x96: {  	_ =	strace s3  }
0x97: {  	_ =	strace $0x8FFFFFFF  }
0x98: {  	s19 =	sld [smem:$0x3FDB];
	_ =	sdelay $0x1  }
0x99: {  	s4 =	simm.s32 $_scs_section_size  }
0x9a: {  	s5 =	simm.s32 $_size__tile_overlayer_lowered;
	s6 =	simm.s32 $_tile_overlayer_lowered  }
0x9b: {  	s22 =	simm.s32 $0x1BFF;
	s21 =	sshll.u32 s6, $0x1;
	s3 =	sadd.s32 s4, s19  }
0x9c: {  	s7 =	simm.s32 $0x0;
	s20 =	sshll.u32 s5, $0x1;
	s5 =	sadd.s32 s21, s3  }
0x9d: {  	[timem:s7], [sflag:s22] =	dma.local [hbm:s5], s20  }
0x9e: {  	_ =	swait.ge [sflag:s22], s20  }
0x9f: {  	s4 =	ssub.s32 $0x0, s20;
	[sflag:s22] =	ssyncset.done $0x0  }
0xa0: {  	[sflag:s22] =	ssyncadd.s32 s4;
	_ =	sdelay $0x1  }
0xa1: {  	s23 =	simm.s32 $0x1B8B  }
0xa2: {  	_ =	swait.ge [sflag:s23], $0x1  }
0xa3: {  	[sflag:s23] =	ssyncset.done $0x0  }
0xa4: {  	s25 =	simm.s32 $0x1B8E;
	s24 =	sld [smem:$0x3FFE];
	[sflag:s23] =	ssyncadd.s32 $0xFFFFFFFF  }
0xa5: {  	s26 =	simm.s32 $execute0_lowered;
	[smem:$0x3FD2] =	sst s25  }
0xa6: {  	s5 =	sshll.u32 s26, $0x1;
	_ =	strace $0x80000046;
	[dreg:$0x1] =	wrdreg $0xFFFFFFFF  }
0xa7: {  	s28 =	simm.s32 $_size_execute0_lowered;
	s3 =	sadd.s32 s3, s5;
	[dreg:$0x0] =	wrdreg $0x0  }
0xa8: {  	s5 =	sshll.u32 s28, $0x1;
	[dreg:$0x2] =	wrdreg s3  }
0xa9: {  	[dreg:$0x3] =	wrdreg s5  }
0xaa: {  	[dreg:$0x4] =	wrdreg $0xC0  }
0xab: {  	_ =	task [dreg:s7], $0x5FFFF  }
0xac: {  	[dreg:$0x1] =	wrdreg $0xFFFFFFFF  }
0xad: {  	[dreg:$0x0] =	wrdreg $0x60  }
0xae: {  	[dreg:$0x2] =	wrdreg s24  }
0xaf: {  	[dreg:$0x3] =	wrdreg s2  }
0xb0: {  	[dreg:$0x4] =	wrdreg $0x9  }
0xb1: {  	_ =	task.clear_ibuf [dreg:s7], $0x5FFFF;
	_ =	strace $0x90000046  }
0xb2: {  	s29 =	simm.s32 $0x9;
	_ =	strace $0x80000048  }
0xb3: {  	_ =	swait.ge [sflag:s29], $0x1  }
0xb4: {  	[sflag:s29] =	ssyncadd.s32 $0xFFFFFFFF  }
0xb5: {  	_ =	strace $0x90000048  }
0xb6: {  	_ =	sfence  }
0xb7: {  	s30 =	sld [smem:$0x0];
	_ =	sdelay $0x2  }
0xb8: {  	s31 =	sshll.u32 s1, $0xD;
	s1 =	sshrl.u32 s1, $0x2  }
0xb9: {  	s3 =	sand.u32 $0x4000, s31;
	s1 =	sadd.s32 s1, s30  }
0xba: {  	s0 =	sor.u32 s3, s0;
	s1 =	sshll.u32 s1, $0x11  }
0xbb: {  	s0 =	sor.u32 s1, s0  }
0xbc: {  	s0 =	sadd.s32 $0x8F2B, s0  }
0xbd: {  	[sflag:s0] =	ssyncadd.remote.s32 $0x1  }
0xbe: {  	_ =	sfence.sel $0xFFFF  }
0xbf: {  	[dreg:$0x0] =	wrdreg $0xFFFFFFFF;
	(pc) =	sbr.abs _section_cstart, $3  }
0xc0: {  	[dreg:$0x1] =	wrdreg $0xFFFFFFFF  }
0xc1: {  	_ =	task.clear_ibuf [dreg:s7], $0x2FFFF;
	_ =	strace $0x9FFFFFFF  }
0xc2: {  	(tm) =	ssettm $0x7FFFFFFF  }
0xc3: {  	_ =	shalt  }
tec
execute0_lowered:
.L_overlay_start_1:
0x0: {  	(tag) =	ssettag $0x1  }
0x1: {  	s1 =	rddreg [dreg:$0x0]  }
0x2: {  	s8 =	rddreg [dreg:$0x1]  }
0x3: {  	s2 =	srdreg.scid;
	s0 =	rddreg [dreg:$0x2];
	s3 =	simm.s32 $0x0  }
0x4: {  	s15 =	simm.s32 $0x0;
	s7 =	sand.u32 $0x1, s2;
	[smem:$0x7FF] =	sst s3  }
0x5: {  	s2 =	stileid.u32;
	s5 =	sadd.s32 $0x13C00, s1;
	s6 =	sadd.s32 $0x153C00, s1  }
0x6: {  	s4 =	sshll.u32 s7, $0x4;
	_ =	strace $0x80000047;
	s10 =	ssub.s32 $0x2, s7  }
0x7: {  	s13 =	smul.u32 $0xFFFFEC80, s7;
	s9 =	sor.u32 s2, s4;
	s12 =	sshrl.u32 s10, $0x1  }
0x8: {  	s4 =	sadd.s32 $0x9E00, s1;
	s11 =	smul.u32 $0x138, s9;
	s10 =	ssub.s32 s10, s12  }
0x9: {  	p0 =	seq.s32 s9, $0x1F;
	s14 =	sshll.u32 s9, $0x1;
	s7 =	smul.u32 $0x50000, s9  }
0xa: {  	v2 =	vmov s13;
	s13 =	simm.s32 $0x800;
	s8 =	sadd.s32 s8, s14;
	s12 =	sadd.s32 $0x138, s11  }
0xb: {  	v3 =	vimm.s32 $0x0;
	s9 =	smax.u32 s10, $0x1;
	s10 =	simm.s32 $0x1;
	s12 =	simm.s32 @p0 $0x2710  }
0xc: {  	v4 =	vimm.s32 $0x1390;
	s14 =	simm.s32 $0xC00;
	v0 =	vmov s11;
	s11 =	simm.s32 $0x200;
	v1 =	vmov s12;
	s12 =	simm.s32 $0x400  }
.LBB2_1:
0xd: {  	s16 =	simm.s32 $0x40;
	s18 =	simm.s32 $0x0  }
.LBB2_2:
0xe: {  	p0 =	sne.s32 s16, $0xFC0;
	[tilespmem:s18+$0x400] =	vst v3;
	s17 =	smov.u32 s16;
	s16 =	sadd.s32 $0x40, s16  }
.Ltmp0:
0xf: {  	[tilespmem:s18+$0x800] =	vst v4;
	(pc) =	sbr.rel @p0 .LBB2_2-.Ltmp0, $2  }
0x10: {  	_ =	sdelay $0x2  }
0x11: {  	s18 =	sshra.s32 s17, $0x2  }
.Ltmp1:
0x12: {  	(pc) =	sbr.rel .LBB2_4-.Ltmp1, $3  }
0x13: {  	_ =	sdelay $0x1  }
0x14: {  	s17 =	simm.s32 $0x0;
	[tilespmem:s18+$0x400] =	vst v3;
	s16 =	simm.s32 $0x0  }
0x15: {  	[tilespmem:s18+$0x800] =	vst v4;
	s20 =	simm.s32 $0x0;
	s18 =	simm.s32 $0x0;
	[smem:$0x1] =	sst s17  }
.LBB2_10:
0x16: {  	s18 =	sadd.s32 $0x1, s18  }
0x17: {  	p0 =	sne.s32 s18, $0x271  }
.Ltmp2:
0x18: {  	_ = 	snop;
	(pc) =	sbr.rel @!p0 .LBB2_11-.Ltmp2, $1  }
0x19: {  	_ =	sdelay $0x3  }
.LBB2_4:
0x1a: {  	s19 =	sshll.u32 s18, $0x6  }
0x1b: {  	s21 =	sadd.s32 s4, s19  }
0x1c: {  	[tilespmem:s17], [sflag:$0x1] =	stream.linear.gather [hbm4b:s21+s17], $0x200, $0x38;
	[tilespmem:$0xC80] =	vst v63  }
0x1d: {  	_ =	swait.ge [sflag:s10], $0x200  }
0x1e: {  	[sflag:s10] =	ssyncset.done $0x0  }
.Ltmp3:
0x1f: {  	s19 =	sadd.s32 s1, s19;
	[sflag:s10] =	ssyncadd.s32 $0xFFFFFE00;
	(pc) =	sbr.rel .LBB2_5-.Ltmp3, $4  }
0x20: {  	[tilespmem:s11], [sflag:$0x1] =	stream.linear.gather [hbm4b:s19+s17], $0x200, $0x38;
	[tilespmem:$0xC80] =	vst v63  }
0x21: {  	_ =	swait.ge [sflag:s10], $0x200  }
0x22: {  	[sflag:s10] =	ssyncset.done $0x0  }
0x23: {  	s19 =	simm.s32 $0x0;
	[sflag:s10] =	ssyncadd.s32 $0xFFFFFE00  }
.LBB2_8:
0x24: {  	[tilespmem:s21+$0x400] =	vst v3;
	s16 =	sadd.s32 $0x400, s16  }
0x25: {  	[tilespmem:s21+$0x800] =	vst v4;
	s20 =	simm.s32 $0x0;
	[smem:$0x1] =	sst s16  }
.LBB2_9:
0x26: {  	s21 =	sshll.u32 s19, $0x4  }
0x27: {  	v5 =	vld [tilespmem:s21+$0x200];
	_ =	sdelay $0x4  }
0x28: {  	vm0 =	vge.s32 v5, v0;
	vm1 =	vlt.s32 v5, v1  }
0x29: {  	vm0 =	vmand vm0, vm1  }
0x2a: {  	v6 =	vsel vm0, $0x1, v3  }
0x2b: {  	(xrf0) =	vadd.scan.msk.s32 $0xffff, v6;
	_ =	sdelay $0x5  }
0x2c: {  	v6, _, _ =	vpop (xrf0)  }
0x2d: {  	(v2sf) =	vpush v6, $0xF;
	_ =	sdelay $0x6  }
0x2e: {  	v7 =	vmov s20  }
0x2f: {  	v7 =	vadd.s32 $0xFFFFFFFF, v7  }
0x30: {  	v7 =	vbroadcast v7, $0x0;
	_ =	sdelay $0x1  }
0x31: {  	s19 =	sadd.s32 $0x1, s19;
	v8 =	vld [tilespmem:s21+$0x0];
	v6 =	vadd.s32 v6, v7  }
0x32: {  	p0 =	sne.s32 s19, $0x20  }
.Ltmp4:
0x33: {  	_ = 	snop;
	(pc) =	sbr.rel @!p0 .LBB2_10-.Ltmp4, $4  }
0x34: {  	_ = 	snop  }
0x35: {  	s31 =	spop (v2sf)  }
0x36: {  	v5 =	vadd.s32 v2, v5;
	[tilespmem:v6+s12+$0x0] =	vst.idx.msk vm0, v8;
	s20 =	sadd.s32 s20, s31  }
0x37: {  	[tilespmem:v6+s13+$0x0] =	vst.idx.msk vm0, v5;
	[smem:$0x0] =	sst s20  }
.LBB2_5:
0x38: {  	p0 =	slt.s32 s20, $0x3F0  }
.Ltmp5:
0x39: {  	_ = 	snop;
	(pc) =	sbr.rel @p0 .LBB2_9-.Ltmp5, $1  }
0x3a: {  	_ =	sdelay $0x3  }
0x3b: {  	s20 =	sadd.s32 s7, s16  }
0x3c: {  	s20 =	sshrl.u32 s20, $0x3  }
0x3d: {  	s22 =	simm.s32 $0x0;
	s21 =	sadd.s32 s5, s20  }
0x3e: {  	[hbm4b:s21+s22] =	stream.linear.scatter [tilespmem:s12], [sflag:$0x1], $0x400, $0x38;
	[tilespmem:$0xC80] =	vst v63  }
0x3f: {  	_ =	swait.ge [sflag:s10], $0x400  }
0x40: {  	[sflag:s10] =	ssyncset.done $0x0  }
0x41: {  	s20 =	sadd.s32 s6, s20;
	[sflag:s10] =	ssyncadd.s32 $0xFFFFFC00  }
0x42: {  	[hbm4b:s20+s22] =	stream.linear.scatter [tilespmem:s13], [sflag:$0x1], $0x400, $0x38;
	[tilespmem:$0xC80] =	vst v63  }
0x43: {  	_ =	swait.ge [sflag:s10], $0x400  }
0x44: {  	[sflag:s10] =	ssyncset.done $0x0  }
0x45: {  	s21 =	simm.s32 $0x0;
	s20 =	simm.s32 $0x40;
	[sflag:s10] =	ssyncadd.s32 $0xFFFFFC00  }
.LBB2_7:
0x46: {  	p0 =	sne.s32 s20, $0xFC0;
	[tilespmem:s21+$0x400] =	vst v3;
	s22 =	smov.u32 s20;
	s20 =	sadd.s32 $0x40, s20  }
.Ltmp6:
0x47: {  	[tilespmem:s21+$0x800] =	vst v4;
	(pc) =	sbr.rel @p0 .LBB2_7-.Ltmp6, $2  }
0x48: {  	_ =	sdelay $0x2  }
0x49: {  	s21 =	sshra.s32 s22, $0x2  }
.Ltmp7:
0x4a: {  	_ = 	snop;
	(pc) =	sbr.rel .LBB2_8-.Ltmp7, $1  }
0x4b: {  	_ =	sdelay $0x3  }
.LBB2_11:
0x4c: {  	s17 =	sadd.s32 s7, s16  }
0x4d: {  	s17 =	sshrl.u32 s17, $0x3  }
0x4e: {  	s19 =	simm.s32 $0x0;
	s18 =	sadd.s32 s5, s17  }
0x4f: {  	[hbm4b:s18+s19] =	stream.linear.scatter [tilespmem:s12], [sflag:$0x1], $0x400, $0x38;
	[tilespmem:$0xC80] =	vst v63  }
0x50: {  	_ =	swait.ge [sflag:s10], $0x400  }
0x51: {  	[sflag:s10] =	ssyncset.done $0x0  }
0x52: {  	s17 =	sadd.s32 s6, s17;
	[sflag:s10] =	ssyncadd.s32 $0xFFFFFC00  }
0x53: {  	[hbm4b:s17+s19] =	stream.linear.scatter [tilespmem:s13], [sflag:$0x1], $0x400, $0x38;
	[tilespmem:$0xC80] =	vst v63  }
0x54: {  	_ =	swait.ge [sflag:s10], $0x400  }
0x55: {  	[sflag:s10] =	ssyncset.done $0x0  }
0x56: {  	s18 =	simm.s32 $0x0;
	s17 =	simm.s32 $0x40;
	[sflag:s10] =	ssyncadd.s32 $0xFFFFFC00  }
.LBB2_12:
0x57: {  	p0 =	sne.s32 s17, $0xFC0;
	[tilespmem:s18+$0x400] =	vst v3;
	s19 =	smov.u32 s17;
	s17 =	sadd.s32 $0x40, s17  }
.Ltmp8:
0x58: {  	[tilespmem:s18+$0x800] =	vst v4;
	(pc) =	sbr.rel @p0 .LBB2_12-.Ltmp8, $2  }
0x59: {  	_ =	sdelay $0x2  }
0x5a: {  	s18 =	sshra.s32 s19, $0x2  }
0x5b: {  	s16 =	sadd.s32 $0x400, s16  }
0x5c: {  	[tilespmem:s18+$0x400] =	vst v3;
	s15 =	sadd.s32 $0x1, s15;
	s17 =	sshra.s32 s16, $0x6  }
0x5d: {  	[tilespmem:s18+$0x800] =	vst v4;
	[smem:$0x1] =	sst s16;
	p0 =	sne.s32 s15, s9;
	v5 =	vmov s17  }
.Ltmp9:
0x5e: {  	[smem:$0x0] =	sst s3;
	[tilespmem:$0xC00] =	vst v5;
	(pc) =	sbr.rel @p0 .LBB2_1-.Ltmp9, $4  }
0x5f: {  	[hbm4b:s8+s3] =	stream.linear.scatter [tilespmem:s14], [sflag:$0x1], $0x10, $0x38;
	[tilespmem:$0xC80] =	vst v63  }
0x60: {  	_ =	swait.ge [sflag:s10], $0x10  }
0x61: {  	[sflag:s10] =	ssyncset.done $0x0  }
0x62: {  	[sflag:s10] =	ssyncadd.s32 $0xFFFFFFF0  }
0x63: {  	_ =	sfence.sel $0x180000  }
0x64: {  	[bflag:$0x0] =	sbarrier.arrive $0xFFFF  }
0x65: {  	p0 =	sne.s32 s2, $0x0;
	_ =	strace $0x90000047  }
0x66: {  	s0 =	sadd.s32 @!p0 $0x100000, s0;
	[bflag:$0x2] =	sbarrier.arrive $0xFFFF  }
0x67: {  	[sflag:s0] =	ssyncadd.tile.s32 @!p0 $0x1;
	_ =	shalt  }
.Lfunc_end2:
_tile_overlayer_lowered:
.L_overlay_start_2:
0x68: {  	(tag) =	ssettag $0x2  }
0x69: {  	s0 =	rddreg [dreg:$0x0];
	s2 =	stileid.u32  }
0x6a: {  	s1 =	rddreg [dreg:$0x1];
	p0 =	sne.s32 s2, $0x0  }
0x6b: {  	s3 =	rddreg [dreg:$0x2];
	[bflag:$0x3] =	sbarrier.arrive $0xFFFF;
	s2 =	simm.s32 @!p0 $0x1C01  }
0x6c: {  	[timem:s3], [sflag:s2] =	dma.local @!p0 [hbm:s0], s1  }
0x6d: {  	s0 =	simm.s32 @!p0 $0x1  }
0x6e: {  	_ =	swait.ge @!p0 [sflag:s0], s1  }
0x6f: {  	s1 =	ssub.s32 @!p0 $0x0, s1;
	[sflag:s0] =	ssyncset.done @!p0 $0x0  }
0x70: {  	[sflag:s0] =	ssyncadd.s32 @!p0 s1  }
0x71: {  	[bflag:$0x3] =	sbarrier.arrive $0xFFFF  }
0x72: {  	_ =	shalt  }

// kernel: kernel.20.cloned.1.call-start
scs
__scs_entry_jumppad:
0x0: {  	(pc) =	sbr.rel $0x88, $3  }
0x1: {  	(tag) =	ssettag $0x0;
	lr =	simm.s32 $0x1  }
0x2: {  	[smem:$0x3F77] =	sst lr;
	_ =	strace $0xD0000000  }
0x3: {  	_ = 	snop  }
0x4: {  	_ = 	snop  }
0x5: {  	_ = 	snop  }
0x6: {  	_ = 	snop  }
0x7: {  	_ = 	snop  }
__scs_overlays_trampoline_lowered:
0x8: {  	[smem:$0x3F86] =	sst s0  }
0x9: {  	[smem:$0x3F87] =	sst s1  }
0xa: {  	[smem:$0x3F88] =	sst s2  }
0xb: {  	[smem:$0x3F89] =	sst s3  }
0xc: {  	[smem:$0x3F8A] =	sst s4  }
0xd: {  	[smem:$0x3F8B] =	sst s5  }
0xe: {  	[smem:$0x3F8C] =	sst s6  }
0xf: {  	[smem:$0x3F8D] =	sst s7  }
0x10: {  	[smem:$0x3F8E] =	sst s8  }
0x11: {  	[smem:$0x3F8F] =	sst s9;
	s0 =	simm.s32 @!p0 $0x0  }
0x12: {  	s1 =	sld [smem:$0x3F75];
	s0 =	simm.s32 @p0 $0x1  }
0x13: {  	[smem:$0x3F90] =	sst s0;
	s0 =	simm.s32 @!p1 $0x0  }
0x14: {  	s2 =	sld [smem:$0x3F74];
	s0 =	simm.s32 @p1 $0x1  }
0x15: {  	[smem:$0x3F91] =	sst s0;
	s0 =	simm.s32 @!p2 $0x0  }
0x16: {  	s3 =	sld [smem:$0x3FDB];
	s0 =	simm.s32 @p2 $0x1  }
0x17: {  	s4 =	simm.s32 $0x1BF5;
	[smem:$0x3F93] =	sst s0  }
0x18: {  	s0 =	sld [smem:$0x3F76];
	_ =	swait.ge [sflag:s4], $0x0  }
0x19: {  	s7 =	sld [smem:$0x3F77]  }
0x1a: {  	s8 =	sadd.s32 $0xFFFFE003, lr  }
0x1b: {  	s9 =	sadd.s32 $0xFFFFFEF7, lr;
	s5 =	simm.s32 $0xFFFFFFFF;
	p2 =	slt.u32 s8, $0xFFFFF086  }
0x1c: {  	p1 =	slt.u32 s9, $0xF7A;
	s5 =	simm.s32 @!p2 $0x0  }
0x1d: {  	s5 =	simm.s32 @p1 $0x1;
	p0 =	seq.s32 s7, s2  }
0x1e: {  	s7 =	smul.u32 @!p0 $0xF7A, s2;
	p2 =	seq.s32 @!p0 s5, $0x0  }
0x1f: {  	s9 =	smul.u32 $0xF7A, s1;
	s8 =	simm.s32 @!p0 $0x1BF5;
	p2 =	por !p2, p0  }
0x20: {  	[sflag:s8] =	ssyncset.s32 @!p0 $0xFFFFF086;
	s6 =	sadd.s32 @!p0 s3, s7;
	s7 =	simm.s32 @!p0 $0x108  }
0x21: {  	s3 =	sadd.s32 s3, s9;
	s6 =	sadd.s32 @!p0 $0x88, s6;
	s7 =	simm.s32 @p2 $0x1082  }
0x22: {  	[simem:s7], [sflag:s8] =	dma.local @!p0 [hbm:s6], $0xF7A  }
0x23: {  	s9 =	sor.u32 $0xD0000000, s2;
	s6 =	simm.s32 $0x108;
	_ =	swait.ge @!p0 [sflag:s8], $0x0  }
0x24: {  	s3 =	sadd.s32 $0x88, s3;
	s6 =	simm.s32 @!p1 $0x1082;
	[sflag:s4] =	ssyncset.s32 $0xFFFFF086  }
0x25: {  	[simem:s6], [sflag:s4] =	dma.local [hbm:s3], $0xF7A  }
0x26: {  	[smem:$0x3F77] =	sst s1;
	(tag) =	ssettag s2;
	_ =	strace s9  }
0x27: {  	s1 =	sld [smem:$0x3F87]  }
0x28: {  	s2 =	sld [smem:$0x3F88]  }
0x29: {  	s4 =	sld [smem:$0x3F8A]  }
0x2a: {  	p0 =	seq.s32 s5, $0x0;
	s5 =	sld [smem:$0x3F8B]  }
0x2b: {  	s6 =	sld [smem:$0x3F8C]  }
0x2c: {  	s7 =	sld [smem:$0x3F8D]  }
0x2d: {  	s3 =	simm.s32 $0x108;
	s8 =	sld [smem:$0x3F8E]  }
0x2e: {  	s3 =	simm.s32 @!p0 $0x1082;
	s9 =	sld [smem:$0x3F8F]  }
0x2f: {  	lr =	sadd.s32 s0, s3;
	s0 =	sld [smem:$0x3F86]  }
0x30: {  	s3 =	sld [smem:$0x3F89]  }
0x31: {  	[smem:$0x3F92] =	sst s10  }
0x32: {  	s10 =	sld [smem:$0x3F90];
	_ =	sdelay $0x3  }
0x33: {  	p0 =	seq.s32 s10, $0x1;
	s10 =	sld [smem:$0x3F92];
	_ =	sdelay $0x3  }
0x34: {  	[smem:$0x3F92] =	sst s10  }
0x35: {  	s10 =	sld [smem:$0x3F91];
	_ =	sdelay $0x3  }
0x36: {  	p1 =	seq.s32 s10, $0x1;
	s10 =	sld [smem:$0x3F92];
	_ =	sdelay $0x3  }
0x37: {  	[smem:$0x3F92] =	sst s10  }
0x38: {  	s10 =	sld [smem:$0x3F93]  }
0x39: {  	_ = 	snop;
	(pc) =	sbr.ind lr, $3  }
0x3a: {  	_ = 	snop  }
0x3b: {  	_ = 	snop  }
0x3c: {  	p2 =	seq.s32 s10, $0x1;
	s10 =	sld [smem:$0x3F92]  }
0x3d: {  	_ =	shalt  }
0x3e: {  	_ =	shalt  }
0x3f: {  	_ =	shalt  }
0x40: {  	_ =	shalt  }
0x41: {  	_ =	shalt  }
0x42: {  	_ =	shalt  }
0x43: {  	_ =	shalt  }
0x44: {  	_ =	shalt  }
0x45: {  	_ =	shalt  }
0x46: {  	_ =	shalt  }
0x47: {  	_ =	shalt  }
0x48: {  	_ =	shalt  }
0x49: {  	_ =	shalt  }
0x4a: {  	_ =	shalt  }
0x4b: {  	_ =	shalt  }
0x4c: {  	_ =	shalt  }
0x4d: {  	_ =	shalt  }
0x4e: {  	_ =	shalt  }
0x4f: {  	_ =	shalt  }
0x50: {  	_ =	shalt  }
0x51: {  	_ =	shalt  }
0x52: {  	_ =	shalt  }
0x53: {  	_ =	shalt  }
0x54: {  	_ =	shalt  }
0x55: {  	_ =	shalt  }
0x56: {  	_ =	shalt  }
0x57: {  	_ =	shalt  }
0x58: {  	_ =	shalt  }
0x59: {  	_ =	shalt  }
0x5a: {  	_ =	shalt  }
0x5b: {  	_ =	shalt  }
0x5c: {  	_ =	shalt  }
0x5d: {  	_ =	shalt  }
0x5e: {  	_ =	shalt  }
0x5f: {  	_ =	shalt  }
0x60: {  	_ =	shalt  }
0x61: {  	_ =	shalt  }
0x62: {  	_ =	shalt  }
0x63: {  	_ =	shalt  }
0x64: {  	_ =	shalt  }
0x65: {  	_ =	shalt  }
0x66: {  	_ =	shalt  }
0x67: {  	_ =	shalt  }
0x68: {  	_ =	shalt  }
0x69: {  	_ =	shalt  }
0x6a: {  	_ =	shalt  }
0x6b: {  	_ =	shalt  }
0x6c: {  	_ =	shalt  }
0x6d: {  	_ =	shalt  }
0x6e: {  	_ =	shalt  }
0x6f: {  	_ =	shalt  }
0x70: {  	_ =	shalt  }
0x71: {  	_ =	shalt  }
0x72: {  	_ =	shalt  }
0x73: {  	_ =	shalt  }
0x74: {  	_ =	shalt  }
0x75: {  	_ =	shalt  }
0x76: {  	_ =	shalt  }
0x77: {  	_ =	shalt  }
0x78: {  	_ =	shalt  }
0x79: {  	_ =	shalt  }
0x7a: {  	_ =	shalt  }
0x7b: {  	_ =	shalt  }
0x7c: {  	_ =	shalt  }
0x7d: {  	_ =	shalt  }
0x7e: {  	_ =	shalt  }
0x7f: {  	_ =	shalt  }
0x80: {  	_ =	shalt  }
0x81: {  	_ =	shalt  }
0x82: {  	_ =	shalt  }
0x83: {  	_ =	shalt  }
0x84: {  	_ =	shalt  }
0x85: {  	_ =	shalt  }
0x86: {  	_ =	shalt  }
0x87: {  	_ =	shalt  }
.Lfunc_end0:
.L_simem_size_0:
called_computation.1_lowered:
.L_overlay_start_0:
0x88: {  	s2 =	sld [smem:$0x3FD9]  }
0x89: {  	s3 =	sld [smem:$0x3FFE];
	_ =	sdelay $0x1  }
0x8a: {  	s1 =	srdreg.scid  }
0x8b: {  	s0 =	sand.u32 $0x1, s1  }
0x8c: {  	s17 =	sshll.u32 s0, $0xA;
	s2 =	sadd.s32 s3, s2  }
0x8d: {  	s2 =	sadd.s32 s2, s17  }
0x8e: {  	[smem:$0x3F9E] =	sst s2  }
0x8f: {  	_ = 	snop  }
0x90: {  	s2 =	sld [smem:$0x3FC9]  }
0x91: {  	s18 =	sld [smem:$0x3FD0];
	(tm) =	ssettm $0x1  }
0x92: {  	s4 =	sld [smem:$0x3FFB];
	_ =	sdelay $0x3  }
0x93: {  	_ =	strace s4  }
0x94: {  	s4 =	sld [smem:$0x3FFC];
	_ =	sdelay $0x3  }
0x95: {  	_ =	strace s4  }
0x96: {  	s4 =	sld [smem:$0x3FFD];
	_ =	sdelay $0x3  }
0x97: {  	_ =	strace s4  }
0x98: {  	_ =	strace $0x8FFFFFFF  }
0x99: {  	s19 =	sld [smem:$0x3FDB];
	_ =	sdelay $0x1  }
0x9a: {  	s5 =	simm.s32 $_scs_section_size  }
0x9b: {  	s6 =	simm.s32 $_size__tile_overlayer_lowered;
	s7 =	simm.s32 $_tile_overlayer_lowered  }
0x9c: {  	s22 =	simm.s32 $0x1BFF;
	s21 =	sshll.u32 s7, $0x1;
	s4 =	sadd.s32 s5, s19  }
0x9d: {  	s8 =	simm.s32 $0x0;
	s20 =	sshll.u32 s6, $0x1;
	s6 =	sadd.s32 s21, s4  }
0x9e: {  	[timem:s8], [sflag:s22] =	dma.local [hbm:s6], s20  }
0x9f: {  	_ =	swait.ge [sflag:s22], s20  }
0xa0: {  	s5 =	ssub.s32 $0x0, s20;
	[sflag:s22] =	ssyncset.done $0x0  }
0xa1: {  	[sflag:s22] =	ssyncadd.s32 s5;
	_ =	sdelay $0x1  }
0xa2: {  	s23 =	simm.s32 $0x1B8B  }
0xa3: {  	_ =	swait.ge [sflag:s23], $0x1  }
0xa4: {  	[sflag:s23] =	ssyncset.done $0x0  }
0xa5: {  	s25 =	simm.s32 $0x1B8E;
	s24 =	sld [smem:$0x3FFE];
	[sflag:s23] =	ssyncadd.s32 $0xFFFFFFFF  }
0xa6: {  	s26 =	simm.s32 $execute0_lowered;
	[smem:$0x3FD2] =	sst s25  }
0xa7: {  	s6 =	sshll.u32 s26, $0x1;
	_ =	strace $0x80000049;
	[dreg:$0x1] =	wrdreg $0xFFFFFFFF  }
0xa8: {  	s28 =	simm.s32 $_size_execute0_lowered;
	s4 =	sadd.s32 s4, s6;
	[dreg:$0x0] =	wrdreg $0x0  }
0xa9: {  	s6 =	sshll.u32 s28, $0x1;
	[dreg:$0x2] =	wrdreg s4  }
0xaa: {  	[dreg:$0x3] =	wrdreg s6  }
0xab: {  	[dreg:$0x4] =	wrdreg $0xC0  }
0xac: {  	_ =	task [dreg:s8], $0x5FFFF  }
0xad: {  	[dreg:$0x1] =	wrdreg $0xFFFFFFFF  }
0xae: {  	[dreg:$0x0] =	wrdreg $0x60  }
0xaf: {  	[dreg:$0x2] =	wrdreg s2  }
0xb0: {  	[dreg:$0x3] =	wrdreg s24  }
0xb1: {  	[dreg:$0x4] =	wrdreg s18  }
0xb2: {  	[dreg:$0x5] =	wrdreg $0x21800  }
0xb3: {  	[dreg:$0x6] =	wrdreg $0x9  }
0xb4: {  	_ =	task.clear_ibuf [dreg:s8], $0x7FFFF;
	_ =	strace $0x90000049  }
0xb5: {  	s29 =	simm.s32 $0x9;
	_ =	strace $0x8000004B  }
0xb6: {  	_ =	swait.ge [sflag:s29], $0x1  }
0xb7: {  	[sflag:s29] =	ssyncadd.s32 $0xFFFFFFFF  }
0xb8: {  	_ =	strace $0x9000004B  }
0xb9: {  	_ =	sfence  }
0xba: {  	s30 =	sld [smem:$0x0];
	_ =	sdelay $0x2  }
0xbb: {  	s31 =	sshll.u32 s1, $0xD;
	s1 =	sshrl.u32 s1, $0x2  }
0xbc: {  	s3 =	sand.u32 $0x4000, s31;
	s1 =	sadd.s32 s1, s30  }
0xbd: {  	s0 =	sor.u32 s3, s0;
	s1 =	sshll.u32 s1, $0x11  }
0xbe: {  	s0 =	sor.u32 s1, s0  }
0xbf: {  	s0 =	sadd.s32 $0x8F2B, s0  }
0xc0: {  	[sflag:s0] =	ssyncadd.remote.s32 $0x1  }
0xc1: {  	_ =	sfence.sel $0xFFFF  }
0xc2: {  	[dreg:$0x0] =	wrdreg $0xFFFFFFFF;
	(pc) =	sbr.abs _section_cstart, $3  }
0xc3: {  	[dreg:$0x1] =	wrdreg $0xFFFFFFFF  }
0xc4: {  	_ =	task.clear_ibuf [dreg:s8], $0x2FFFF;
	_ =	strace $0x9FFFFFFF  }
0xc5: {  	(tm) =	ssettm $0x7FFFFFFF  }
tec
execute0_lowered:
.L_overlay_start_1:
0x0: {  	(tag) =	ssettag $0x1  }
0x1: {  	s0 =	rddreg [dreg:$0x0]  }
0x2: {  	s1 =	rddreg [dreg:$0x1]  }
0x3: {  	s7 =	rddreg [dreg:$0x2]  }
0x4: {  	s2 =	srdreg.scid;
	s3 =	rddreg [dreg:$0x3]  }
0x5: {  	s14 =	stileid.u32;
	s4 =	simm.s32 $0x0;
	s18 =	simm.s32 $0x80  }
0x6: {  	s19 =	simm.s32 $0x40;
	s20 =	simm.s32 $0x180;
	s21 =	simm.s32 $0x1  }
0x7: {  	s22 =	simm.s32 $0x0;
	s9 =	sand.u32 $0x1, s2;
	s2 =	rddreg [dreg:$0x4]  }
0x8: {  	[smem:$0x7FF] =	sst s4;
	s11 =	smul.u32 $0x27000, s14;
	s6 =	sadd.s32 $0x153C00, s1  }
0x9: {  	s16 =	sadd.s32 $0x9C800, s3;
	s31 =	sshll.u32 s14, $0x6;
	s17 =	smul.u32 $0x50000, s14  }
0xa: {  	p0 =	sne.s32 s14, $0x0;
	s5 =	sshll.u32 s9, $0x4;
	_ =	strace $0x8000004A  }
0xb: {  	s10 =	ssub.s32 $0x2, s9;
	s30 =	smul.u32 $0x500000, s9;
	s9 =	sadd.s32 $0x2B9880, s1  }
0xc: {  	s12 =	sor.u32 s14, s5;
	s5 =	sadd.s32 $0x13C00, s1;
	s13 =	sshrl.u32 s10, $0x1  }
0xd: {  	s11 =	sshrl.u32 s11, $0x2;
	s8 =	smul.u32 $0x1380, s12;
	s10 =	ssub.s32 s10, s13  }
.Ltmp0:
0xe: {  	s15 =	sadd.s32 s11, s3;
	s29 =	sshll.u32 s12, $0x1;
	(pc) =	sbr.rel .LBB2_1-.Ltmp0, $4  }
0xf: {  	s11 =	sor.u32 $0x1C02, s31;
	p1 =	seq.s32 s12, $0x1F;
	s12 =	sadd.s32 s17, s30  }
0x10: {  	s17 =	simm.s32 $0x2;
	s7 =	sadd.s32 s7, s29;
	s10 =	smax.u32 s10, $0x1  }
0x11: {  	s13 =	sshrl.u32 @p1 s15, $0x3;
	s14 =	sshrl.u32 @!p1 s15, $0x3;
	s8 =	sadd.s32 s8, s1  }
0x12: {  	s15 =	sshrl.u32 @!p0 s16, $0x3;
	s16 =	simm.s32 $0x100;
	s8 =	sadd.s32 $0x293C00, s8  }
.LBB2_5:
0x13: {  	s25 =	sadd.s32 s5, s28;
	[sflag:s17] =	ssyncadd.s32 @p2 $0xFFFFE000  }
0x14: {  	[tilespmem:s4], [sflag:$0x2] =	stream.linear.gather [hbm4b:s25+s4], $0x40, $0x38;
	[tilespmem:$0xBE40] =	vst v63  }
0x15: {  	_ =	swait.ge [sflag:s17], $0x40  }
0x16: {  	[sflag:s17] =	ssyncset.done $0x0  }
0x17: {  	s31 =	sadd.s32 s6, s28;
	[sflag:s17] =	ssyncadd.s32 $0xFFFFFFC0  }
0x18: {  	[tilespmem:s18], [sflag:$0x2] =	stream.linear.gather [hbm4b:s31+s4], $0x40, $0x38;
	[tilespmem:$0xBE40] =	vst v63  }
0x19: {  	_ =	swait.ge [sflag:s17], $0x40  }
0x1a: {  	[sflag:s17] =	ssyncset.done $0x0  }
0x1b: {  	[sflag:s17] =	ssyncadd.s32 $0xFFFFFFC0  }
0x1c: {  	[tilespmem:s20], [sflag:$0x1] =	stream.indirect.gather [hbm4b:s0+s19], $0x80, s4, s19, $0xb8;
	[tilespmem:$0xBE40] =	vst v63  }
0x1d: {  	_ =	swait.ge [sflag:s21], $0x2000  }
0x1e: {  	[sflag:s21] =	ssyncset.done $0x0  }
0x1f: {  	[sflag:s21] =	ssyncadd.s32 $0xFFFFE000  }
0x20: {  	[spmem:s3] =	stream.indirect.scatter.add.f32 [tilespmem:s20], [sflag:$0x2], $0x80, s18, s19, $0xb8;
	[tilespmem:$0xBE40] =	vst v63  }
0x21: {  	_ =	swait.ge [sflag:s17], $0x2000  }
0x22: {  	[sflag:s17] =	ssyncset.done $0x0  }
0x23: {  	[sflag:s17] =	ssyncadd.s32 $0xFFFFE000  }
.LBB2_6:
0x24: {  	[bflag:$0x0] =	sbarrier.arrive $0xFFFF  }
0x25: {  	[hbm:s9], [sflag:s11] =	dma.local @p1 [spmem:s13], $0x1480  }
0x26: {  	s22 =	sadd.s32 $0x1, s22;
	_ =	swait.ge @p1 [sflag:s24], $0x1480  }
0x27: {  	p2 =	sne.s32 s22, s10;
	[sflag:s24] =	ssyncset.done @p1 $0x0  }
.Ltmp1:
0x28: {  	[sflag:s24] =	ssyncadd.s32 @p1 $0xFFFFEB80;
	(pc) =	sbr.rel @!p2 .LBB2_7-.Ltmp1, $4  }
0x29: {  	[hbm:s8], [sflag:s11] =	dma.local @!p1 [spmem:s14], $0x1380  }
0x2a: {  	_ =	swait.ge @!p1 [sflag:s23], $0x1380  }
0x2b: {  	[sflag:s23] =	ssyncset.done @!p1 $0x0  }
0x2c: {  	[sflag:s23] =	ssyncadd.s32 @!p1 $0xFFFFEC80  }
.LBB2_1:
0x2d: {  	[spmem:s13], [sflag:s11] =	dma.local @p1 [hbm:s1], $0x1480  }
0x2e: {  	s24 =	simm.s32 @p1 $0x2  }
0x2f: {  	_ =	swait.ge @p1 [sflag:s24], $0x1480  }
0x30: {  	[sflag:s24] =	ssyncset.done @p1 $0x0  }
0x31: {  	s23 =	simm.s32 @!p1 $0x2;
	[sflag:s24] =	ssyncadd.s32 @p1 $0xFFFFEB80  }
0x32: {  	[spmem:s14], [sflag:s11] =	dma.local @!p1 [hbm:s1], $0x1380  }
0x33: {  	_ =	swait.ge @!p1 [sflag:s23], $0x1380  }
0x34: {  	[sflag:s23] =	ssyncset.done @!p1 $0x0  }
0x35: {  	s25 =	simm.s32 @!p0 $0x1C02;
	[sflag:s23] =	ssyncadd.s32 @!p1 $0xFFFFEC80  }
0x36: {  	[spmem:s15], [sflag:s25] =	dma.local @!p0 [hbm:s1], $0x80  }
0x37: {  	s25 =	simm.s32 @!p0 $0x2  }
0x38: {  	_ =	swait.ge @!p0 [sflag:s25], $0x80  }
0x39: {  	[sflag:s25] =	ssyncset.done @!p0 $0x0  }
0x3a: {  	[sflag:s25] =	ssyncadd.s32 @!p0 $0xFFFFFF80  }
0x3b: {  	[bflag:$0x0] =	sbarrier.arrive $0xFFFF  }
0x3c: {  	[tilespmem:s16], [sflag:$0x2] =	stream.linear.gather [hbm4b:s7+s4], $0x10, $0x38;
	[tilespmem:$0xBE40] =	vst v63  }
0x3d: {  	_ =	swait.ge [sflag:s17], $0x10  }
0x3e: {  	[sflag:s17] =	ssyncset.done $0x0  }
0x3f: {  	[sflag:s17] =	ssyncadd.s32 $0xFFFFFFF0  }
0x40: {  	v0 =	vld [tilespmem:$0x100];
	_ =	sdelay $0x4  }
0x41: {  	(v2sf) =	vpush v0, $0x0;
	_ =	sdelay $0xe  }
0x42: {  	s25 =	spop (v2sf)  }
0x43: {  	p2 =	slt.s32 s25, $0x1  }
.Ltmp2:
0x44: {  	_ = 	snop;
	(pc) =	sbr.rel @p2 .LBB2_6-.Ltmp2, $1  }
0x45: {  	_ =	sdelay $0x3  }
0x46: {  	p3 =	sne.s32 s25, $0x1  }
.Ltmp3:
0x47: {  	_ = 	snop;
	(pc) =	sbr.rel @!p3 .LBB2_5-.Ltmp3, $2  }
0x48: {  	_ =	sdelay $0x2  }
0x49: {  	s25 =	sadd.s32 $0xFFFFFFFF, s25;
	s28 =	sshrl.u32 s12, $0x3;
	p2 =	por $0x0, $0x0  }
0x4a: {  	s26 =	sadd.s32 s5, s28  }
0x4b: {  	[tilespmem:s4], [sflag:$0x2] =	stream.linear.gather [hbm4b:s26+s4], $0x40, $0x38;
	[tilespmem:$0xBE40] =	vst v63  }
0x4c: {  	_ =	swait.ge [sflag:s17], $0x40  }
0x4d: {  	[sflag:s17] =	ssyncset.done $0x0  }
0x4e: {  	s31 =	sadd.s32 s6, s28;
	[sflag:s17] =	ssyncadd.s32 $0xFFFFFFC0  }
0x4f: {  	[tilespmem:s18], [sflag:$0x2] =	stream.linear.gather [hbm4b:s31+s4], $0x40, $0x38;
	[tilespmem:$0xBE40] =	vst v63  }
0x50: {  	_ =	swait.ge [sflag:s17], $0x40  }
0x51: {  	[sflag:s17] =	ssyncset.done $0x0  }
0x52: {  	[sflag:s17] =	ssyncadd.s32 $0xFFFFFFC0  }
0x53: {  	[tilespmem:s20], [sflag:$0x1] =	stream.indirect.gather [hbm4b:s0+s19], $0x80, s4, s19, $0xb8;
	[tilespmem:$0xBE40] =	vst v63  }
0x54: {  	p3 =	sne.s32 s25, $0x1;
	_ =	swait.ge [sflag:s21], $0x2000  }
.Ltmp4:
0x55: {  	[sflag:s21] =	ssyncset.done $0x0;
	(pc) =	sbr.rel @!p3 .LBB2_5-.Ltmp4, $4  }
0x56: {  	[sflag:s21] =	ssyncadd.s32 $0xFFFFE000  }
0x57: {  	[spmem:s3] =	stream.indirect.scatter.add.f32 [tilespmem:s20], [sflag:$0x2], $0x80, s18, s19, $0xb8;
	[tilespmem:$0xBE40] =	vst v63  }
0x58: {  	s25 =	sadd.s32 $0xFFFFFFFF, s25;
	s26 =	sadd.s32 $0x40, s12;
	_ =	swait.ge [sflag:s17], $0x2000  }
0x59: {  	p2 =	por $0x1, $0x1;
	s28 =	sshrl.u32 s26, $0x3;
	[sflag:s17] =	ssyncset.done $0x0  }
.LBB2_4:
0x5a: {  	p3 =	sne.s32 s25, $0x1;
	s29 =	sadd.s32 s5, s28;
	[sflag:s17] =	ssyncadd.s32 $0xFFFFE000  }
0x5b: {  	[tilespmem:s4], [sflag:$0x2] =	stream.linear.gather [hbm4b:s29+s4], $0x40, $0x38;
	[tilespmem:$0xBE40] =	vst v63  }
0x5c: {  	s25 =	sadd.s32 $0xFFFFFFFF, s25;
	_ =	swait.ge [sflag:s17], $0x40  }
0x5d: {  	[sflag:s17] =	ssyncset.done $0x0  }
0x5e: {  	s28 =	sadd.s32 s6, s28;
	[sflag:s17] =	ssyncadd.s32 $0xFFFFFFC0  }
0x5f: {  	[tilespmem:s18], [sflag:$0x2] =	stream.linear.gather [hbm4b:s28+s4], $0x40, $0x38;
	[tilespmem:$0xBE40] =	vst v63  }
0x60: {  	_ =	swait.ge [sflag:s17], $0x40  }
0x61: {  	[sflag:s17] =	ssyncset.done $0x0  }
0x62: {  	[sflag:s17] =	ssyncadd.s32 $0xFFFFFFC0  }
0x63: {  	[tilespmem:s20], [sflag:$0x1] =	stream.indirect.gather [hbm4b:s0+s19], $0x80, s4, s19, $0xb8;
	[tilespmem:$0xBE40] =	vst v63  }
0x64: {  	_ =	swait.ge [sflag:s21], $0x2000  }
.Ltmp5:
0x65: {  	[sflag:s21] =	ssyncset.done $0x0;
	(pc) =	sbr.rel @p3 .LBB2_4-.Ltmp5, $4  }
0x66: {  	[sflag:s21] =	ssyncadd.s32 $0xFFFFE000  }
0x67: {  	[spmem:s3] =	stream.indirect.scatter.add.f32 [tilespmem:s20], [sflag:$0x2], $0x80, s18, s19, $0xb8;
	[tilespmem:$0xBE40] =	vst v63  }
0x68: {  	s26 =	sadd.s32 $0x40, s26;
	_ =	swait.ge [sflag:s17], $0x2000  }
0x69: {  	s28 =	sshrl.u32 s26, $0x3;
	[sflag:s17] =	ssyncset.done $0x0  }
.Ltmp6:
0x6a: {  	_ = 	snop;
	(pc) =	sbr.rel .LBB2_5-.Ltmp6, $1  }
0x6b: {  	_ =	sdelay $0x3  }
.LBB2_7:
0x6c: {  	_ =	sfence.sel $0x180000  }
0x6d: {  	[bflag:$0x0] =	sbarrier.arrive $0xFFFF  }
0x6e: {  	_ =	strace $0x9000004A  }
0x6f: {  	s0 =	sadd.s32 @!p0 $0x100000, s2;
	[bflag:$0x2] =	sbarrier.arrive $0xFFFF  }
0x70: {  	[sflag:s0] =	ssyncadd.tile.s32 @!p0 $0x1;
	_ =	shalt  }
.Lfunc_end2:
_tile_overlayer_lowered:
.L_overlay_start_2:
0x71: {  	(tag) =	ssettag $0x2  }
0x72: {  	s0 =	rddreg [dreg:$0x0];
	s2 =	stileid.u32  }
0x73: {  	s1 =	rddreg [dreg:$0x1];
	p0 =	sne.s32 s2, $0x0  }
0x74: {  	s3 =	rddreg [dreg:$0x2];
	[bflag:$0x3] =	sbarrier.arrive $0xFFFF;
	s2 =	simm.s32 @!p0 $0x1C02  }
0x75: {  	[timem:s3], [sflag:s2] =	dma.local @!p0 [hbm:s0], s1  }
0x76: {  	s0 =	simm.s32 @!p0 $0x2  }
0x77: {  	_ =	swait.ge @!p0 [sflag:s0], s1  }
0x78: {  	s1 =	ssub.s32 @!p0 $0x0, s1;
	[sflag:s0] =	ssyncset.done @!p0 $0x0  }
0x79: {  	[sflag:s0] =	ssyncadd.s32 @!p0 s1  }
0x7a: {  	[bflag:$0x3] =	sbarrier.arrive $0xFFFF  }
0x7b: {  	_ =	shalt  }

// kernel: kernel.23.cloned.1.call-start
scs
__scs_entry_jumppad:
0x0: {  	(pc) =	sbr.rel $0x88, $3  }
0x1: {  	(tag) =	ssettag $0x0;
	lr =	simm.s32 $0x1  }
0x2: {  	[smem:$0x3F77] =	sst lr;
	_ =	strace $0xD0000000  }
0x3: {  	_ = 	snop  }
0x4: {  	_ = 	snop  }
0x5: {  	_ = 	snop  }
0x6: {  	_ = 	snop  }
0x7: {  	_ = 	snop  }
__scs_overlays_trampoline_lowered:
0x8: {  	[smem:$0x3F86] =	sst s0  }
0x9: {  	[smem:$0x3F87] =	sst s1  }
0xa: {  	[smem:$0x3F88] =	sst s2  }
0xb: {  	[smem:$0x3F89] =	sst s3  }
0xc: {  	[smem:$0x3F8A] =	sst s4  }
0xd: {  	[smem:$0x3F8B] =	sst s5  }
0xe: {  	[smem:$0x3F8C] =	sst s6  }
0xf: {  	[smem:$0x3F8D] =	sst s7  }
0x10: {  	[smem:$0x3F8E] =	sst s8  }
0x11: {  	[smem:$0x3F8F] =	sst s9;
	s0 =	simm.s32 @!p0 $0x0  }
0x12: {  	s1 =	sld [smem:$0x3F75];
	s0 =	simm.s32 @p0 $0x1  }
0x13: {  	[smem:$0x3F90] =	sst s0;
	s0 =	simm.s32 @!p1 $0x0  }
0x14: {  	s2 =	sld [smem:$0x3F74];
	s0 =	simm.s32 @p1 $0x1  }
0x15: {  	[smem:$0x3F91] =	sst s0;
	s0 =	simm.s32 @!p2 $0x0  }
0x16: {  	s3 =	sld [smem:$0x3FDB];
	s0 =	simm.s32 @p2 $0x1  }
0x17: {  	s4 =	simm.s32 $0x1BF5;
	[smem:$0x3F93] =	sst s0  }
0x18: {  	s0 =	sld [smem:$0x3F76];
	_ =	swait.ge [sflag:s4], $0x0  }
0x19: {  	s7 =	sld [smem:$0x3F77]  }
0x1a: {  	s8 =	sadd.s32 $0xFFFFE003, lr  }
0x1b: {  	s9 =	sadd.s32 $0xFFFFFEF7, lr;
	s5 =	simm.s32 $0xFFFFFFFF;
	p2 =	slt.u32 s8, $0xFFFFF086  }
0x1c: {  	p1 =	slt.u32 s9, $0xF7A;
	s5 =	simm.s32 @!p2 $0x0  }
0x1d: {  	s5 =	simm.s32 @p1 $0x1;
	p0 =	seq.s32 s7, s2  }
0x1e: {  	s7 =	smul.u32 @!p0 $0xF7A, s2;
	p2 =	seq.s32 @!p0 s5, $0x0  }
0x1f: {  	s9 =	smul.u32 $0xF7A, s1;
	s8 =	simm.s32 @!p0 $0x1BF5;
	p2 =	por !p2, p0  }
0x20: {  	[sflag:s8] =	ssyncset.s32 @!p0 $0xFFFFF086;
	s6 =	sadd.s32 @!p0 s3, s7;
	s7 =	simm.s32 @!p0 $0x108  }
0x21: {  	s3 =	sadd.s32 s3, s9;
	s6 =	sadd.s32 @!p0 $0x88, s6;
	s7 =	simm.s32 @p2 $0x1082  }
0x22: {  	[simem:s7], [sflag:s8] =	dma.local @!p0 [hbm:s6], $0xF7A  }
0x23: {  	s9 =	sor.u32 $0xD0000000, s2;
	s6 =	simm.s32 $0x108;
	_ =	swait.ge @!p0 [sflag:s8], $0x0  }
0x24: {  	s3 =	sadd.s32 $0x88, s3;
	s6 =	simm.s32 @!p1 $0x1082;
	[sflag:s4] =	ssyncset.s32 $0xFFFFF086  }
0x25: {  	[simem:s6], [sflag:s4] =	dma.local [hbm:s3], $0xF7A  }
0x26: {  	[smem:$0x3F77] =	sst s1;
	(tag) =	ssettag s2;
	_ =	strace s9  }
0x27: {  	s1 =	sld [smem:$0x3F87]  }
0x28: {  	s2 =	sld [smem:$0x3F88]  }
0x29: {  	s4 =	sld [smem:$0x3F8A]  }
0x2a: {  	p0 =	seq.s32 s5, $0x0;
	s5 =	sld [smem:$0x3F8B]  }
0x2b: {  	s6 =	sld [smem:$0x3F8C]  }
0x2c: {  	s7 =	sld [smem:$0x3F8D]  }
0x2d: {  	s3 =	simm.s32 $0x108;
	s8 =	sld [smem:$0x3F8E]  }
0x2e: {  	s3 =	simm.s32 @!p0 $0x1082;
	s9 =	sld [smem:$0x3F8F]  }
0x2f: {  	lr =	sadd.s32 s0, s3;
	s0 =	sld [smem:$0x3F86]  }
0x30: {  	s3 =	sld [smem:$0x3F89]  }
0x31: {  	[smem:$0x3F92] =	sst s10  }
0x32: {  	s10 =	sld [smem:$0x3F90];
	_ =	sdelay $0x3  }
0x33: {  	p0 =	seq.s32 s10, $0x1;
	s10 =	sld [smem:$0x3F92];
	_ =	sdelay $0x3  }
0x34: {  	[smem:$0x3F92] =	sst s10  }
0x35: {  	s10 =	sld [smem:$0x3F91];
	_ =	sdelay $0x3  }
0x36: {  	p1 =	seq.s32 s10, $0x1;
	s10 =	sld [smem:$0x3F92];
	_ =	sdelay $0x3  }
0x37: {  	[smem:$0x3F92] =	sst s10  }
0x38: {  	s10 =	sld [smem:$0x3F93]  }
0x39: {  	_ = 	snop;
	(pc) =	sbr.ind lr, $3  }
0x3a: {  	_ = 	snop  }
0x3b: {  	_ = 	snop  }
0x3c: {  	p2 =	seq.s32 s10, $0x1;
	s10 =	sld [smem:$0x3F92]  }
0x3d: {  	_ =	shalt  }
0x3e: {  	_ =	shalt  }
0x3f: {  	_ =	shalt  }
0x40: {  	_ =	shalt  }
0x41: {  	_ =	shalt  }
0x42: {  	_ =	shalt  }
0x43: {  	_ =	shalt  }
0x44: {  	_ =	shalt  }
0x45: {  	_ =	shalt  }
0x46: {  	_ =	shalt  }
0x47: {  	_ =	shalt  }
0x48: {  	_ =	shalt  }
0x49: {  	_ =	shalt  }
0x4a: {  	_ =	shalt  }
0x4b: {  	_ =	shalt  }
0x4c: {  	_ =	shalt  }
0x4d: {  	_ =	shalt  }
0x4e: {  	_ =	shalt  }
0x4f: {  	_ =	shalt  }
0x50: {  	_ =	shalt  }
0x51: {  	_ =	shalt  }
0x52: {  	_ =	shalt  }
0x53: {  	_ =	shalt  }
0x54: {  	_ =	shalt  }
0x55: {  	_ =	shalt  }
0x56: {  	_ =	shalt  }
0x57: {  	_ =	shalt  }
0x58: {  	_ =	shalt  }
0x59: {  	_ =	shalt  }
0x5a: {  	_ =	shalt  }
0x5b: {  	_ =	shalt  }
0x5c: {  	_ =	shalt  }
0x5d: {  	_ =	shalt  }
0x5e: {  	_ =	shalt  }
0x5f: {  	_ =	shalt  }
0x60: {  	_ =	shalt  }
0x61: {  	_ =	shalt  }
0x62: {  	_ =	shalt  }
0x63: {  	_ =	shalt  }
0x64: {  	_ =	shalt  }
0x65: {  	_ =	shalt  }
0x66: {  	_ =	shalt  }
0x67: {  	_ =	shalt  }
0x68: {  	_ =	shalt  }
0x69: {  	_ =	shalt  }
0x6a: {  	_ =	shalt  }
0x6b: {  	_ =	shalt  }
0x6c: {  	_ =	shalt  }
0x6d: {  	_ =	shalt  }
0x6e: {  	_ =	shalt  }
0x6f: {  	_ =	shalt  }
0x70: {  	_ =	shalt  }
0x71: {  	_ =	shalt  }
0x72: {  	_ =	shalt  }
0x73: {  	_ =	shalt  }
0x74: {  	_ =	shalt  }
0x75: {  	_ =	shalt  }
0x76: {  	_ =	shalt  }
0x77: {  	_ =	shalt  }
0x78: {  	_ =	shalt  }
0x79: {  	_ =	shalt  }
0x7a: {  	_ =	shalt  }
0x7b: {  	_ =	shalt  }
0x7c: {  	_ =	shalt  }
0x7d: {  	_ =	shalt  }
0x7e: {  	_ =	shalt  }
0x7f: {  	_ =	shalt  }
0x80: {  	_ =	shalt  }
0x81: {  	_ =	shalt  }
0x82: {  	_ =	shalt  }
0x83: {  	_ =	shalt  }
0x84: {  	_ =	shalt  }
0x85: {  	_ =	shalt  }
0x86: {  	_ =	shalt  }
0x87: {  	_ =	shalt  }
.Lfunc_end0:
.L_simem_size_0:
called_computation.2_lowered:
.L_overlay_start_0:
0x88: {  	s2 =	sld [smem:$0x3FD9]  }
0x89: {  	s3 =	sld [smem:$0x3FFE];
	_ =	sdelay $0x1  }
0x8a: {  	s1 =	srdreg.scid  }
0x8b: {  	s0 =	sand.u32 $0x1, s1  }
0x8c: {  	s17 =	sshll.u32 s0, $0xA;
	s2 =	sadd.s32 s3, s2  }
0x8d: {  	s2 =	sadd.s32 s2, s17  }
0x8e: {  	[smem:$0x3F9E] =	sst s2  }
0x8f: {  	_ = 	snop  }
0x90: {  	s2 =	sld [smem:$0x3FD0];
	(tm) =	ssettm $0x1  }
0x91: {  	s18 =	sld [smem:$0x3FFB];
	_ =	sdelay $0x3  }
0x92: {  	_ =	strace s18  }
0x93: {  	s3 =	sld [smem:$0x3FFC];
	_ =	sdelay $0x3  }
0x94: {  	_ =	strace s3  }
0x95: {  	s3 =	sld [smem:$0x3FFD];
	_ =	sdelay $0x3  }
0x96: {  	_ =	strace s3  }
0x97: {  	_ =	strace $0x8FFFFFFF  }
0x98: {  	s19 =	sld [smem:$0x3FDB];
	_ =	sdelay $0x1  }
0x99: {  	s4 =	simm.s32 $_scs_section_size  }
0x9a: {  	s5 =	simm.s32 $_size__tile_overlayer_lowered;
	s6 =	simm.s32 $_tile_overlayer_lowered  }
0x9b: {  	s22 =	simm.s32 $0x1BFF;
	s21 =	sshll.u32 s6, $0x1;
	s3 =	sadd.s32 s4, s19  }
0x9c: {  	s7 =	simm.s32 $0x0;
	s20 =	sshll.u32 s5, $0x1;
	s5 =	sadd.s32 s21, s3  }
0x9d: {  	[timem:s7], [sflag:s22] =	dma.local [hbm:s5], s20  }
0x9e: {  	_ =	swait.ge [sflag:s22], s20  }
0x9f: {  	s4 =	ssub.s32 $0x0, s20;
	[sflag:s22] =	ssyncset.done $0x0  }
0xa0: {  	[sflag:s22] =	ssyncadd.s32 s4;
	_ =	sdelay $0x1  }
0xa1: {  	s23 =	simm.s32 $0x1B8B  }
0xa2: {  	_ =	swait.ge [sflag:s23], $0x1  }
0xa3: {  	[sflag:s23] =	ssyncset.done $0x0  }
0xa4: {  	s25 =	simm.s32 $0x1B8E;
	s24 =	sld [smem:$0x3FFE];
	[sflag:s23] =	ssyncadd.s32 $0xFFFFFFFF  }
0xa5: {  	s26 =	simm.s32 $execute0_lowered;
	[smem:$0x3FD2] =	sst s25  }
0xa6: {  	s5 =	sshll.u32 s26, $0x1;
	_ =	strace $0x8000004C;
	[dreg:$0x1] =	wrdreg $0xFFFFFFFF  }
0xa7: {  	s28 =	simm.s32 $_size_execute0_lowered;
	s3 =	sadd.s32 s3, s5;
	[dreg:$0x0] =	wrdreg $0x0  }
0xa8: {  	s5 =	sshll.u32 s28, $0x1;
	[dreg:$0x2] =	wrdreg s3  }
0xa9: {  	[dreg:$0x3] =	wrdreg s5  }
0xaa: {  	[dreg:$0x4] =	wrdreg $0xC0  }
0xab: {  	_ =	task [dreg:s7], $0x5FFFF  }
0xac: {  	[dreg:$0x1] =	wrdreg $0xFFFFFFFF  }
0xad: {  	[dreg:$0x0] =	wrdreg $0x60  }
0xae: {  	[dreg:$0x2] =	wrdreg s24  }
0xaf: {  	[dreg:$0x3] =	wrdreg s2  }
0xb0: {  	[dreg:$0x4] =	wrdreg $0x21800  }
0xb1: {  	[dreg:$0x5] =	wrdreg $0x9  }
0xb2: {  	_ =	task.clear_ibuf [dreg:s7], $0x6FFFF;
	_ =	strace $0x9000004C  }
0xb3: {  	s29 =	simm.s32 $0x9;
	_ =	strace $0x8000004E  }
0xb4: {  	_ =	swait.ge [sflag:s29], $0x1  }
0xb5: {  	[sflag:s29] =	ssyncadd.s32 $0xFFFFFFFF  }
0xb6: {  	_ =	strace $0x9000004E  }
0xb7: {  	_ =	sfence  }
0xb8: {  	s30 =	sld [smem:$0x0];
	_ =	sdelay $0x2  }
0xb9: {  	s31 =	sshll.u32 s1, $0xD;
	s1 =	sshrl.u32 s1, $0x2  }
0xba: {  	s3 =	sand.u32 $0x4000, s31;
	s1 =	sadd.s32 s1, s30  }
0xbb: {  	s0 =	sor.u32 s3, s0;
	s1 =	sshll.u32 s1, $0x11  }
0xbc: {  	s0 =	sor.u32 s1, s0  }
0xbd: {  	s0 =	sadd.s32 $0x8F2B, s0  }
0xbe: {  	[sflag:s0] =	ssyncadd.remote.s32 $0x1  }
0xbf: {  	_ =	sfence.sel $0xFFFF  }
0xc0: {  	[dreg:$0x0] =	wrdreg $0xFFFFFFFF;
	(pc) =	sbr.abs _section_cstart, $3  }
0xc1: {  	[dreg:$0x1] =	wrdreg $0xFFFFFFFF  }
0xc2: {  	_ =	task.clear_ibuf [dreg:s7], $0x2FFFF;
	_ =	strace $0x9FFFFFFF  }
0xc3: {  	(tm) =	ssettm $0x7FFFFFFF  }
tec
execute0_lowered:
.L_overlay_start_1:
0x0: {  	(tag) =	ssettag $0x1  }
0x1: {  	s1 =	rddreg [dreg:$0x0]  }
0x2: {  	s7 =	rddreg [dreg:$0x1]  }
0x3: {  	s2 =	rddreg [dreg:$0x2]  }
0x4: {  	s3 =	srdreg.scid;
	s0 =	rddreg [dreg:$0x3]  }
0x5: {  	s14 =	stileid.u32;
	s18 =	simm.s32 $0x80;
	s19 =	simm.s32 $0x40  }
0x6: {  	s20 =	simm.s32 $0x180;
	s21 =	simm.s32 $0x1;
	s22 =	simm.s32 $0x0  }
0x7: {  	s9 =	sand.u32 $0x1, s3;
	s3 =	simm.s32 $0x0;
	s11 =	smul.u32 $0x27000, s14  }
0x8: {  	s5 =	sadd.s32 $0x13C00, s1;
	s6 =	sadd.s32 $0x153C00, s1;
	s16 =	sadd.s32 $0x9C800, s2  }
0x9: {  	s31 =	sshll.u32 s14, $0x6;
	s17 =	smul.u32 $0x50000, s14;
	p0 =	sne.s32 s14, $0x0  }
0xa: {  	s4 =	sshll.u32 s9, $0x4;
	[smem:$0x7FF] =	sst s3;
	s10 =	ssub.s32 $0x2, s9  }
0xb: {  	s30 =	smul.u32 $0x500000, s9;
	s9 =	sadd.s32 $0x2E0A80, s1;
	s12 =	sor.u32 s14, s4  }
0xc: {  	_ =	strace $0x8000004D;
	s4 =	sadd.s32 $0x293C00, s1;
	s13 =	sshrl.u32 s10, $0x1  }
0xd: {  	s11 =	sshrl.u32 s11, $0x2;
	s8 =	smul.u32 $0x1380, s12;
	s10 =	ssub.s32 s10, s13  }
.Ltmp0:
0xe: {  	s15 =	sadd.s32 s11, s2;
	s29 =	sshll.u32 s12, $0x1;
	(pc) =	sbr.rel .LBB2_1-.Ltmp0, $4  }
0xf: {  	s11 =	sor.u32 $0x1C02, s31;
	p1 =	seq.s32 s12, $0x1F;
	s12 =	sadd.s32 s17, s30  }
0x10: {  	s17 =	simm.s32 $0x2;
	s7 =	sadd.s32 s7, s29;
	s10 =	smax.u32 s10, $0x1  }
0x11: {  	s13 =	sshrl.u32 @p1 s15, $0x3;
	s14 =	sshrl.u32 @!p1 s15, $0x3;
	s8 =	sadd.s32 s8, s1  }
0x12: {  	s15 =	sshrl.u32 @!p0 s16, $0x3;
	s16 =	simm.s32 $0x100;
	s8 =	sadd.s32 $0x2BAE00, s8  }
.LBB2_5:
0x13: {  	s25 =	sadd.s32 s5, s28;
	[sflag:s17] =	ssyncadd.s32 @p2 $0xFFFFE000  }
0x14: {  	[tilespmem:s3], [sflag:$0x2] =	stream.linear.gather [hbm4b:s25+s3], $0x40, $0x38;
	[tilespmem:$0xBE40] =	vst v63  }
0x15: {  	_ =	swait.ge [sflag:s17], $0x40  }
0x16: {  	[sflag:s17] =	ssyncset.done $0x0  }
0x17: {  	s31 =	sadd.s32 s6, s28;
	[sflag:s17] =	ssyncadd.s32 $0xFFFFFFC0  }
0x18: {  	[tilespmem:s18], [sflag:$0x2] =	stream.linear.gather [hbm4b:s31+s3], $0x40, $0x38;
	[tilespmem:$0xBE40] =	vst v63  }
0x19: {  	_ =	swait.ge [sflag:s17], $0x40  }
0x1a: {  	[sflag:s17] =	ssyncset.done $0x0  }
0x1b: {  	[sflag:s17] =	ssyncadd.s32 $0xFFFFFFC0  }
0x1c: {  	[tilespmem:s20], [sflag:$0x1] =	stream.indirect.gather [hbm4b:s4+s19], $0x80, s3, s19, $0xb8;
	[tilespmem:$0xBE40] =	vst v63  }
0x1d: {  	_ =	swait.ge [sflag:s21], $0x2000  }
0x1e: {  	[sflag:s21] =	ssyncset.done $0x0  }
0x1f: {  	[sflag:s21] =	ssyncadd.s32 $0xFFFFE000  }
0x20: {  	[spmem:s2] =	stream.indirect.scatter.add.f32 [tilespmem:s20], [sflag:$0x2], $0x80, s18, s19, $0xb8;
	[tilespmem:$0xBE40] =	vst v63  }
0x21: {  	_ =	swait.ge [sflag:s17], $0x2000  }
0x22: {  	[sflag:s17] =	ssyncset.done $0x0  }
0x23: {  	[sflag:s17] =	ssyncadd.s32 $0xFFFFE000  }
.LBB2_6:
0x24: {  	[bflag:$0x0] =	sbarrier.arrive $0xFFFF  }
0x25: {  	[hbm:s9], [sflag:s11] =	dma.local @p1 [spmem:s13], $0x1480  }
0x26: {  	s22 =	sadd.s32 $0x1, s22;
	_ =	swait.ge @p1 [sflag:s24], $0x1480  }
0x27: {  	p2 =	sne.s32 s22, s10;
	[sflag:s24] =	ssyncset.done @p1 $0x0  }
.Ltmp1:
0x28: {  	[sflag:s24] =	ssyncadd.s32 @p1 $0xFFFFEB80;
	(pc) =	sbr.rel @!p2 .LBB2_7-.Ltmp1, $4  }
0x29: {  	[hbm:s8], [sflag:s11] =	dma.local @!p1 [spmem:s14], $0x1380  }
0x2a: {  	_ =	swait.ge @!p1 [sflag:s23], $0x1380  }
0x2b: {  	[sflag:s23] =	ssyncset.done @!p1 $0x0  }
0x2c: {  	[sflag:s23] =	ssyncadd.s32 @!p1 $0xFFFFEC80  }
.LBB2_1:
0x2d: {  	[spmem:s13], [sflag:s11] =	dma.local @p1 [hbm:s1], $0x1480  }
0x2e: {  	s24 =	simm.s32 @p1 $0x2  }
0x2f: {  	_ =	swait.ge @p1 [sflag:s24], $0x1480  }
0x30: {  	[sflag:s24] =	ssyncset.done @p1 $0x0  }
0x31: {  	s23 =	simm.s32 @!p1 $0x2;
	[sflag:s24] =	ssyncadd.s32 @p1 $0xFFFFEB80  }
0x32: {  	[spmem:s14], [sflag:s11] =	dma.local @!p1 [hbm:s1], $0x1380  }
0x33: {  	_ =	swait.ge @!p1 [sflag:s23], $0x1380  }
0x34: {  	[sflag:s23] =	ssyncset.done @!p1 $0x0  }
0x35: {  	s25 =	simm.s32 @!p0 $0x1C02;
	[sflag:s23] =	ssyncadd.s32 @!p1 $0xFFFFEC80  }
0x36: {  	[spmem:s15], [sflag:s25] =	dma.local @!p0 [hbm:s1], $0x80  }
0x37: {  	s25 =	simm.s32 @!p0 $0x2  }
0x38: {  	_ =	swait.ge @!p0 [sflag:s25], $0x80  }
0x39: {  	[sflag:s25] =	ssyncset.done @!p0 $0x0  }
0x3a: {  	[sflag:s25] =	ssyncadd.s32 @!p0 $0xFFFFFF80  }
0x3b: {  	[bflag:$0x0] =	sbarrier.arrive $0xFFFF  }
0x3c: {  	[tilespmem:s16], [sflag:$0x2] =	stream.linear.gather [hbm4b:s7+s3], $0x10, $0x38;
	[tilespmem:$0xBE40] =	vst v63  }
0x3d: {  	_ =	swait.ge [sflag:s17], $0x10  }
0x3e: {  	[sflag:s17] =	ssyncset.done $0x0  }
0x3f: {  	[sflag:s17] =	ssyncadd.s32 $0xFFFFFFF0  }
0x40: {  	v0 =	vld [tilespmem:$0x100];
	_ =	sdelay $0x4  }
0x41: {  	(v2sf) =	vpush v0, $0x0;
	_ =	sdelay $0xe  }
0x42: {  	s25 =	spop (v2sf)  }
0x43: {  	p2 =	slt.s32 s25, $0x1  }
.Ltmp2:
0x44: {  	_ = 	snop;
	(pc) =	sbr.rel @p2 .LBB2_6-.Ltmp2, $1  }
0x45: {  	_ =	sdelay $0x3  }
0x46: {  	p3 =	sne.s32 s25, $0x1  }
.Ltmp3:
0x47: {  	_ = 	snop;
	(pc) =	sbr.rel @!p3 .LBB2_5-.Ltmp3, $2  }
0x48: {  	_ =	sdelay $0x2  }
0x49: {  	s25 =	sadd.s32 $0xFFFFFFFF, s25;
	s28 =	sshrl.u32 s12, $0x3;
	p2 =	por $0x0, $0x0  }
0x4a: {  	s26 =	sadd.s32 s5, s28  }
0x4b: {  	[tilespmem:s3], [sflag:$0x2] =	stream.linear.gather [hbm4b:s26+s3], $0x40, $0x38;
	[tilespmem:$0xBE40] =	vst v63  }
0x4c: {  	_ =	swait.ge [sflag:s17], $0x40  }
0x4d: {  	[sflag:s17] =	ssyncset.done $0x0  }
0x4e: {  	s31 =	sadd.s32 s6, s28;
	[sflag:s17] =	ssyncadd.s32 $0xFFFFFFC0  }
0x4f: {  	[tilespmem:s18], [sflag:$0x2] =	stream.linear.gather [hbm4b:s31+s3], $0x40, $0x38;
	[tilespmem:$0xBE40] =	vst v63  }
0x50: {  	_ =	swait.ge [sflag:s17], $0x40  }
0x51: {  	[sflag:s17] =	ssyncset.done $0x0  }
0x52: {  	[sflag:s17] =	ssyncadd.s32 $0xFFFFFFC0  }
0x53: {  	[tilespmem:s20], [sflag:$0x1] =	stream.indirect.gather [hbm4b:s4+s19], $0x80, s3, s19, $0xb8;
	[tilespmem:$0xBE40] =	vst v63  }
0x54: {  	p3 =	sne.s32 s25, $0x1;
	_ =	swait.ge [sflag:s21], $0x2000  }
.Ltmp4:
0x55: {  	[sflag:s21] =	ssyncset.done $0x0;
	(pc) =	sbr.rel @!p3 .LBB2_5-.Ltmp4, $4  }
0x56: {  	[sflag:s21] =	ssyncadd.s32 $0xFFFFE000  }
0x57: {  	[spmem:s2] =	stream.indirect.scatter.add.f32 [tilespmem:s20], [sflag:$0x2], $0x80, s18, s19, $0xb8;
	[tilespmem:$0xBE40] =	vst v63  }
0x58: {  	s25 =	sadd.s32 $0xFFFFFFFF, s25;
	s26 =	sadd.s32 $0x40, s12;
	_ =	swait.ge [sflag:s17], $0x2000  }
0x59: {  	p2 =	por $0x1, $0x1;
	s28 =	sshrl.u32 s26, $0x3;
	[sflag:s17] =	ssyncset.done $0x0  }
.LBB2_4:
0x5a: {  	p3 =	sne.s32 s25, $0x1;
	s29 =	sadd.s32 s5, s28;
	[sflag:s17] =	ssyncadd.s32 $0xFFFFE000  }
0x5b: {  	[tilespmem:s3], [sflag:$0x2] =	stream.linear.gather [hbm4b:s29+s3], $0x40, $0x38;
	[tilespmem:$0xBE40] =	vst v63  }
0x5c: {  	s25 =	sadd.s32 $0xFFFFFFFF, s25;
	_ =	swait.ge [sflag:s17], $0x40  }
0x5d: {  	[sflag:s17] =	ssyncset.done $0x0  }
0x5e: {  	s28 =	sadd.s32 s6, s28;
	[sflag:s17] =	ssyncadd.s32 $0xFFFFFFC0  }
0x5f: {  	[tilespmem:s18], [sflag:$0x2] =	stream.linear.gather [hbm4b:s28+s3], $0x40, $0x38;
	[tilespmem:$0xBE40] =	vst v63  }
0x60: {  	_ =	swait.ge [sflag:s17], $0x40  }
0x61: {  	[sflag:s17] =	ssyncset.done $0x0  }
0x62: {  	[sflag:s17] =	ssyncadd.s32 $0xFFFFFFC0  }
0x63: {  	[tilespmem:s20], [sflag:$0x1] =	stream.indirect.gather [hbm4b:s4+s19], $0x80, s3, s19, $0xb8;
	[tilespmem:$0xBE40] =	vst v63  }
0x64: {  	_ =	swait.ge [sflag:s21], $0x2000  }
.Ltmp5:
0x65: {  	[sflag:s21] =	ssyncset.done $0x0;
	(pc) =	sbr.rel @p3 .LBB2_4-.Ltmp5, $4  }
0x66: {  	[sflag:s21] =	ssyncadd.s32 $0xFFFFE000  }
0x67: {  	[spmem:s2] =	stream.indirect.scatter.add.f32 [tilespmem:s20], [sflag:$0x2], $0x80, s18, s19, $0xb8;
	[tilespmem:$0xBE40] =	vst v63  }
0x68: {  	s26 =	sadd.s32 $0x40, s26;
	_ =	swait.ge [sflag:s17], $0x2000  }
0x69: {  	s28 =	sshrl.u32 s26, $0x3;
	[sflag:s17] =	ssyncset.done $0x0  }
.Ltmp6:
0x6a: {  	_ = 	snop;
	(pc) =	sbr.rel .LBB2_5-.Ltmp6, $1  }
0x6b: {  	_ =	sdelay $0x3  }
.LBB2_7:
0x6c: {  	_ =	sfence.sel $0x180000  }
0x6d: {  	[bflag:$0x0] =	sbarrier.arrive $0xFFFF  }
0x6e: {  	_ =	strace $0x9000004D  }
0x6f: {  	s0 =	sadd.s32 @!p0 $0x100000, s0;
	[bflag:$0x2] =	sbarrier.arrive $0xFFFF  }
0x70: {  	[sflag:s0] =	ssyncadd.tile.s32 @!p0 $0x1;
	_ =	shalt  }
.Lfunc_end2:
_tile_overlayer_lowered:
.L_overlay_start_2:
0x71: {  	(tag) =	ssettag $0x2  }
0x72: {  	s0 =	rddreg [dreg:$0x0];
	s2 =	stileid.u32  }
0x73: {  	s1 =	rddreg [dreg:$0x1];
	p0 =	sne.s32 s2, $0x0  }
0x74: {  	s3 =	rddreg [dreg:$0x2];
	[bflag:$0x3] =	sbarrier.arrive $0xFFFF;
	s2 =	simm.s32 @!p0 $0x1C02  }
0x75: {  	[timem:s3], [sflag:s2] =	dma.local @!p0 [hbm:s0], s1  }
0x76: {  	s0 =	simm.s32 @!p0 $0x2  }
0x77: {  	_ =	swait.ge @!p0 [sflag:s0], s1  }
0x78: {  	s1 =	ssub.s32 @!p0 $0x0, s1;
	[sflag:s0] =	ssyncset.done @!p0 $0x0  }
0x79: {  	[sflag:s0] =	ssyncadd.s32 @!p0 s1  }
0x7a: {  	[bflag:$0x3] =	sbarrier.arrive $0xFFFF  }
0x7b: {  	_ =	shalt  }

// kernel: kernel.26.cloned.1.call-start
scs
__scs_entry_jumppad:
0x0: {  	(pc) =	sbr.rel $0x88, $3  }
0x1: {  	(tag) =	ssettag $0x0;
	lr =	simm.s32 $0x1  }
0x2: {  	[smem:$0x3F77] =	sst lr;
	_ =	strace $0xD0000000  }
0x3: {  	_ = 	snop  }
0x4: {  	_ = 	snop  }
0x5: {  	_ = 	snop  }
0x6: {  	_ = 	snop  }
0x7: {  	_ = 	snop  }
__scs_overlays_trampoline_lowered:
0x8: {  	[smem:$0x3F86] =	sst s0  }
0x9: {  	[smem:$0x3F87] =	sst s1  }
0xa: {  	[smem:$0x3F88] =	sst s2  }
0xb: {  	[smem:$0x3F89] =	sst s3  }
0xc: {  	[smem:$0x3F8A] =	sst s4  }
0xd: {  	[smem:$0x3F8B] =	sst s5  }
0xe: {  	[smem:$0x3F8C] =	sst s6  }
0xf: {  	[smem:$0x3F8D] =	sst s7  }
0x10: {  	[smem:$0x3F8E] =	sst s8  }
0x11: {  	[smem:$0x3F8F] =	sst s9;
	s0 =	simm.s32 @!p0 $0x0  }
0x12: {  	s1 =	sld [smem:$0x3F75];
	s0 =	simm.s32 @p0 $0x1  }
0x13: {  	[smem:$0x3F90] =	sst s0;
	s0 =	simm.s32 @!p1 $0x0  }
0x14: {  	s2 =	sld [smem:$0x3F74];
	s0 =	simm.s32 @p1 $0x1  }
0x15: {  	[smem:$0x3F91] =	sst s0;
	s0 =	simm.s32 @!p2 $0x0  }
0x16: {  	s3 =	sld [smem:$0x3FDB];
	s0 =	simm.s32 @p2 $0x1  }
0x17: {  	s4 =	simm.s32 $0x1BF5;
	[smem:$0x3F93] =	sst s0  }
0x18: {  	s0 =	sld [smem:$0x3F76];
	_ =	swait.ge [sflag:s4], $0x0  }
0x19: {  	s7 =	sld [smem:$0x3F77]  }
0x1a: {  	s8 =	sadd.s32 $0xFFFFE003, lr  }
0x1b: {  	s9 =	sadd.s32 $0xFFFFFEF7, lr;
	s5 =	simm.s32 $0xFFFFFFFF;
	p2 =	slt.u32 s8, $0xFFFFF086  }
0x1c: {  	p1 =	slt.u32 s9, $0xF7A;
	s5 =	simm.s32 @!p2 $0x0  }
0x1d: {  	s5 =	simm.s32 @p1 $0x1;
	p0 =	seq.s32 s7, s2  }
0x1e: {  	s7 =	smul.u32 @!p0 $0xF7A, s2;
	p2 =	seq.s32 @!p0 s5, $0x0  }
0x1f: {  	s9 =	smul.u32 $0xF7A, s1;
	s8 =	simm.s32 @!p0 $0x1BF5;
	p2 =	por !p2, p0  }
0x20: {  	[sflag:s8] =	ssyncset.s32 @!p0 $0xFFFFF086;
	s6 =	sadd.s32 @!p0 s3, s7;
	s7 =	simm.s32 @!p0 $0x108  }
0x21: {  	s3 =	sadd.s32 s3, s9;
	s6 =	sadd.s32 @!p0 $0x88, s6;
	s7 =	simm.s32 @p2 $0x1082  }
0x22: {  	[simem:s7], [sflag:s8] =	dma.local @!p0 [hbm:s6], $0xF7A  }
0x23: {  	s9 =	sor.u32 $0xD0000000, s2;
	s6 =	simm.s32 $0x108;
	_ =	swait.ge @!p0 [sflag:s8], $0x0  }
0x24: {  	s3 =	sadd.s32 $0x88, s3;
	s6 =	simm.s32 @!p1 $0x1082;
	[sflag:s4] =	ssyncset.s32 $0xFFFFF086  }
0x25: {  	[simem:s6], [sflag:s4] =	dma.local [hbm:s3], $0xF7A  }
0x26: {  	[smem:$0x3F77] =	sst s1;
	(tag) =	ssettag s2;
	_ =	strace s9  }
0x27: {  	s1 =	sld [smem:$0x3F87]  }
0x28: {  	s2 =	sld [smem:$0x3F88]  }
0x29: {  	s4 =	sld [smem:$0x3F8A]  }
0x2a: {  	p0 =	seq.s32 s5, $0x0;
	s5 =	sld [smem:$0x3F8B]  }
0x2b: {  	s6 =	sld [smem:$0x3F8C]  }
0x2c: {  	s7 =	sld [smem:$0x3F8D]  }
0x2d: {  	s3 =	simm.s32 $0x108;
	s8 =	sld [smem:$0x3F8E]  }
0x2e: {  	s3 =	simm.s32 @!p0 $0x1082;
	s9 =	sld [smem:$0x3F8F]  }
0x2f: {  	lr =	sadd.s32 s0, s3;
	s0 =	sld [smem:$0x3F86]  }
0x30: {  	s3 =	sld [smem:$0x3F89]  }
0x31: {  	[smem:$0x3F92] =	sst s10  }
0x32: {  	s10 =	sld [smem:$0x3F90];
	_ =	sdelay $0x3  }
0x33: {  	p0 =	seq.s32 s10, $0x1;
	s10 =	sld [smem:$0x3F92];
	_ =	sdelay $0x3  }
0x34: {  	[smem:$0x3F92] =	sst s10  }
0x35: {  	s10 =	sld [smem:$0x3F91];
	_ =	sdelay $0x3  }
0x36: {  	p1 =	seq.s32 s10, $0x1;
	s10 =	sld [smem:$0x3F92];
	_ =	sdelay $0x3  }
0x37: {  	[smem:$0x3F92] =	sst s10  }
0x38: {  	s10 =	sld [smem:$0x3F93]  }
0x39: {  	_ = 	snop;
	(pc) =	sbr.ind lr, $3  }
0x3a: {  	_ = 	snop  }
0x3b: {  	_ = 	snop  }
0x3c: {  	p2 =	seq.s32 s10, $0x1;
	s10 =	sld [smem:$0x3F92]  }
0x3d: {  	_ =	shalt  }
0x3e: {  	_ =	shalt  }
0x3f: {  	_ =	shalt  }
0x40: {  	_ =	shalt  }
0x41: {  	_ =	shalt  }
0x42: {  	_ =	shalt  }
0x43: {  	_ =	shalt  }
0x44: {  	_ =	shalt  }
0x45: {  	_ =	shalt  }
0x46: {  	_ =	shalt  }
0x47: {  	_ =	shalt  }
0x48: {  	_ =	shalt  }
0x49: {  	_ =	shalt  }
0x4a: {  	_ =	shalt  }
0x4b: {  	_ =	shalt  }
0x4c: {  	_ =	shalt  }
0x4d: {  	_ =	shalt  }
0x4e: {  	_ =	shalt  }
0x4f: {  	_ =	shalt  }
0x50: {  	_ =	shalt  }
0x51: {  	_ =	shalt  }
0x52: {  	_ =	shalt  }
0x53: {  	_ =	shalt  }
0x54: {  	_ =	shalt  }
0x55: {  	_ =	shalt  }
0x56: {  	_ =	shalt  }
0x57: {  	_ =	shalt  }
0x58: {  	_ =	shalt  }
0x59: {  	_ =	shalt  }
0x5a: {  	_ =	shalt  }
0x5b: {  	_ =	shalt  }
0x5c: {  	_ =	shalt  }
0x5d: {  	_ =	shalt  }
0x5e: {  	_ =	shalt  }
0x5f: {  	_ =	shalt  }
0x60: {  	_ =	shalt  }
0x61: {  	_ =	shalt  }
0x62: {  	_ =	shalt  }
0x63: {  	_ =	shalt  }
0x64: {  	_ =	shalt  }
0x65: {  	_ =	shalt  }
0x66: {  	_ =	shalt  }
0x67: {  	_ =	shalt  }
0x68: {  	_ =	shalt  }
0x69: {  	_ =	shalt  }
0x6a: {  	_ =	shalt  }
0x6b: {  	_ =	shalt  }
0x6c: {  	_ =	shalt  }
0x6d: {  	_ =	shalt  }
0x6e: {  	_ =	shalt  }
0x6f: {  	_ =	shalt  }
0x70: {  	_ =	shalt  }
0x71: {  	_ =	shalt  }
0x72: {  	_ =	shalt  }
0x73: {  	_ =	shalt  }
0x74: {  	_ =	shalt  }
0x75: {  	_ =	shalt  }
0x76: {  	_ =	shalt  }
0x77: {  	_ =	shalt  }
0x78: {  	_ =	shalt  }
0x79: {  	_ =	shalt  }
0x7a: {  	_ =	shalt  }
0x7b: {  	_ =	shalt  }
0x7c: {  	_ =	shalt  }
0x7d: {  	_ =	shalt  }
0x7e: {  	_ =	shalt  }
0x7f: {  	_ =	shalt  }
0x80: {  	_ =	shalt  }
0x81: {  	_ =	shalt  }
0x82: {  	_ =	shalt  }
0x83: {  	_ =	shalt  }
0x84: {  	_ =	shalt  }
0x85: {  	_ =	shalt  }
0x86: {  	_ =	shalt  }
0x87: {  	_ =	shalt  }
.Lfunc_end0:
.L_simem_size_0:
called_computation.3_lowered:
.L_overlay_start_0:
0x88: {  	s2 =	sld [smem:$0x3FD9]  }
0x89: {  	s3 =	sld [smem:$0x3FFE];
	_ =	sdelay $0x1  }
0x8a: {  	s1 =	srdreg.scid  }
0x8b: {  	s0 =	sand.u32 $0x1, s1  }
0x8c: {  	s17 =	sshll.u32 s0, $0xA;
	s2 =	sadd.s32 s3, s2  }
0x8d: {  	s2 =	sadd.s32 s2, s17  }
0x8e: {  	[smem:$0x3F9E] =	sst s2  }
0x8f: {  	_ = 	snop  }
0x90: {  	s2 =	sld [smem:$0x3FD0];
	(tm) =	ssettm $0x1  }
0x91: {  	s18 =	sld [smem:$0x3FFB];
	_ =	sdelay $0x3  }
0x92: {  	_ =	strace s18  }
0x93: {  	s3 =	sld [smem:$0x3FFC];
	_ =	sdelay $0x3  }
0x94: {  	_ =	strace s3  }
0x95: {  	s3 =	sld [smem:$0x3FFD];
	_ =	sdelay $0x3  }
0x96: {  	_ =	strace s3  }
0x97: {  	_ =	strace $0x8FFFFFFF  }
0x98: {  	s19 =	sld [smem:$0x3FDB];
	_ =	sdelay $0x1  }
0x99: {  	s4 =	simm.s32 $_scs_section_size  }
0x9a: {  	s5 =	simm.s32 $_size__tile_overlayer_lowered;
	s6 =	simm.s32 $_tile_overlayer_lowered  }
0x9b: {  	s22 =	simm.s32 $0x1BFF;
	s21 =	sshll.u32 s6, $0x1;
	s3 =	sadd.s32 s4, s19  }
0x9c: {  	s7 =	simm.s32 $0x0;
	s20 =	sshll.u32 s5, $0x1;
	s5 =	sadd.s32 s21, s3  }
0x9d: {  	[timem:s7], [sflag:s22] =	dma.local [hbm:s5], s20  }
0x9e: {  	_ =	swait.ge [sflag:s22], s20  }
0x9f: {  	s4 =	ssub.s32 $0x0, s20;
	[sflag:s22] =	ssyncset.done $0x0  }
0xa0: {  	[sflag:s22] =	ssyncadd.s32 s4;
	_ =	sdelay $0x1  }
0xa1: {  	s23 =	simm.s32 $0x1B8B  }
0xa2: {  	_ =	swait.ge [sflag:s23], $0x1  }
0xa3: {  	[sflag:s23] =	ssyncset.done $0x0  }
0xa4: {  	s25 =	simm.s32 $0x1B8E;
	s24 =	sld [smem:$0x3FFE];
	[sflag:s23] =	ssyncadd.s32 $0xFFFFFFFF  }
0xa5: {  	s26 =	simm.s32 $execute0_lowered;
	[smem:$0x3FD2] =	sst s25  }
0xa6: {  	s5 =	sshll.u32 s26, $0x1;
	_ =	strace $0x8000004F;
	[dreg:$0x1] =	wrdreg $0xFFFFFFFF  }
0xa7: {  	s28 =	simm.s32 $_size_execute0_lowered;
	s3 =	sadd.s32 s3, s5;
	[dreg:$0x0] =	wrdreg $0x0  }
0xa8: {  	s5 =	sshll.u32 s28, $0x1;
	[dreg:$0x2] =	wrdreg s3  }
0xa9: {  	[dreg:$0x3] =	wrdreg s5  }
0xaa: {  	[dreg:$0x4] =	wrdreg $0xC0  }
0xab: {  	_ =	task [dreg:s7], $0x5FFFF  }
0xac: {  	[dreg:$0x1] =	wrdreg $0xFFFFFFFF  }
0xad: {  	[dreg:$0x0] =	wrdreg $0x60  }
0xae: {  	[dreg:$0x2] =	wrdreg s24  }
0xaf: {  	[dreg:$0x3] =	wrdreg s2  }
0xb0: {  	[dreg:$0x4] =	wrdreg $0x21800  }
0xb1: {  	[dreg:$0x5] =	wrdreg $0x9  }
0xb2: {  	_ =	task.clear_ibuf [dreg:s7], $0x6FFFF;
	_ =	strace $0x9000004F  }
0xb3: {  	s29 =	simm.s32 $0x9;
	_ =	strace $0x80000051  }
0xb4: {  	_ =	swait.ge [sflag:s29], $0x1  }
0xb5: {  	[sflag:s29] =	ssyncadd.s32 $0xFFFFFFFF  }
0xb6: {  	_ =	strace $0x90000051  }
0xb7: {  	_ =	sfence  }
0xb8: {  	s30 =	sld [smem:$0x0];
	_ =	sdelay $0x2  }
0xb9: {  	s31 =	sshll.u32 s1, $0xD;
	s1 =	sshrl.u32 s1, $0x2  }
0xba: {  	s3 =	sand.u32 $0x4000, s31;
	s1 =	sadd.s32 s1, s30  }
0xbb: {  	s0 =	sor.u32 s3, s0;
	s1 =	sshll.u32 s1, $0x11  }
0xbc: {  	s0 =	sor.u32 s1, s0  }
0xbd: {  	s0 =	sadd.s32 $0x8F2B, s0  }
0xbe: {  	[sflag:s0] =	ssyncadd.remote.s32 $0x1  }
0xbf: {  	_ =	sfence.sel $0xFFFF  }
0xc0: {  	[dreg:$0x0] =	wrdreg $0xFFFFFFFF;
	(pc) =	sbr.abs _section_cstart, $3  }
0xc1: {  	[dreg:$0x1] =	wrdreg $0xFFFFFFFF  }
0xc2: {  	_ =	task.clear_ibuf [dreg:s7], $0x2FFFF;
	_ =	strace $0x9FFFFFFF  }
0xc3: {  	(tm) =	ssettm $0x7FFFFFFF  }
tec
execute0_lowered:
.L_overlay_start_1:
0x0: {  	(tag) =	ssettag $0x1  }
0x1: {  	s1 =	rddreg [dreg:$0x0]  }
0x2: {  	s7 =	rddreg [dreg:$0x1]  }
0x3: {  	s2 =	rddreg [dreg:$0x2]  }
0x4: {  	s3 =	srdreg.scid;
	s0 =	rddreg [dreg:$0x3]  }
0x5: {  	s14 =	stileid.u32;
	s18 =	simm.s32 $0x80;
	s19 =	simm.s32 $0x40  }
0x6: {  	s20 =	simm.s32 $0x180;
	s21 =	simm.s32 $0x1;
	s22 =	simm.s32 $0x0  }
0x7: {  	s9 =	sand.u32 $0x1, s3;
	s3 =	simm.s32 $0x0;
	s11 =	smul.u32 $0x27000, s14  }
0x8: {  	s5 =	sadd.s32 $0x13C00, s1;
	s6 =	sadd.s32 $0x153C00, s1;
	s16 =	sadd.s32 $0x9C800, s2  }
0x9: {  	s31 =	sshll.u32 s14, $0x6;
	s17 =	smul.u32 $0x50000, s14;
	p0 =	sne.s32 s14, $0x0  }
0xa: {  	s4 =	sshll.u32 s9, $0x4;
	[smem:$0x7FF] =	sst s3;
	s10 =	ssub.s32 $0x2, s9  }
0xb: {  	s30 =	smul.u32 $0x500000, s9;
	s9 =	sadd.s32 $0x2E0A80, s1;
	s12 =	sor.u32 s14, s4  }
0xc: {  	_ =	strace $0x80000050;
	s4 =	sadd.s32 $0x293C00, s1;
	s13 =	sshrl.u32 s10, $0x1  }
0xd: {  	s11 =	sshrl.u32 s11, $0x2;
	s8 =	smul.u32 $0x1380, s12;
	s10 =	ssub.s32 s10, s13  }
.Ltmp0:
0xe: {  	s15 =	sadd.s32 s11, s2;
	s29 =	sshll.u32 s12, $0x1;
	(pc) =	sbr.rel .LBB2_1-.Ltmp0, $4  }
0xf: {  	s11 =	sor.u32 $0x1C02, s31;
	p1 =	seq.s32 s12, $0x1F;
	s12 =	sadd.s32 s17, s30  }
0x10: {  	s17 =	simm.s32 $0x2;
	s7 =	sadd.s32 s7, s29;
	s10 =	smax.u32 s10, $0x1  }
0x11: {  	s13 =	sshrl.u32 @p1 s15, $0x3;
	s14 =	sshrl.u32 @!p1 s15, $0x3;
	s8 =	sadd.s32 s8, s1  }
0x12: {  	s15 =	sshrl.u32 @!p0 s16, $0x3;
	s16 =	simm.s32 $0x100;
	s8 =	sadd.s32 $0x2BAE00, s8  }
.LBB2_5:
0x13: {  	s25 =	sadd.s32 s5, s28;
	[sflag:s17] =	ssyncadd.s32 @p2 $0xFFFFE000  }
0x14: {  	[tilespmem:s3], [sflag:$0x2] =	stream.linear.gather [hbm4b:s25+s3], $0x40, $0x38;
	[tilespmem:$0xBE40] =	vst v63  }
0x15: {  	_ =	swait.ge [sflag:s17], $0x40  }
0x16: {  	[sflag:s17] =	ssyncset.done $0x0  }
0x17: {  	s31 =	sadd.s32 s6, s28;
	[sflag:s17] =	ssyncadd.s32 $0xFFFFFFC0  }
0x18: {  	[tilespmem:s18], [sflag:$0x2] =	stream.linear.gather [hbm4b:s31+s3], $0x40, $0x38;
	[tilespmem:$0xBE40] =	vst v63  }
0x19: {  	_ =	swait.ge [sflag:s17], $0x40  }
0x1a: {  	[sflag:s17] =	ssyncset.done $0x0  }
0x1b: {  	[sflag:s17] =	ssyncadd.s32 $0xFFFFFFC0  }
0x1c: {  	[tilespmem:s20], [sflag:$0x1] =	stream.indirect.gather [hbm4b:s4+s19], $0x80, s3, s19, $0xb8;
	[tilespmem:$0xBE40] =	vst v63  }
0x1d: {  	_ =	swait.ge [sflag:s21], $0x2000  }
0x1e: {  	[sflag:s21] =	ssyncset.done $0x0  }
0x1f: {  	[sflag:s21] =	ssyncadd.s32 $0xFFFFE000  }
0x20: {  	[spmem:s2] =	stream.indirect.scatter.add.f32 [tilespmem:s20], [sflag:$0x2], $0x80, s18, s19, $0xb8;
	[tilespmem:$0xBE40] =	vst v63  }
0x21: {  	_ =	swait.ge [sflag:s17], $0x2000  }
0x22: {  	[sflag:s17] =	ssyncset.done $0x0  }
0x23: {  	[sflag:s17] =	ssyncadd.s32 $0xFFFFE000  }
.LBB2_6:
0x24: {  	[bflag:$0x0] =	sbarrier.arrive $0xFFFF  }
0x25: {  	[hbm:s9], [sflag:s11] =	dma.local @p1 [spmem:s13], $0x1480  }
0x26: {  	s22 =	sadd.s32 $0x1, s22;
	_ =	swait.ge @p1 [sflag:s24], $0x1480  }
0x27: {  	p2 =	sne.s32 s22, s10;
	[sflag:s24] =	ssyncset.done @p1 $0x0  }
.Ltmp1:
0x28: {  	[sflag:s24] =	ssyncadd.s32 @p1 $0xFFFFEB80;
	(pc) =	sbr.rel @!p2 .LBB2_7-.Ltmp1, $4  }
0x29: {  	[hbm:s8], [sflag:s11] =	dma.local @!p1 [spmem:s14], $0x1380  }
0x2a: {  	_ =	swait.ge @!p1 [sflag:s23], $0x1380  }
0x2b: {  	[sflag:s23] =	ssyncset.done @!p1 $0x0  }
0x2c: {  	[sflag:s23] =	ssyncadd.s32 @!p1 $0xFFFFEC80  }
.LBB2_1:
0x2d: {  	[spmem:s13], [sflag:s11] =	dma.local @p1 [hbm:s1], $0x1480  }
0x2e: {  	s24 =	simm.s32 @p1 $0x2  }
0x2f: {  	_ =	swait.ge @p1 [sflag:s24], $0x1480  }
0x30: {  	[sflag:s24] =	ssyncset.done @p1 $0x0  }
0x31: {  	s23 =	simm.s32 @!p1 $0x2;
	[sflag:s24] =	ssyncadd.s32 @p1 $0xFFFFEB80  }
0x32: {  	[spmem:s14], [sflag:s11] =	dma.local @!p1 [hbm:s1], $0x1380  }
0x33: {  	_ =	swait.ge @!p1 [sflag:s23], $0x1380  }
0x34: {  	[sflag:s23] =	ssyncset.done @!p1 $0x0  }
0x35: {  	s25 =	simm.s32 @!p0 $0x1C02;
	[sflag:s23] =	ssyncadd.s32 @!p1 $0xFFFFEC80  }
0x36: {  	[spmem:s15], [sflag:s25] =	dma.local @!p0 [hbm:s1], $0x80  }
0x37: {  	s25 =	simm.s32 @!p0 $0x2  }
0x38: {  	_ =	swait.ge @!p0 [sflag:s25], $0x80  }
0x39: {  	[sflag:s25] =	ssyncset.done @!p0 $0x0  }
0x3a: {  	[sflag:s25] =	ssyncadd.s32 @!p0 $0xFFFFFF80  }
0x3b: {  	[bflag:$0x0] =	sbarrier.arrive $0xFFFF  }
0x3c: {  	[tilespmem:s16], [sflag:$0x2] =	stream.linear.gather [hbm4b:s7+s3], $0x10, $0x38;
	[tilespmem:$0xBE40] =	vst v63  }
0x3d: {  	_ =	swait.ge [sflag:s17], $0x10  }
0x3e: {  	[sflag:s17] =	ssyncset.done $0x0  }
0x3f: {  	[sflag:s17] =	ssyncadd.s32 $0xFFFFFFF0  }
0x40: {  	v0 =	vld [tilespmem:$0x100];
	_ =	sdelay $0x4  }
0x41: {  	(v2sf) =	vpush v0, $0x0;
	_ =	sdelay $0xe  }
0x42: {  	s25 =	spop (v2sf)  }
0x43: {  	p2 =	slt.s32 s25, $0x1  }
.Ltmp2:
0x44: {  	_ = 	snop;
	(pc) =	sbr.rel @p2 .LBB2_6-.Ltmp2, $1  }
0x45: {  	_ =	sdelay $0x3  }
0x46: {  	p3 =	sne.s32 s25, $0x1  }
.Ltmp3:
0x47: {  	_ = 	snop;
	(pc) =	sbr.rel @!p3 .LBB2_5-.Ltmp3, $2  }
0x48: {  	_ =	sdelay $0x2  }
0x49: {  	s25 =	sadd.s32 $0xFFFFFFFF, s25;
	s28 =	sshrl.u32 s12, $0x3;
	p2 =	por $0x0, $0x0  }
0x4a: {  	s26 =	sadd.s32 s5, s28  }
0x4b: {  	[tilespmem:s3], [sflag:$0x2] =	stream.linear.gather [hbm4b:s26+s3], $0x40, $0x38;
	[tilespmem:$0xBE40] =	vst v63  }
0x4c: {  	_ =	swait.ge [sflag:s17], $0x40  }
0x4d: {  	[sflag:s17] =	ssyncset.done $0x0  }
0x4e: {  	s31 =	sadd.s32 s6, s28;
	[sflag:s17] =	ssyncadd.s32 $0xFFFFFFC0  }
0x4f: {  	[tilespmem:s18], [sflag:$0x2] =	stream.linear.gather [hbm4b:s31+s3], $0x40, $0x38;
	[tilespmem:$0xBE40] =	vst v63  }
0x50: {  	_ =	swait.ge [sflag:s17], $0x40  }
0x51: {  	[sflag:s17] =	ssyncset.done $0x0  }
0x52: {  	[sflag:s17] =	ssyncadd.s32 $0xFFFFFFC0  }
0x53: {  	[tilespmem:s20], [sflag:$0x1] =	stream.indirect.gather [hbm4b:s4+s19], $0x80, s3, s19, $0xb8;
	[tilespmem:$0xBE40] =	vst v63  }
0x54: {  	p3 =	sne.s32 s25, $0x1;
	_ =	swait.ge [sflag:s21], $0x2000  }
.Ltmp4:
0x55: {  	[sflag:s21] =	ssyncset.done $0x0;
	(pc) =	sbr.rel @!p3 .LBB2_5-.Ltmp4, $4  }
0x56: {  	[sflag:s21] =	ssyncadd.s32 $0xFFFFE000  }
0x57: {  	[spmem:s2] =	stream.indirect.scatter.add.f32 [tilespmem:s20], [sflag:$0x2], $0x80, s18, s19, $0xb8;
	[tilespmem:$0xBE40] =	vst v63  }
0x58: {  	s25 =	sadd.s32 $0xFFFFFFFF, s25;
	s26 =	sadd.s32 $0x40, s12;
	_ =	swait.ge [sflag:s17], $0x2000  }
0x59: {  	p2 =	por $0x1, $0x1;
	s28 =	sshrl.u32 s26, $0x3;
	[sflag:s17] =	ssyncset.done $0x0  }
.LBB2_4:
0x5a: {  	p3 =	sne.s32 s25, $0x1;
	s29 =	sadd.s32 s5, s28;
	[sflag:s17] =	ssyncadd.s32 $0xFFFFE000  }
0x5b: {  	[tilespmem:s3], [sflag:$0x2] =	stream.linear.gather [hbm4b:s29+s3], $0x40, $0x38;
	[tilespmem:$0xBE40] =	vst v63  }
0x5c: {  	s25 =	sadd.s32 $0xFFFFFFFF, s25;
	_ =	swait.ge [sflag:s17], $0x40  }
0x5d: {  	[sflag:s17] =	ssyncset.done $0x0  }
0x5e: {  	s28 =	sadd.s32 s6, s28;
	[sflag:s17] =	ssyncadd.s32 $0xFFFFFFC0  }
0x5f: {  	[tilespmem:s18], [sflag:$0x2] =	stream.linear.gather [hbm4b:s28+s3], $0x40, $0x38;
	[tilespmem:$0xBE40] =	vst v63  }
0x60: {  	_ =	swait.ge [sflag:s17], $0x40  }
0x61: {  	[sflag:s17] =	ssyncset.done $0x0  }
0x62: {  	[sflag:s17] =	ssyncadd.s32 $0xFFFFFFC0  }
0x63: {  	[tilespmem:s20], [sflag:$0x1] =	stream.indirect.gather [hbm4b:s4+s19], $0x80, s3, s19, $0xb8;
	[tilespmem:$0xBE40] =	vst v63  }
0x64: {  	_ =	swait.ge [sflag:s21], $0x2000  }
.Ltmp5:
0x65: {  	[sflag:s21] =	ssyncset.done $0x0;
	(pc) =	sbr.rel @p3 .LBB2_4-.Ltmp5, $4  }
0x66: {  	[sflag:s21] =	ssyncadd.s32 $0xFFFFE000  }
0x67: {  	[spmem:s2] =	stream.indirect.scatter.add.f32 [tilespmem:s20], [sflag:$0x2], $0x80, s18, s19, $0xb8;
	[tilespmem:$0xBE40] =	vst v63  }
0x68: {  	s26 =	sadd.s32 $0x40, s26;
	_ =	swait.ge [sflag:s17], $0x2000  }
0x69: {  	s28 =	sshrl.u32 s26, $0x3;
	[sflag:s17] =	ssyncset.done $0x0  }
.Ltmp6:
0x6a: {  	_ = 	snop;
	(pc) =	sbr.rel .LBB2_5-.Ltmp6, $1  }
0x6b: {  	_ =	sdelay $0x3  }
.LBB2_7:
0x6c: {  	_ =	sfence.sel $0x180000  }
0x6d: {  	[bflag:$0x0] =	sbarrier.arrive $0xFFFF  }
0x6e: {  	_ =	strace $0x90000050  }
0x6f: {  	s0 =	sadd.s32 @!p0 $0x100000, s0;
	[bflag:$0x2] =	sbarrier.arrive $0xFFFF  }
0x70: {  	[sflag:s0] =	ssyncadd.tile.s32 @!p0 $0x1;
	_ =	shalt  }
.Lfunc_end2:
_tile_overlayer_lowered:
.L_overlay_start_2:
0x71: {  	(tag) =	ssettag $0x2  }
0x72: {  	s0 =	rddreg [dreg:$0x0];
	s2 =	stileid.u32  }
0x73: {  	s1 =	rddreg [dreg:$0x1];
	p0 =	sne.s32 s2, $0x0  }
0x74: {  	s3 =	rddreg [dreg:$0x2];
	[bflag:$0x3] =	sbarrier.arrive $0xFFFF;
	s2 =	simm.s32 @!p0 $0x1C02  }
0x75: {  	[timem:s3], [sflag:s2] =	dma.local @!p0 [hbm:s0], s1  }
0x76: {  	s0 =	simm.s32 @!p0 $0x2  }
0x77: {  	_ =	swait.ge @!p0 [sflag:s0], s1  }
0x78: {  	s1 =	ssub.s32 @!p0 $0x0, s1;
	[sflag:s0] =	ssyncset.done @!p0 $0x0  }
0x79: {  	[sflag:s0] =	ssyncadd.s32 @!p0 s1  }
0x7a: {  	[bflag:$0x3] =	sbarrier.arrive $0xFFFF  }
0x7b: {  	_ =	shalt  }

</sc_bundles>
